<compile_context>
chip_gen: v7x
topology: tpu7x:2x2x1
jax: 0.10.2.dev20260603
libtpu: 0.0.44.dev20260713+nightly
codegen_flags: <defaults>
</compile_context>

<pallas_src>
import jax
import jax.numpy as jnp
from jax import lax
from jax.experimental import pallas as pl
from jax.experimental.pallas import tpu as pltpu
from jax.experimental.pallas import tpu_sc as plsc

NC, NS, L = 2, 16, 16
NW = NC * NS
G = 64

_MESH = dict(core_axis_name="c", subcore_axis_name="s", num_cores=NC,
             num_subcores=NS)
_SC_PARAMS = pltpu.CompilerParams(needs_layout_passes=False)


def _wid():
    return lax.axis_index("s") * NC + lax.axis_index("c")


def _zero(ref, n):
    @plsc.parallel_loop(0, n // L, unroll=8)
    def body(i):
        ref[pl.ds(i * L, L)] = jnp.zeros((L,), jnp.float32)


def _slw(n):
    s = -(-n // NS)
    s = -(-s // 16) * 16
    return s, NS * s


def _sc_deg(dst, ew, n):
    ep = dst.shape[0]
    c = ep // NW
    slw, np_ = _slw(n)

    def body(dst_hbm, ew_hbm, out_hbm, d_v, w_v, acc_v, sem1, sem2):
        wid = _wid()
        base = wid * c
        cp1 = pltpu.async_copy(dst_hbm.at[pl.ds(base, c)], d_v, sem1)
        cp2 = pltpu.async_copy(ew_hbm.at[pl.ds(base, c)], w_v, sem2)
        _zero(acc_v, np_)
        cp1.wait()
        cp2.wait()

        @plsc.parallel_loop(0, c // L, unroll=8)
        def step(i):
            sl = pl.ds(i * L, L)
            plsc.addupdate_scatter(acc_v, [d_v[sl]], w_v[sl])
        pltpu.sync_copy(acc_v, out_hbm.at[pl.ds(wid * np_, np_)])

    out = pl.kernel(
        body,
        out_type=jax.ShapeDtypeStruct((NW * np_,), jnp.float32),
        mesh=plsc.VectorSubcoreMesh(**_MESH),
        compiler_params=_SC_PARAMS,
        scratch_types=[
            pltpu.VMEM((c,), jnp.int32),
            pltpu.VMEM((c,), jnp.float32),
            pltpu.VMEM((np_,), jnp.float32),
            pltpu.SemaphoreType.DMA,
            pltpu.SemaphoreType.DMA,
        ],
    )(dst, ew)
    return out


def _sc_agg(src, dst, ew, degp, xf):
    ep = src.shape[0]
    c = ep // NW
    n = xf.shape[0] // 5
    slw, np_ = _slw(n)

    def body(src_hbm, dst_hbm, ew_hbm, degp_hbm, xf_hbm, norm_hbm, agg_hbm,
             dis_hbm, s_v, d_v, w_v, nrm_v, dis_v, tab0_v, tab1_v, acc0_v,
             acc1_v, acc2_v, acc3_v, acc5_v, big_v, dtmp_v, dis_sh,
             sem_in, sem_t0, sem_t1, sem_t2, sem_t3, sem_a, sem_a5, sem_dp):
        wid = _wid()
        sid = lax.axis_index("s")
        base = wid * c

        cps_dp = [pltpu.async_copy(
            degp_hbm.at[pl.ds(w * np_ + sid * slw, slw)],
            big_v.at[pl.ds(w * slw, slw)], sem_dp) for w in range(NW)]
        cp_s = pltpu.async_copy(src_hbm.at[pl.ds(base, c)], s_v, sem_in)
        cp_d = pltpu.async_copy(dst_hbm.at[pl.ds(base, c)], d_v, sem_in)
        cp_w = pltpu.async_copy(ew_hbm.at[pl.ds(base, c)], w_v, sem_in)
        cp_t0 = pltpu.async_copy(xf_hbm.at[pl.ds(0, n)], tab0_v, sem_t0)
        cp_t1 = pltpu.async_copy(xf_hbm.at[pl.ds(n, n)], tab1_v, sem_t1)
        _zero(acc0_v, n)
        _zero(acc1_v, n)
        _zero(acc2_v, n)
        _zero(acc3_v, n)
        _zero(acc5_v, n)
        for cp in cps_dp:
            cp.wait()

        @plsc.parallel_loop(0, slw // L, unroll=4)
        def dstep(j):
            s16 = big_v[pl.ds(j * L, L)]
            for w in range(1, NW):
                s16 = s16 + big_v[pl.ds(w * slw + j * L, L)]
            deg = s16 + 1.0
            ti = plsc.bitcast(deg, jnp.int32)
            y = plsc.bitcast(0x5F3759DF - (ti >> 1), jnp.float32)
            for _ in range(3):
                y = y * (1.5 - 0.5 * deg * y * y)
            dtmp_v[pl.ds(j * L, L)] = y
        pltpu.sync_copy(dtmp_v, dis_sh.at[pl.ds(sid * slw, slw)])

        @pl.when(lax.axis_index("c") == 0)
        def _():
            pltpu.sync_copy(dtmp_v, dis_hbm.at[pl.ds(sid * slw, slw)])

        tab2 = big_v.at[pl.ds(0, n)]
        tab3 = big_v.at[pl.ds((NW * slw) // 2, n)]
        cp_t2 = pltpu.async_copy(xf_hbm.at[pl.ds(2 * n, n)], tab2, sem_t2)
        cp_t3 = pltpu.async_copy(xf_hbm.at[pl.ds(3 * n, n)], tab3, sem_t3)
        plsc.subcore_barrier()
        pltpu.sync_copy(dis_sh, dis_v)
        cp_s.wait()
        cp_d.wait()
        cp_w.wait()

        @plsc.parallel_loop(0, c // L, unroll=8)
        def normstep(i):
            sl = pl.ds(i * L, L)
            dd_s = plsc.load_gather(dis_v, [s_v[sl]])
            dd_d = plsc.load_gather(dis_v, [d_v[sl]])
            nm = dd_s * w_v[sl] * dd_d
            nrm_v[sl] = nm
            plsc.addupdate_scatter(acc5_v, [d_v[sl]], nm)
        cp_n = pltpu.async_copy(nrm_v, norm_hbm.at[pl.ds(base, c)], sem_in)
        cp_a5 = pltpu.async_copy(
            acc5_v, agg_hbm.at[pl.ds(wid * 6 * n + 5 * n, n)], sem_a5)
        cp_t0.wait()
        cp_t1.wait()
        cp_t2.wait()
        cp_t3.wait()

        @plsc.parallel_loop(0, c // L, unroll=4)
        def stepB(i):
            sl = pl.ds(i * L, L)
            si = s_v[sl]
            di = d_v[sl]
            nm = nrm_v[sl]
            plsc.addupdate_scatter(
                acc0_v, [di], plsc.load_gather(tab0_v, [si]) * nm)
            plsc.addupdate_scatter(
                acc1_v, [di], plsc.load_gather(tab1_v, [si]) * nm)
            plsc.addupdate_scatter(
                acc2_v, [di], plsc.load_gather(tab2, [si]) * nm)
            plsc.addupdate_scatter(
                acc3_v, [di], plsc.load_gather(tab3, [si]) * nm)
        wb = [pltpu.async_copy(
            a, agg_hbm.at[pl.ds(wid * 6 * n + f * n, n)], sem_a)
            for f, a in enumerate((acc0_v, acc1_v, acc2_v, acc3_v))]

        cp_a5.wait()
        cp_t4 = pltpu.async_copy(xf_hbm.at[pl.ds(4 * n, n)], tab0_v, sem_t0)
        _zero(acc5_v, n)
        cp_t4.wait()

        @plsc.parallel_loop(0, c // L, unroll=8)
        def stepC(i):
            sl = pl.ds(i * L, L)
            plsc.addupdate_scatter(
                acc5_v, [d_v[sl]],
                plsc.load_gather(tab0_v, [s_v[sl]]) * nrm_v[sl])
        pltpu.sync_copy(acc5_v, agg_hbm.at[pl.ds(wid * 6 * n + 4 * n, n)])
        for cp in wb:
            cp.wait()
        cp_n.wait()

    normE, aggp, dis = pl.kernel(
        body,
        out_type=(jax.ShapeDtypeStruct((ep,), jnp.float32),
                  jax.ShapeDtypeStruct((NW * 6 * n,), jnp.float32),
                  jax.ShapeDtypeStruct((np_,), jnp.float32)),
        mesh=plsc.VectorSubcoreMesh(**_MESH),
        compiler_params=_SC_PARAMS,
        scratch_types=[
            pltpu.VMEM((c,), jnp.int32),
            pltpu.VMEM((c,), jnp.int32),
            pltpu.VMEM((c,), jnp.float32),
            pltpu.VMEM((c,), jnp.float32),
            pltpu.VMEM((np_,), jnp.float32),
            pltpu.VMEM((n,), jnp.float32),
            pltpu.VMEM((n,), jnp.float32),
            pltpu.VMEM((n,), jnp.float32),
            pltpu.VMEM((n,), jnp.float32),
            pltpu.VMEM((n,), jnp.float32),
            pltpu.VMEM((n,), jnp.float32),
            pltpu.VMEM((n,), jnp.float32),
            pltpu.VMEM((NW * slw,), jnp.float32),
            pltpu.VMEM((slw,), jnp.float32),
            pltpu.VMEM_SHARED((np_,), jnp.float32),
            pltpu.SemaphoreType.DMA,
            pltpu.SemaphoreType.DMA,
            pltpu.SemaphoreType.DMA,
            pltpu.SemaphoreType.DMA,
            pltpu.SemaphoreType.DMA,
            pltpu.SemaphoreType.DMA,
            pltpu.SemaphoreType.DMA,
            pltpu.SemaphoreType.DMA,
        ],
    )(src, dst, ew, degp, xf)
    return normE, aggp.reshape(NW, 6, n), dis[:n]


def _tc_dense(aggp, dis, xt, W0, b0, W1, b1, W2):
    n = aggp.shape[2]

    def body(aggp_ref, dis_ref, xt_ref, W0_ref, b0_ref, W1_ref, b1_ref,
             W2_ref, z_ref):
        agg = jnp.sum(aggp_ref[...], axis=0)
        dis = dis_ref[...]
        dis2 = dis * dis
        axT = agg[:5] + xt_ref[...] * dis2[None, :]
        a1 = agg[5] + dis2
        W01T = lax.dot_general(
            W1_ref[...], W0_ref[...], (((0,), (1,)), ((), ())),
            preferred_element_type=jnp.float32)
        bW1 = jnp.dot(b0_ref[...], W1_ref[...],
                      preferred_element_type=jnp.float32)
        h = lax.dot_general(W01T, axT, (((1,), (0,)), ((), ())),
                            preferred_element_type=jnp.float32)
        h = h + bW1[:, None] * a1[None, :] + b1_ref[...][:, None]
        h = jnp.maximum(h, 0.0)
        zT = lax.dot_general(W2_ref[...], h, (((0,), (0,)), ((), ())),
                             preferred_element_type=jnp.float32)
        z_ref[...] = zT[0]

    return pl.pallas_call(
        body, out_shape=jax.ShapeDtypeStruct((n,), jnp.float32))(
            aggp, dis, xt, W0, b0, W1, b1, W2)


def _sc_agg2(src, dst, normE, z):
    ep = src.shape[0]
    c = ep // NW
    n = z.shape[0]

    def body(src_hbm, dst_hbm, nrm_hbm, z_hbm, out_hbm,
             s_v, d_v, nrm_v, z_v, acc_v, sem_in):
        wid = _wid()
        base = wid * c
        cp_s = pltpu.async_copy(src_hbm.at[pl.ds(base, c)], s_v, sem_in)
        cp_d = pltpu.async_copy(dst_hbm.at[pl.ds(base, c)], d_v, sem_in)
        cp_n = pltpu.async_copy(nrm_hbm.at[pl.ds(base, c)], nrm_v, sem_in)
        cp_z = pltpu.async_copy(z_hbm, z_v, sem_in)
        _zero(acc_v, n)
        cp_s.wait()
        cp_d.wait()
        cp_n.wait()
        cp_z.wait()

        @plsc.parallel_loop(0, c // L, unroll=8)
        def step(i):
            sl = pl.ds(i * L, L)
            zs = plsc.load_gather(z_v, [s_v[sl]])
            plsc.addupdate_scatter(acc_v, [d_v[sl]], zs * nrm_v[sl])
        pltpu.sync_copy(acc_v, out_hbm.at[pl.ds(wid * n, n)])

    out = pl.kernel(
        body,
        out_type=jax.ShapeDtypeStruct((NW * n,), jnp.float32),
        mesh=plsc.VectorSubcoreMesh(**_MESH),
        compiler_params=_SC_PARAMS,
        scratch_types=[
            pltpu.VMEM((c,), jnp.int32),
            pltpu.VMEM((c,), jnp.int32),
            pltpu.VMEM((c,), jnp.float32),
            pltpu.VMEM((n,), jnp.float32),
            pltpu.VMEM((n,), jnp.float32),
            pltpu.SemaphoreType.DMA,
        ],
    )(src, dst, normE, z)
    return out.reshape(NW, n)


def _tc_softmax(out2p, dis, z, b2, batch):
    n = out2p.shape[1]
    b2r = jnp.reshape(b2, (1, 1))

    def body(op_ref, dis_ref, z_ref, b2_ref, batch_ref, out_ref):
        dis = dis_ref[...]
        o = (jnp.sum(op_ref[...], axis=0) + dis * dis * z_ref[...]
             + b2_ref[0, 0])
        seg = batch_ref[...]
        gids = lax.broadcasted_iota(jnp.int32, (G, n), 0)
        onehot = gids == seg[None, :]
        m = jnp.max(jnp.where(onehot, o[None, :], -jnp.inf), axis=1)
        mb = jnp.sum(jnp.where(onehot, m[:, None], 0.0), axis=0)
        e = jnp.exp(o - mb)
        den = jnp.sum(jnp.where(onehot, e[None, :], 0.0), axis=1)
        denb = jnp.sum(jnp.where(onehot, den[:, None], 0.0), axis=0)
        out_ref[...] = e / denb

    return pl.pallas_call(
        body, out_shape=jax.ShapeDtypeStruct((n,), jnp.float32))(
            out2p, dis, z, b2r, batch)


def kernel(x, edge_index, edge_attr, batch, W0, b0, W1, b1, W2, b2):
    n = x.shape[0]
    e = edge_attr.shape[0]
    src, dst = edge_index[0], edge_index[1]

    ep = -(-e // (NW * L)) * (NW * L)
    if ep != e:
        pad = ep - e
        src = jnp.concatenate([src, jnp.zeros((pad,), src.dtype)])
        dst = jnp.concatenate([dst, jnp.zeros((pad,), dst.dtype)])
        ew = jnp.concatenate([edge_attr, jnp.zeros((pad,), edge_attr.dtype)])
    else:
        ew = edge_attr
    xt = x.T
    xf = jnp.reshape(xt, (-1,))

    degp = _sc_deg(dst, ew, n)
    normE, aggp, dis = _sc_agg(src, dst, ew, degp, xf)
    z = _tc_dense(aggp, dis, xt, W0, b0, W1, b1, W2)
    out2p = _sc_agg2(src, dst, normE, z)
    return _tc_softmax(out2p, dis, z, b2, batch)

# --- scband reference (transcript-rebuilt; emitter-appended) ---
"""Pipeline reference for scband-gcn-74517682586152 (READ-ONLY COPY).

The authoritative reference and input builder live on the scoring server;
editing this copy changes nothing except your own understanding.
"""

import jax, jax.numpy as jnp
import numpy as np

N = 10000
E = 160000
G = 64
H0, H1 = 512, 256

def setup_inputs(seed: int = 0) -> dict:
    key = jax.random.key(seed)
    ks = jax.random.split(key, 12)
    x = jax.random.normal(ks[0], (N, 5), dtype=jnp.float32)
    edge_index = jax.random.randint(ks[1], (2, E), 0, N, dtype=jnp.int32)
    edge_attr = jax.random.uniform(ks[2], (E,), dtype=jnp.float32)
    batch = jnp.sort(jax.random.randint(ks[3], (N,), 0, G, dtype=jnp.int32))
    W0 = jax.random.normal(ks[4], (5, H0), dtype=jnp.float32) * 0.2
    b0 = jnp.zeros((H0,), dtype=jnp.float32)
    W1 = jax.random.normal(ks[5], (H0, H1), dtype=jnp.float32) * (1.0 / np.sqrt(H0))
    b1 = jnp.zeros((H1,), dtype=jnp.float32)
    W2 = jax.random.normal(ks[6], (H1, 1), dtype=jnp.float32) * (1.0 / np.sqrt(H1))
    b2 = jnp.zeros((1,), dtype=jnp.float32)
    return {"x": x, "edge_index": edge_index, "edge_attr": edge_attr, "batch": batch,
            "W0": W0, "b0": b0, "W1": W1, "b1": b1, "W2": W2, "b2": b2}

def gcn_conv(x, src, dst, ew, W, b, num_nodes):
    # h = lin(x)
    h = x @ W
    # add self loops with weight 1 (PyG GCNConv default fill_value=1)
    loop = jnp.arange(num_nodes, dtype=src.dtype)
    s = jnp.concatenate([src, loop])
    d = jnp.concatenate([dst, loop])
    w = jnp.concatenate([ew, jnp.ones((num_nodes,), dtype=ew.dtype)])
    # gcn_norm: deg over target (col) nodes
    deg = jax.ops.segment_sum(w, d, num_segments=num_nodes)
    dis = jnp.where(deg > 0, deg ** -0.5, 0.0)
    norm = dis[s] * w * dis[d]
    msg = h[s] * norm[:, None]
    out = jax.ops.segment_sum(msg, d, num_segments=num_nodes)
    return out + b

def segment_softmax(x, seg, num_segments):
    m = jax.ops.segment_max(x, seg, num_segments=num_segments)
    e = jnp.exp(x - m[seg])
    den = jax.ops.segment_sum(e, seg, num_segments=num_segments)
    return e / den[seg]

def reference(x, edge_index, edge_attr, batch, W0, b0, W1, b1, W2, b2):
    src, dst = edge_index[0], edge_index[1]
    h = x @ W0 + b0
    h = gcn_conv(h, src, dst, edge_attr, W1, b1, N)
    h = jax.nn.relu(h)
    h = gcn_conv(h, src, dst, edge_attr, W2, b2, N)
    out = segment_softmax(h, batch, G)
    return jnp.squeeze(out)

if __name__ == "__main__":
    import jax
    _d = setup_inputs()
    print(jax.jit(kernel)(*tuple(_d.values())))

</pallas_src>

<mosaic_0001>
#map = affine_map<(d0, d1) -> (0)>
module attributes {stable_mosaic.version = 14 : i64} {
  func.func @body(%arg0: i32, %arg1: i32, %arg2: memref<160256xi32, #tpu.memory_space<hbm>>, %arg3: memref<160256xi32, #tpu.memory_space<hbm>>, %arg4: memref<160256xf32, #tpu.memory_space<hbm>>, %arg5: memref<10000xf32, #tpu.memory_space<hbm>>, %arg6: memref<320000xf32, #tpu.memory_space<hbm>>, %arg7: memref<5008xi32, #tpu.memory_space<vmem>>, %arg8: memref<5008xi32, #tpu.memory_space<vmem>>, %arg9: memref<5008xf32, #tpu.memory_space<vmem>>, %arg10: memref<10000xf32, #tpu.memory_space<vmem>>, %arg11: memref<10000xf32, #tpu.memory_space<vmem>>, %arg12: memref<!tpu.dma_semaphore, #tpu.memory_space<semaphore_mem>>) attributes {dimension_semantics = [#tpu.dimension_semantics<core_parallel>, #tpu.dimension_semantics<subcore_parallel>], iteration_bounds = array<i64: 2, 16>, scalar_prefetch = 0 : i64, scratch_operands = 6 : i64, tpu.core_type = #tpu.core_type<sc_vector_subcore>, window_params = [{transform_indices = #map}, {transform_indices = #map}, {transform_indices = #map}, {transform_indices = #map}, {transform_indices = #map}]} {
    %mul3A = arith.constant 2 : i32
    %mul3A_0 = arith.muli %arg1, %mul3A : i32
    %add3A = arith.addi %mul3A_0, %arg0 : i32
    %mul3A_1 = arith.constant 5008 : i32
    %mul3A_2 = arith.muli %add3A, %mul3A_1 : i32
    %dma_start3A = tpu.memref_slice %arg2[%mul3A_2] : memref<160256xi32, #tpu.memory_space<hbm>> -> memref<5008xi32, #tpu.memory_space<hbm>>
    %dma_start3A_3 = tpu.memref_slice %arg2[%mul3A_2] : memref<160256xi32, #tpu.memory_space<hbm>> -> memref<5008xi32, #tpu.memory_space<hbm>>
    tpu.enqueue_dma source(%dma_start3A_3 : memref<5008xi32, #tpu.memory_space<hbm>>) target(%arg7 : memref<5008xi32, #tpu.memory_space<vmem>>) target_semaphore(%arg12 : memref<!tpu.dma_semaphore, #tpu.memory_space<semaphore_mem>>)
    %dma_start3A_4 = tpu.memref_slice %arg3[%mul3A_2] : memref<160256xi32, #tpu.memory_space<hbm>> -> memref<5008xi32, #tpu.memory_space<hbm>>
    %dma_start3A_5 = tpu.memref_slice %arg3[%mul3A_2] : memref<160256xi32, #tpu.memory_space<hbm>> -> memref<5008xi32, #tpu.memory_space<hbm>>
    tpu.enqueue_dma source(%dma_start3A_5 : memref<5008xi32, #tpu.memory_space<hbm>>) target(%arg8 : memref<5008xi32, #tpu.memory_space<vmem>>) target_semaphore(%arg12 : memref<!tpu.dma_semaphore, #tpu.memory_space<semaphore_mem>>)
    %dma_start3A_6 = tpu.memref_slice %arg4[%mul3A_2] : memref<160256xf32, #tpu.memory_space<hbm>> -> memref<5008xf32, #tpu.memory_space<hbm>>
    %dma_start3A_7 = tpu.memref_slice %arg4[%mul3A_2] : memref<160256xf32, #tpu.memory_space<hbm>> -> memref<5008xf32, #tpu.memory_space<hbm>>
    tpu.enqueue_dma source(%dma_start3A_7 : memref<5008xf32, #tpu.memory_space<hbm>>) target(%arg9 : memref<5008xf32, #tpu.memory_space<vmem>>) target_semaphore(%arg12 : memref<!tpu.dma_semaphore, #tpu.memory_space<semaphore_mem>>)
    tpu.enqueue_dma source(%arg5 : memref<10000xf32, #tpu.memory_space<hbm>>) target(%arg10 : memref<10000xf32, #tpu.memory_space<vmem>>) target_semaphore(%arg12 : memref<!tpu.dma_semaphore, #tpu.memory_space<semaphore_mem>>)
    %parallel_loop3A = arith.constant 0 : i32
    %parallel_loop3A_8 = arith.constant 625 : i32
    %parallel_loop3A_9 = arith.constant 1 : i32
    scf.for %parallel_loop3A_20 = %parallel_loop3A to %parallel_loop3A_8 step %parallel_loop3A_9  : i32 {
      %parallel_loop3A_21 = arith.constant 0.000000e+00 : f32
      %parallel_loop3A_22 = vector.broadcast %parallel_loop3A_21 : f32 to vector<16xf32>
      %parallel_loop3A_23 = arith.constant 16 : i32
      %parallel_loop3A_24 = arith.muli %parallel_loop3A_20, %parallel_loop3A_23 : i32
      %parallel_loop3A_25 = arith.index_cast %parallel_loop3A_24 : i32 to index
      %parallel_loop3A_26 = tpu.vector_load %arg11[%parallel_loop3A_25] {strides = array<i32>} : memref<10000xf32, #tpu.memory_space<vmem>>, vector<16xf32>,
      tpu.vector_store %arg11[%parallel_loop3A_25], %parallel_loop3A_22 {strides = array<i32>} : memref<10000xf32, #tpu.memory_space<vmem>>, vector<16xf32>,
    } {sc.loop_unroll_factor = 8 : i64, sc.parallel_access}
    %dma_wait3A = tpu.memref_slice %arg2[%mul3A_2] : memref<160256xi32, #tpu.memory_space<hbm>> -> memref<5008xi32, #tpu.memory_space<hbm>>
    %dma_wait3A_10 = tpu.memref_slice %arg2[%mul3A_2] : memref<160256xi32, #tpu.memory_space<hbm>> -> memref<5008xi32, #tpu.memory_space<hbm>>
    tpu.wait_dma2 semaphore(%arg12 : memref<!tpu.dma_semaphore, #tpu.memory_space<semaphore_mem>>) src(%dma_wait3A_10 : memref<5008xi32, #tpu.memory_space<hbm>>) dst(%arg7 : memref<5008xi32, #tpu.memory_space<vmem>>)
    %dma_wait3A_11 = tpu.memref_slice %arg3[%mul3A_2] : memref<160256xi32, #tpu.memory_space<hbm>> -> memref<5008xi32, #tpu.memory_space<hbm>>
    %dma_wait3A_12 = tpu.memref_slice %arg3[%mul3A_2] : memref<160256xi32, #tpu.memory_space<hbm>> -> memref<5008xi32, #tpu.memory_space<hbm>>
    tpu.wait_dma2 semaphore(%arg12 : memref<!tpu.dma_semaphore, #tpu.memory_space<semaphore_mem>>) src(%dma_wait3A_12 : memref<5008xi32, #tpu.memory_space<hbm>>) dst(%arg8 : memref<5008xi32, #tpu.memory_space<vmem>>)
    %dma_wait3A_13 = tpu.memref_slice %arg4[%mul3A_2] : memref<160256xf32, #tpu.memory_space<hbm>> -> memref<5008xf32, #tpu.memory_space<hbm>>
    %dma_wait3A_14 = tpu.memref_slice %arg4[%mul3A_2] : memref<160256xf32, #tpu.memory_space<hbm>> -> memref<5008xf32, #tpu.memory_space<hbm>>
    tpu.wait_dma2 semaphore(%arg12 : memref<!tpu.dma_semaphore, #tpu.memory_space<semaphore_mem>>) src(%dma_wait3A_14 : memref<5008xf32, #tpu.memory_space<hbm>>) dst(%arg9 : memref<5008xf32, #tpu.memory_space<vmem>>)
    tpu.wait_dma2 semaphore(%arg12 : memref<!tpu.dma_semaphore, #tpu.memory_space<semaphore_mem>>) src(%arg5 : memref<10000xf32, #tpu.memory_space<hbm>>) dst(%arg10 : memref<10000xf32, #tpu.memory_space<vmem>>)
    %parallel_loop3A_15 = arith.constant 0 : i32
    %parallel_loop3A_16 = arith.constant 313 : i32
    %parallel_loop3A_17 = arith.constant 1 : i32
    scf.for %parallel_loop3A_20 = %parallel_loop3A_15 to %parallel_loop3A_16 step %parallel_loop3A_17  : i32 {
      %parallel_loop3A_21 = arith.constant 16 : i32
      %parallel_loop3A_22 = arith.muli %parallel_loop3A_20, %parallel_loop3A_21 : i32
      %parallel_loop3A_23 = arith.index_cast %parallel_loop3A_22 : i32 to index
      %parallel_loop3A_24 = tpu.vector_load %arg7[%parallel_loop3A_23] {strides = array<i32>} : memref<5008xi32, #tpu.memory_space<vmem>>, vector<16xi32>,
      %parallel_loop3A_25 = tpu.vector_load_idx %arg10[%parallel_loop3A_24] : memref<10000xf32, #tpu.memory_space<vmem>>[vector<16xi32>], vector<16xf32>,
      %parallel_loop3A_26 = arith.index_cast %parallel_loop3A_22 : i32 to index
      %parallel_loop3A_27 = tpu.vector_load %arg8[%parallel_loop3A_26] {strides = array<i32>} : memref<5008xi32, #tpu.memory_space<vmem>>, vector<16xi32>,
      %parallel_loop3A_28 = arith.index_cast %parallel_loop3A_22 : i32 to index
      %parallel_loop3A_29 = tpu.vector_load %arg9[%parallel_loop3A_28] {strides = array<i32>} : memref<5008xf32, #tpu.memory_space<vmem>>, vector<16xf32>,
      %parallel_loop3A_30 = arith.mulf %parallel_loop3A_25, %parallel_loop3A_29 : vector<16xf32>
      tpu.vector_store_idx %arg11[%parallel_loop3A_27], %parallel_loop3A_30 {add = true} : memref<10000xf32, #tpu.memory_space<vmem>>[vector<16xi32>], vector<16xf32>,
    } {sc.loop_unroll_factor = 8 : i64, sc.parallel_access}
    %mul3A_18 = arith.constant 10000 : i32
    %mul3A_19 = arith.muli %add3A, %mul3A_18 : i32
    "tpu.region"() ({
      %run_scoped3A = tpu.sem_alloc : memref<!tpu.dma_semaphore, #tpu.memory_space<semaphore_mem>>
      %dma_start3A_20 = tpu.memref_slice %arg6[%mul3A_19] : memref<320000xf32, #tpu.memory_space<hbm>> -> memref<10000xf32, #tpu.memory_space<hbm>>
      %dma_start3A_21 = tpu.memref_slice %arg6[%mul3A_19] : memref<320000xf32, #tpu.memory_space<hbm>> -> memref<10000xf32, #tpu.memory_space<hbm>>
      tpu.enqueue_dma source(%arg11 : memref<10000xf32, #tpu.memory_space<vmem>>) target(%dma_start3A_21 : memref<10000xf32, #tpu.memory_space<hbm>>) target_semaphore(%run_scoped3A : memref<!tpu.dma_semaphore, #tpu.memory_space<semaphore_mem>>)
      %dma_wait3A_22 = tpu.memref_slice %arg6[%mul3A_19] : memref<320000xf32, #tpu.memory_space<hbm>> -> memref<10000xf32, #tpu.memory_space<hbm>>
      %dma_wait3A_23 = tpu.memref_slice %arg6[%mul3A_19] : memref<320000xf32, #tpu.memory_space<hbm>> -> memref<10000xf32, #tpu.memory_space<hbm>>
      tpu.wait_dma2 semaphore(%run_scoped3A : memref<!tpu.dma_semaphore, #tpu.memory_space<semaphore_mem>>) src(%arg11 : memref<10000xf32, #tpu.memory_space<vmem>>) dst(%dma_wait3A_23 : memref<10000xf32, #tpu.memory_space<hbm>>)
      tpu.yield
    }) : () -> ()
    return
  }
}

#map = affine_map<(d0, d1) -> (0)>
module attributes {stable_mosaic.version = 14 : i64} {
  func.func @body(%arg0: i32, %arg1: i32, %arg2: memref<160256xi32, #tpu.memory_space<hbm>>, %arg3: memref<160256xf32, #tpu.memory_space<hbm>>, %arg4: memref<327680xf32, #tpu.memory_space<hbm>>, %arg5: memref<5008xi32, #tpu.memory_space<vmem>>, %arg6: memref<5008xf32, #tpu.memory_space<vmem>>, %arg7: memref<10240xf32, #tpu.memory_space<vmem>>, %arg8: memref<!tpu.dma_semaphore, #tpu.memory_space<semaphore_mem>>, %arg9: memref<!tpu.dma_semaphore, #tpu.memory_space<semaphore_mem>>) attributes {dimension_semantics = [#tpu.dimension_semantics<core_parallel>, #tpu.dimension_semantics<subcore_parallel>], iteration_bounds = array<i64: 2, 16>, scalar_prefetch = 0 : i64, scratch_operands = 5 : i64, tpu.core_type = #tpu.core_type<sc_vector_subcore>, window_params = [{transform_indices = #map}, {transform_indices = #map}, {transform_indices = #map}]} {
    %mul3A = arith.constant 2 : i32
    %mul3A_0 = arith.muli %arg1, %mul3A : i32
    %add3A = arith.addi %mul3A_0, %arg0 : i32
    %mul3A_1 = arith.constant 5008 : i32
    %mul3A_2 = arith.muli %add3A, %mul3A_1 : i32
    %dma_start3A = tpu.memref_slice %arg2[%mul3A_2] : memref<160256xi32, #tpu.memory_space<hbm>> -> memref<5008xi32, #tpu.memory_space<hbm>>
    %dma_start3A_3 = tpu.memref_slice %arg2[%mul3A_2] : memref<160256xi32, #tpu.memory_space<hbm>> -> memref<5008xi32, #tpu.memory_space<hbm>>
    tpu.enqueue_dma source(%dma_start3A_3 : memref<5008xi32, #tpu.memory_space<hbm>>) target(%arg5 : memref<5008xi32, #tpu.memory_space<vmem>>) target_semaphore(%arg8 : memref<!tpu.dma_semaphore, #tpu.memory_space<semaphore_mem>>)
    %dma_start3A_4 = tpu.memref_slice %arg3[%mul3A_2] : memref<160256xf32, #tpu.memory_space<hbm>> -> memref<5008xf32, #tpu.memory_space<hbm>>
    %dma_start3A_5 = tpu.memref_slice %arg3[%mul3A_2] : memref<160256xf32, #tpu.memory_space<hbm>> -> memref<5008xf32, #tpu.memory_space<hbm>>
    tpu.enqueue_dma source(%dma_start3A_5 : memref<5008xf32, #tpu.memory_space<hbm>>) target(%arg6 : memref<5008xf32, #tpu.memory_space<vmem>>) target_semaphore(%arg9 : memref<!tpu.dma_semaphore, #tpu.memory_space<semaphore_mem>>)
    %parallel_loop3A = arith.constant 0 : i32
    %parallel_loop3A_6 = arith.constant 640 : i32
    %parallel_loop3A_7 = arith.constant 1 : i32
    scf.for %parallel_loop3A_16 = %parallel_loop3A to %parallel_loop3A_6 step %parallel_loop3A_7  : i32 {
      %parallel_loop3A_17 = arith.constant 0.000000e+00 : f32
      %parallel_loop3A_18 = vector.broadcast %parallel_loop3A_17 : f32 to vector<16xf32>
      %parallel_loop3A_19 = arith.constant 16 : i32
      %parallel_loop3A_20 = arith.muli %parallel_loop3A_16, %parallel_loop3A_19 : i32
      %parallel_loop3A_21 = arith.index_cast %parallel_loop3A_20 : i32 to index
      %parallel_loop3A_22 = tpu.vector_load %arg7[%parallel_loop3A_21] {strides = array<i32>} : memref<10240xf32, #tpu.memory_space<vmem>>, vector<16xf32>,
      tpu.vector_store %arg7[%parallel_loop3A_21], %parallel_loop3A_18 {strides = array<i32>} : memref<10240xf32, #tpu.memory_space<vmem>>, vector<16xf32>,
    } {sc.loop_unroll_factor = 8 : i64, sc.parallel_access}
    %dma_wait3A = tpu.memref_slice %arg2[%mul3A_2] : memref<160256xi32, #tpu.memory_space<hbm>> -> memref<5008xi32, #tpu.memory_space<hbm>>
    %dma_wait3A_8 = tpu.memref_slice %arg2[%mul3A_2] : memref<160256xi32, #tpu.memory_space<hbm>> -> memref<5008xi32, #tpu.memory_space<hbm>>
    tpu.wait_dma2 semaphore(%arg8 : memref<!tpu.dma_semaphore, #tpu.memory_space<semaphore_mem>>) src(%dma_wait3A_8 : memref<5008xi32, #tpu.memory_space<hbm>>) dst(%arg5 : memref<5008xi32, #tpu.memory_space<vmem>>)
    %dma_wait3A_9 = tpu.memref_slice %arg3[%mul3A_2] : memref<160256xf32, #tpu.memory_space<hbm>> -> memref<5008xf32, #tpu.memory_space<hbm>>
    %dma_wait3A_10 = tpu.memref_slice %arg3[%mul3A_2] : memref<160256xf32, #tpu.memory_space<hbm>> -> memref<5008xf32, #tpu.memory_space<hbm>>
    tpu.wait_dma2 semaphore(%arg9 : memref<!tpu.dma_semaphore, #tpu.memory_space<semaphore_mem>>) src(%dma_wait3A_10 : memref<5008xf32, #tpu.memory_space<hbm>>) dst(%arg6 : memref<5008xf32, #tpu.memory_space<vmem>>)
    %parallel_loop3A_11 = arith.constant 0 : i32
    %parallel_loop3A_12 = arith.constant 313 : i32
    %parallel_loop3A_13 = arith.constant 1 : i32
    scf.for %parallel_loop3A_16 = %parallel_loop3A_11 to %parallel_loop3A_12 step %parallel_loop3A_13  : i32 {
      %parallel_loop3A_17 = arith.constant 16 : i32
      %parallel_loop3A_18 = arith.muli %parallel_loop3A_16, %parallel_loop3A_17 : i32
      %parallel_loop3A_19 = arith.index_cast %parallel_loop3A_18 : i32 to index
      %parallel_loop3A_20 = tpu.vector_load %arg5[%parallel_loop3A_19] {strides = array<i32>} : memref<5008xi32, #tpu.memory_space<vmem>>, vector<16xi32>,
      %parallel_loop3A_21 = arith.index_cast %parallel_loop3A_18 : i32 to index
      %parallel_loop3A_22 = tpu.vector_load %arg6[%parallel_loop3A_21] {strides = array<i32>} : memref<5008xf32, #tpu.memory_space<vmem>>, vector<16xf32>,
      tpu.vector_store_idx %arg7[%parallel_loop3A_20], %parallel_loop3A_22 {add = true} : memref<10240xf32, #tpu.memory_space<vmem>>[vector<16xi32>], vector<16xf32>,
    } {sc.loop_unroll_factor = 8 : i64, sc.parallel_access}
    %mul3A_14 = arith.constant 10240 : i32
    %mul3A_15 = arith.muli %add3A, %mul3A_14 : i32
    "tpu.region"() ({
      %run_scoped3A = tpu.sem_alloc : memref<!tpu.dma_semaphore, #tpu.memory_space<semaphore_mem>>
      %dma_start3A_16 = tpu.memref_slice %arg4[%mul3A_15] : memref<327680xf32, #tpu.memory_space<hbm>> -> memref<10240xf32, #tpu.memory_space<hbm>>
      %dma_start3A_17 = tpu.memref_slice %arg4[%mul3A_15] : memref<327680xf32, #tpu.memory_space<hbm>> -> memref<10240xf32, #tpu.memory_space<hbm>>
      tpu.enqueue_dma source(%arg7 : memref<10240xf32, #tpu.memory_space<vmem>>) target(%dma_start3A_17 : memref<10240xf32, #tpu.memory_space<hbm>>) target_semaphore(%run_scoped3A : memref<!tpu.dma_semaphore, #tpu.memory_space<semaphore_mem>>)
      %dma_wait3A_18 = tpu.memref_slice %arg4[%mul3A_15] : memref<327680xf32, #tpu.memory_space<hbm>> -> memref<10240xf32, #tpu.memory_space<hbm>>
      %dma_wait3A_19 = tpu.memref_slice %arg4[%mul3A_15] : memref<327680xf32, #tpu.memory_space<hbm>> -> memref<10240xf32, #tpu.memory_space<hbm>>
      tpu.wait_dma2 semaphore(%run_scoped3A : memref<!tpu.dma_semaphore, #tpu.memory_space<semaphore_mem>>) src(%arg7 : memref<10240xf32, #tpu.memory_space<vmem>>) dst(%dma_wait3A_19 : memref<10240xf32, #tpu.memory_space<hbm>>)
      tpu.yield
    }) : () -> ()
    return
  }
}

#map = affine_map<(d0, d1) -> (0)>
module attributes {stable_mosaic.version = 14 : i64} {
  func.func @body(%arg0: i32, %arg1: i32, %arg2: memref<160256xi32, #tpu.memory_space<hbm>>, %arg3: memref<160256xi32, #tpu.memory_space<hbm>>, %arg4: memref<160256xf32, #tpu.memory_space<hbm>>, %arg5: memref<327680xf32, #tpu.memory_space<hbm>>, %arg6: memref<50000xf32, #tpu.memory_space<hbm>>, %arg7: memref<160256xf32, #tpu.memory_space<hbm>>, %arg8: memref<1920000xf32, #tpu.memory_space<hbm>>, %arg9: memref<10240xf32, #tpu.memory_space<hbm>>, %arg10: memref<5008xi32, #tpu.memory_space<vmem>>, %arg11: memref<5008xi32, #tpu.memory_space<vmem>>, %arg12: memref<5008xf32, #tpu.memory_space<vmem>>, %arg13: memref<5008xf32, #tpu.memory_space<vmem>>, %arg14: memref<10240xf32, #tpu.memory_space<vmem>>, %arg15: memref<10000xf32, #tpu.memory_space<vmem>>, %arg16: memref<10000xf32, #tpu.memory_space<vmem>>, %arg17: memref<10000xf32, #tpu.memory_space<vmem>>, %arg18: memref<10000xf32, #tpu.memory_space<vmem>>, %arg19: memref<10000xf32, #tpu.memory_space<vmem>>, %arg20: memref<10000xf32, #tpu.memory_space<vmem>>, %arg21: memref<10000xf32, #tpu.memory_space<vmem>>, %arg22: memref<20480xf32, #tpu.memory_space<vmem>>, %arg23: memref<640xf32, #tpu.memory_space<vmem>>, %arg24: memref<10240xf32, #tpu.memory_space<vmem_shared>>, %arg25: memref<!tpu.dma_semaphore, #tpu.memory_space<semaphore_mem>>, %arg26: memref<!tpu.dma_semaphore, #tpu.memory_space<semaphore_mem>>, %arg27: memref<!tpu.dma_semaphore, #tpu.memory_space<semaphore_mem>>, %arg28: memref<!tpu.dma_semaphore, #tpu.memory_space<semaphore_mem>>, %arg29: memref<!tpu.dma_semaphore, #tpu.memory_space<semaphore_mem>>, %arg30: memref<!tpu.dma_semaphore, #tpu.memory_space<semaphore_mem>>, %arg31: memref<!tpu.dma_semaphore, #tpu.memory_space<semaphore_mem>>, %arg32: memref<!tpu.dma_semaphore, #tpu.memory_space<semaphore_mem>>) attributes {dimension_semantics = [#tpu.dimension_semantics<core_parallel>, #tpu.dimension_semantics<subcore_parallel>], iteration_bounds = array<i64: 2, 16>, scalar_prefetch = 0 : i64, scratch_operands = 23 : i64, tpu.core_type = #tpu.core_type<sc_vector_subcore>, window_params = [{transform_indices = #map}, {transform_indices = #map}, {transform_indices = #map}, {transform_indices = #map}, {transform_indices = #map}, {transform_indices = #map}, {transform_indices = #map}, {transform_indices = #map}]} {
    %mul3A = arith.constant 2 : i32
    %mul3A_0 = arith.muli %arg1, %mul3A : i32
    %add3A = arith.addi %mul3A_0, %arg0 : i32
    %mul3A_1 = arith.constant 5008 : i32
    %mul3A_2 = arith.muli %add3A, %mul3A_1 : i32
    %mul3A_3 = arith.constant 640 : i32
    %mul3A_4 = arith.muli %arg1, %mul3A_3 : i32
    %add3A_5 = arith.constant 0 : i32
    %add3A_6 = arith.addi %add3A_5, %mul3A_4 : i32
    %dma_start3A = arith.constant 0 : i32
    %dma_start3A_7 = tpu.memref_slice %arg22[%dma_start3A] : memref<20480xf32, #tpu.memory_space<vmem>> -> memref<640xf32, #tpu.memory_space<vmem>>
    %dma_start3A_8 = tpu.memref_slice %arg5[%add3A_6] : memref<327680xf32, #tpu.memory_space<hbm>> -> memref<640xf32, #tpu.memory_space<hbm>>
    %dma_start3A_9 = arith.constant 0 : i32
    %dma_start3A_10 = tpu.memref_slice %arg22[%dma_start3A_9] : memref<20480xf32, #tpu.memory_space<vmem>> -> memref<640xf32, #tpu.memory_space<vmem>>
    %dma_start3A_11 = tpu.memref_slice %arg5[%add3A_6] : memref<327680xf32, #tpu.memory_space<hbm>> -> memref<640xf32, #tpu.memory_space<hbm>>
    tpu.enqueue_dma source(%dma_start3A_11 : memref<640xf32, #tpu.memory_space<hbm>>) target(%dma_start3A_10 : memref<640xf32, #tpu.memory_space<vmem>>) target_semaphore(%arg32 : memref<!tpu.dma_semaphore, #tpu.memory_space<semaphore_mem>>)
    %mul3A_12 = arith.constant 640 : i32
    %mul3A_13 = arith.muli %arg1, %mul3A_12 : i32
    %add3A_14 = arith.constant 10240 : i32
    %add3A_15 = arith.addi %add3A_14, %mul3A_13 : i32
    %dma_start3A_16 = arith.constant 640 : i32
    %dma_start3A_17 = tpu.memref_slice %arg22[%dma_start3A_16] : memref<20480xf32, #tpu.memory_space<vmem>> -> memref<640xf32, #tpu.memory_space<vmem>>
    %dma_start3A_18 = tpu.memref_slice %arg5[%add3A_15] : memref<327680xf32, #tpu.memory_space<hbm>> -> memref<640xf32, #tpu.memory_space<hbm>>
    %dma_start3A_19 = arith.constant 640 : i32
    %dma_start3A_20 = tpu.memref_slice %arg22[%dma_start3A_19] : memref<20480xf32, #tpu.memory_space<vmem>> -> memref<640xf32, #tpu.memory_space<vmem>>
    %dma_start3A_21 = tpu.memref_slice %arg5[%add3A_15] : memref<327680xf32, #tpu.memory_space<hbm>> -> memref<640xf32, #tpu.memory_space<hbm>>
    tpu.enqueue_dma source(%dma_start3A_21 : memref<640xf32, #tpu.memory_space<hbm>>) target(%dma_start3A_20 : memref<640xf32, #tpu.memory_space<vmem>>) target_semaphore(%arg32 : memref<!tpu.dma_semaphore, #tpu.memory_space<semaphore_mem>>)
    %mul3A_22 = arith.constant 640 : i32
    %mul3A_23 = arith.muli %arg1, %mul3A_22 : i32
    %add3A_24 = arith.constant 20480 : i32
    %add3A_25 = arith.addi %add3A_24, %mul3A_23 : i32
    %dma_start3A_26 = arith.constant 1280 : i32
    %dma_start3A_27 = tpu.memref_slice %arg22[%dma_start3A_26] : memref<20480xf32, #tpu.memory_space<vmem>> -> memref<640xf32, #tpu.memory_space<vmem>>
    %dma_start3A_28 = tpu.memref_slice %arg5[%add3A_25] : memref<327680xf32, #tpu.memory_space<hbm>> -> memref<640xf32, #tpu.memory_space<hbm>>
    %dma_start3A_29 = arith.constant 1280 : i32
    %dma_start3A_30 = tpu.memref_slice %arg22[%dma_start3A_29] : memref<20480xf32, #tpu.memory_space<vmem>> -> memref<640xf32, #tpu.memory_space<vmem>>
    %dma_start3A_31 = tpu.memref_slice %arg5[%add3A_25] : memref<327680xf32, #tpu.memory_space<hbm>> -> memref<640xf32, #tpu.memory_space<hbm>>
    tpu.enqueue_dma source(%dma_start3A_31 : memref<640xf32, #tpu.memory_space<hbm>>) target(%dma_start3A_30 : memref<640xf32, #tpu.memory_space<vmem>>) target_semaphore(%arg32 : memref<!tpu.dma_semaphore, #tpu.memory_space<semaphore_mem>>)
    %mul3A_32 = arith.constant 640 : i32
    %mul3A_33 = arith.muli %arg1, %mul3A_32 : i32
    %add3A_34 = arith.constant 30720 : i32
    %add3A_35 = arith.addi %add3A_34, %mul3A_33 : i32
    %dma_start3A_36 = arith.constant 1920 : i32
    %dma_start3A_37 = tpu.memref_slice %arg22[%dma_start3A_36] : memref<20480xf32, #tpu.memory_space<vmem>> -> memref<640xf32, #tpu.memory_space<vmem>>
    %dma_start3A_38 = tpu.memref_slice %arg5[%add3A_35] : memref<327680xf32, #tpu.memory_space<hbm>> -> memref<640xf32, #tpu.memory_space<hbm>>
    %dma_start3A_39 = arith.constant 1920 : i32
    %dma_start3A_40 = tpu.memref_slice %arg22[%dma_start3A_39] : memref<20480xf32, #tpu.memory_space<vmem>> -> memref<640xf32, #tpu.memory_space<vmem>>
    %dma_start3A_41 = tpu.memref_slice %arg5[%add3A_35] : memref<327680xf32, #tpu.memory_space<hbm>> -> memref<640xf32, #tpu.memory_space<hbm>>
    tpu.enqueue_dma source(%dma_start3A_41 : memref<640xf32, #tpu.memory_space<hbm>>) target(%dma_start3A_40 : memref<640xf32, #tpu.memory_space<vmem>>) target_semaphore(%arg32 : memref<!tpu.dma_semaphore, #tpu.memory_space<semaphore_mem>>)
    %mul3A_42 = arith.constant 640 : i32
    %mul3A_43 = arith.muli %arg1, %mul3A_42 : i32
    %add3A_44 = arith.constant 40960 : i32
    %add3A_45 = arith.addi %add3A_44, %mul3A_43 : i32
    %dma_start3A_46 = arith.constant 2560 : i32
    %dma_start3A_47 = tpu.memref_slice %arg22[%dma_start3A_46] : memref<20480xf32, #tpu.memory_space<vmem>> -> memref<640xf32, #tpu.memory_space<vmem>>
    %dma_start3A_48 = tpu.memref_slice %arg5[%add3A_45] : memref<327680xf32, #tpu.memory_space<hbm>> -> memref<640xf32, #tpu.memory_space<hbm>>
    %dma_start3A_49 = arith.constant 2560 : i32
    %dma_start3A_50 = tpu.memref_slice %arg22[%dma_start3A_49] : memref<20480xf32, #tpu.memory_space<vmem>> -> memref<640xf32, #tpu.memory_space<vmem>>
    %dma_start3A_51 = tpu.memref_slice %arg5[%add3A_45] : memref<327680xf32, #tpu.memory_space<hbm>> -> memref<640xf32, #tpu.memory_space<hbm>>
    tpu.enqueue_dma source(%dma_start3A_51 : memref<640xf32, #tpu.memory_space<hbm>>) target(%dma_start3A_50 : memref<640xf32, #tpu.memory_space<vmem>>) target_semaphore(%arg32 : memref<!tpu.dma_semaphore, #tpu.memory_space<semaphore_mem>>)
    %mul3A_52 = arith.constant 640 : i32
    %mul3A_53 = arith.muli %arg1, %mul3A_52 : i32
    %add3A_54 = arith.constant 51200 : i32
    %add3A_55 = arith.addi %add3A_54, %mul3A_53 : i32
    %dma_start3A_56 = arith.constant 3200 : i32
    %dma_start3A_57 = tpu.memref_slice %arg22[%dma_start3A_56] : memref<20480xf32, #tpu.memory_space<vmem>> -> memref<640xf32, #tpu.memory_space<vmem>>
    %dma_start3A_58 = tpu.memref_slice %arg5[%add3A_55] : memref<327680xf32, #tpu.memory_space<hbm>> -> memref<640xf32, #tpu.memory_space<hbm>>
    %dma_start3A_59 = arith.constant 3200 : i32
    %dma_start3A_60 = tpu.memref_slice %arg22[%dma_start3A_59] : memref<20480xf32, #tpu.memory_space<vmem>> -> memref<640xf32, #tpu.memory_space<vmem>>
    %dma_start3A_61 = tpu.memref_slice %arg5[%add3A_55] : memref<327680xf32, #tpu.memory_space<hbm>> -> memref<640xf32, #tpu.memory_space<hbm>>
    tpu.enqueue_dma source(%dma_start3A_61 : memref<640xf32, #tpu.memory_space<hbm>>) target(%dma_start3A_60 : memref<640xf32, #tpu.memory_space<vmem>>) target_semaphore(%arg32 : memref<!tpu.dma_semaphore, #tpu.memory_space<semaphore_mem>>)
    %mul3A_62 = arith.constant 640 : i32
    %mul3A_63 = arith.muli %arg1, %mul3A_62 : i32
    %add3A_64 = arith.constant 61440 : i32
    %add3A_65 = arith.addi %add3A_64, %mul3A_63 : i32
    %dma_start3A_66 = arith.constant 3840 : i32
    %dma_start3A_67 = tpu.memref_slice %arg22[%dma_start3A_66] : memref<20480xf32, #tpu.memory_space<vmem>> -> memref<640xf32, #tpu.memory_space<vmem>>
    %dma_start3A_68 = tpu.memref_slice %arg5[%add3A_65] : memref<327680xf32, #tpu.memory_space<hbm>> -> memref<640xf32, #tpu.memory_space<hbm>>
    %dma_start3A_69 = arith.constant 3840 : i32
    %dma_start3A_70 = tpu.memref_slice %arg22[%dma_start3A_69] : memref<20480xf32, #tpu.memory_space<vmem>> -> memref<640xf32, #tpu.memory_space<vmem>>
    %dma_start3A_71 = tpu.memref_slice %arg5[%add3A_65] : memref<327680xf32, #tpu.memory_space<hbm>> -> memref<640xf32, #tpu.memory_space<hbm>>
    tpu.enqueue_dma source(%dma_start3A_71 : memref<640xf32, #tpu.memory_space<hbm>>) target(%dma_start3A_70 : memref<640xf32, #tpu.memory_space<vmem>>) target_semaphore(%arg32 : memref<!tpu.dma_semaphore, #tpu.memory_space<semaphore_mem>>)
    %mul3A_72 = arith.constant 640 : i32
    %mul3A_73 = arith.muli %arg1, %mul3A_72 : i32
    %add3A_74 = arith.constant 71680 : i32
    %add3A_75 = arith.addi %add3A_74, %mul3A_73 : i32
    %dma_start3A_76 = arith.constant 4480 : i32
    %dma_start3A_77 = tpu.memref_slice %arg22[%dma_start3A_76] : memref<20480xf32, #tpu.memory_space<vmem>> -> memref<640xf32, #tpu.memory_space<vmem>>
    %dma_start3A_78 = tpu.memref_slice %arg5[%add3A_75] : memref<327680xf32, #tpu.memory_space<hbm>> -> memref<640xf32, #tpu.memory_space<hbm>>
    %dma_start3A_79 = arith.constant 4480 : i32
    %dma_start3A_80 = tpu.memref_slice %arg22[%dma_start3A_79] : memref<20480xf32, #tpu.memory_space<vmem>> -> memref<640xf32, #tpu.memory_space<vmem>>
    %dma_start3A_81 = tpu.memref_slice %arg5[%add3A_75] : memref<327680xf32, #tpu.memory_space<hbm>> -> memref<640xf32, #tpu.memory_space<hbm>>
    tpu.enqueue_dma source(%dma_start3A_81 : memref<640xf32, #tpu.memory_space<hbm>>) target(%dma_start3A_80 : memref<640xf32, #tpu.memory_space<vmem>>) target_semaphore(%arg32 : memref<!tpu.dma_semaphore, #tpu.memory_space<semaphore_mem>>)
    %mul3A_82 = arith.constant 640 : i32
    %mul3A_83 = arith.muli %arg1, %mul3A_82 : i32
    %add3A_84 = arith.constant 81920 : i32
    %add3A_85 = arith.addi %add3A_84, %mul3A_83 : i32
    %dma_start3A_86 = arith.constant 5120 : i32
    %dma_start3A_87 = tpu.memref_slice %arg22[%dma_start3A_86] : memref<20480xf32, #tpu.memory_space<vmem>> -> memref<640xf32, #tpu.memory_space<vmem>>
    %dma_start3A_88 = tpu.memref_slice %arg5[%add3A_85] : memref<327680xf32, #tpu.memory_space<hbm>> -> memref<640xf32, #tpu.memory_space<hbm>>
    %dma_start3A_89 = arith.constant 5120 : i32
    %dma_start3A_90 = tpu.memref_slice %arg22[%dma_start3A_89] : memref<20480xf32, #tpu.memory_space<vmem>> -> memref<640xf32, #tpu.memory_space<vmem>>
    %dma_start3A_91 = tpu.memref_slice %arg5[%add3A_85] : memref<327680xf32, #tpu.memory_space<hbm>> -> memref<640xf32, #tpu.memory_space<hbm>>
    tpu.enqueue_dma source(%dma_start3A_91 : memref<640xf32, #tpu.memory_space<hbm>>) target(%dma_start3A_90 : memref<640xf32, #tpu.memory_space<vmem>>) target_semaphore(%arg32 : memref<!tpu.dma_semaphore, #tpu.memory_space<semaphore_mem>>)
    %mul3A_92 = arith.constant 640 : i32
    %mul3A_93 = arith.muli %arg1, %mul3A_92 : i32
    %add3A_94 = arith.constant 92160 : i32
    %add3A_95 = arith.addi %add3A_94, %mul3A_93 : i32
    %dma_start3A_96 = arith.constant 5760 : i32
    %dma_start3A_97 = tpu.memref_slice %arg22[%dma_start3A_96] : memref<20480xf32, #tpu.memory_space<vmem>> -> memref<640xf32, #tpu.memory_space<vmem>>
    %dma_start3A_98 = tpu.memref_slice %arg5[%add3A_95] : memref<327680xf32, #tpu.memory_space<hbm>> -> memref<640xf32, #tpu.memory_space<hbm>>
    %dma_start3A_99 = arith.constant 5760 : i32
    %dma_start3A_100 = tpu.memref_slice %arg22[%dma_start3A_99] : memref<20480xf32, #tpu.memory_space<vmem>> -> memref<640xf32, #tpu.memory_space<vmem>>
    %dma_start3A_101 = tpu.memref_slice %arg5[%add3A_95] : memref<327680xf32, #tpu.memory_space<hbm>> -> memref<640xf32, #tpu.memory_space<hbm>>
    tpu.enqueue_dma source(%dma_start3A_101 : memref<640xf32, #tpu.memory_space<hbm>>) target(%dma_start3A_100 : memref<640xf32, #tpu.memory_space<vmem>>) target_semaphore(%arg32 : memref<!tpu.dma_semaphore, #tpu.memory_space<semaphore_mem>>)
    %mul3A_102 = arith.constant 640 : i32
    %mul3A_103 = arith.muli %arg1, %mul3A_102 : i32
    %add3A_104 = arith.constant 102400 : i32
    %add3A_105 = arith.addi %add3A_104, %mul3A_103 : i32
    %dma_start3A_106 = arith.constant 6400 : i32
    %dma_start3A_107 = tpu.memref_slice %arg22[%dma_start3A_106] : memref<20480xf32, #tpu.memory_space<vmem>> -> memref<640xf32, #tpu.memory_space<vmem>>
    %dma_start3A_108 = tpu.memref_slice %arg5[%add3A_105] : memref<327680xf32, #tpu.memory_space<hbm>> -> memref<640xf32, #tpu.memory_space<hbm>>
    %dma_start3A_109 = arith.constant 6400 : i32
    %dma_start3A_110 = tpu.memref_slice %arg22[%dma_start3A_109] : memref<20480xf32, #tpu.memory_space<vmem>> -> memref<640xf32, #tpu.memory_space<vmem>>
    %dma_start3A_111 = tpu.memref_slice %arg5[%add3A_105] : memref<327680xf32, #tpu.memory_space<hbm>> -> memref<640xf32, #tpu.memory_space<hbm>>
    tpu.enqueue_dma source(%dma_start3A_111 : memref<640xf32, #tpu.memory_space<hbm>>) target(%dma_start3A_110 : memref<640xf32, #tpu.memory_space<vmem>>) target_semaphore(%arg32 : memref<!tpu.dma_semaphore, #tpu.memory_space<semaphore_mem>>)
    %mul3A_112 = arith.constant 640 : i32
    %mul3A_113 = arith.muli %arg1, %mul3A_112 : i32
    %add3A_114 = arith.constant 112640 : i32
    %add3A_115 = arith.addi %add3A_114, %mul3A_113 : i32
    %dma_start3A_116 = arith.constant 7040 : i32
    %dma_start3A_117 = tpu.memref_slice %arg22[%dma_start3A_116] : memref<20480xf32, #tpu.memory_space<vmem>> -> memref<640xf32, #tpu.memory_space<vmem>>
    %dma_start3A_118 = tpu.memref_slice %arg5[%add3A_115] : memref<327680xf32, #tpu.memory_space<hbm>> -> memref<640xf32, #tpu.memory_space<hbm>>
    %dma_start3A_119 = arith.constant 7040 : i32
    %dma_start3A_120 = tpu.memref_slice %arg22[%dma_start3A_119] : memref<20480xf32, #tpu.memory_space<vmem>> -> memref<640xf32, #tpu.memory_space<vmem>>
    %dma_start3A_121 = tpu.memref_slice %arg5[%add3A_115] : memref<327680xf32, #tpu.memory_space<hbm>> -> memref<640xf32, #tpu.memory_space<hbm>>
    tpu.enqueue_dma source(%dma_start3A_121 : memref<640xf32, #tpu.memory_space<hbm>>) target(%dma_start3A_120 : memref<640xf32, #tpu.memory_space<vmem>>) target_semaphore(%arg32 : memref<!tpu.dma_semaphore, #tpu.memory_space<semaphore_mem>>)
    %mul3A_122 = arith.constant 640 : i32
    %mul3A_123 = arith.muli %arg1, %mul3A_122 : i32
    %add3A_124 = arith.constant 122880 : i32
    %add3A_125 = arith.addi %add3A_124, %mul3A_123 : i32
    %dma_start3A_126 = arith.constant 7680 : i32
    %dma_start3A_127 = tpu.memref_slice %arg22[%dma_start3A_126] : memref<20480xf32, #tpu.memory_space<vmem>> -> memref<640xf32, #tpu.memory_space<vmem>>
    %dma_start3A_128 = tpu.memref_slice %arg5[%add3A_125] : memref<327680xf32, #tpu.memory_space<hbm>> -> memref<640xf32, #tpu.memory_space<hbm>>
    %dma_start3A_129 = arith.constant 7680 : i32
    %dma_start3A_130 = tpu.memref_slice %arg22[%dma_start3A_129] : memref<20480xf32, #tpu.memory_space<vmem>> -> memref<640xf32, #tpu.memory_space<vmem>>
    %dma_start3A_131 = tpu.memref_slice %arg5[%add3A_125] : memref<327680xf32, #tpu.memory_space<hbm>> -> memref<640xf32, #tpu.memory_space<hbm>>
    tpu.enqueue_dma source(%dma_start3A_131 : memref<640xf32, #tpu.memory_space<hbm>>) target(%dma_start3A_130 : memref<640xf32, #tpu.memory_space<vmem>>) target_semaphore(%arg32 : memref<!tpu.dma_semaphore, #tpu.memory_space<semaphore_mem>>)
    %mul3A_132 = arith.constant 640 : i32
    %mul3A_133 = arith.muli %arg1, %mul3A_132 : i32
    %add3A_134 = arith.constant 133120 : i32
    %add3A_135 = arith.addi %add3A_134, %mul3A_133 : i32
    %dma_start3A_136 = arith.constant 8320 : i32
    %dma_start3A_137 = tpu.memref_slice %arg22[%dma_start3A_136] : memref<20480xf32, #tpu.memory_space<vmem>> -> memref<640xf32, #tpu.memory_space<vmem>>
    %dma_start3A_138 = tpu.memref_slice %arg5[%add3A_135] : memref<327680xf32, #tpu.memory_space<hbm>> -> memref<640xf32, #tpu.memory_space<hbm>>
    %dma_start3A_139 = arith.constant 8320 : i32
    %dma_start3A_140 = tpu.memref_slice %arg22[%dma_start3A_139] : memref<20480xf32, #tpu.memory_space<vmem>> -> memref<640xf32, #tpu.memory_space<vmem>>
    %dma_start3A_141 = tpu.memref_slice %arg5[%add3A_135] : memref<327680xf32, #tpu.memory_space<hbm>> -> memref<640xf32, #tpu.memory_space<hbm>>
    tpu.enqueue_dma source(%dma_start3A_141 : memref<640xf32, #tpu.memory_space<hbm>>) target(%dma_start3A_140 : memref<640xf32, #tpu.memory_space<vmem>>) target_semaphore(%arg32 : memref<!tpu.dma_semaphore, #tpu.memory_space<semaphore_mem>>)
    %mul3A_142 = arith.constant 640 : i32
    %mul3A_143 = arith.muli %arg1, %mul3A_142 : i32
    %add3A_144 = arith.constant 143360 : i32
    %add3A_145 = arith.addi %add3A_144, %mul3A_143 : i32
    %dma_start3A_146 = arith.constant 8960 : i32
    %dma_start3A_147 = tpu.memref_slice %arg22[%dma_start3A_146] : memref<20480xf32, #tpu.memory_space<vmem>> -> memref<640xf32, #tpu.memory_space<vmem>>
    %dma_start3A_148 = tpu.memref_slice %arg5[%add3A_145] : memref<327680xf32, #tpu.memory_space<hbm>> -> memref<640xf32, #tpu.memory_space<hbm>>
    %dma_start3A_149 = arith.constant 8960 : i32
    %dma_start3A_150 = tpu.memref_slice %arg22[%dma_start3A_149] : memref<20480xf32, #tpu.memory_space<vmem>> -> memref<640xf32, #tpu.memory_space<vmem>>
    %dma_start3A_151 = tpu.memref_slice %arg5[%add3A_145] : memref<327680xf32, #tpu.memory_space<hbm>> -> memref<640xf32, #tpu.memory_space<hbm>>
    tpu.enqueue_dma source(%dma_start3A_151 : memref<640xf32, #tpu.memory_space<hbm>>) target(%dma_start3A_150 : memref<640xf32, #tpu.memory_space<vmem>>) target_semaphore(%arg32 : memref<!tpu.dma_semaphore, #tpu.memory_space<semaphore_mem>>)
    %mul3A_152 = arith.constant 640 : i32
    %mul3A_153 = arith.muli %arg1, %mul3A_152 : i32
    %add3A_154 = arith.constant 153600 : i32
    %add3A_155 = arith.addi %add3A_154, %mul3A_153 : i32
    %dma_start3A_156 = arith.constant 9600 : i32
    %dma_start3A_157 = tpu.memref_slice %arg22[%dma_start3A_156] : memref<20480xf32, #tpu.memory_space<vmem>> -> memref<640xf32, #tpu.memory_space<vmem>>
    %dma_start3A_158 = tpu.memref_slice %arg5[%add3A_155] : memref<327680xf32, #tpu.memory_space<hbm>> -> memref<640xf32, #tpu.memory_space<hbm>>
    %dma_start3A_159 = arith.constant 9600 : i32
    %dma_start3A_160 = tpu.memref_slice %arg22[%dma_start3A_159] : memref<20480xf32, #tpu.memory_space<vmem>> -> memref<640xf32, #tpu.memory_space<vmem>>
    %dma_start3A_161 = tpu.memref_slice %arg5[%add3A_155] : memref<327680xf32, #tpu.memory_space<hbm>> -> memref<640xf32, #tpu.memory_space<hbm>>
    tpu.enqueue_dma source(%dma_start3A_161 : memref<640xf32, #tpu.memory_space<hbm>>) target(%dma_start3A_160 : memref<640xf32, #tpu.memory_space<vmem>>) target_semaphore(%arg32 : memref<!tpu.dma_semaphore, #tpu.memory_space<semaphore_mem>>)
    %mul3A_162 = arith.constant 640 : i32
    %mul3A_163 = arith.muli %arg1, %mul3A_162 : i32
    %add3A_164 = arith.constant 163840 : i32
    %add3A_165 = arith.addi %add3A_164, %mul3A_163 : i32
    %dma_start3A_166 = arith.constant 10240 : i32
    %dma_start3A_167 = tpu.memref_slice %arg22[%dma_start3A_166] : memref<20480xf32, #tpu.memory_space<vmem>> -> memref<640xf32, #tpu.memory_space<vmem>>
    %dma_start3A_168 = tpu.memref_slice %arg5[%add3A_165] : memref<327680xf32, #tpu.memory_space<hbm>> -> memref<640xf32, #tpu.memory_space<hbm>>
    %dma_start3A_169 = arith.constant 10240 : i32
    %dma_start3A_170 = tpu.memref_slice %arg22[%dma_start3A_169] : memref<20480xf32, #tpu.memory_space<vmem>> -> memref<640xf32, #tpu.memory_space<vmem>>
    %dma_start3A_171 = tpu.memref_slice %arg5[%add3A_165] : memref<327680xf32, #tpu.memory_space<hbm>> -> memref<640xf32, #tpu.memory_space<hbm>>
    tpu.enqueue_dma source(%dma_start3A_171 : memref<640xf32, #tpu.memory_space<hbm>>) target(%dma_start3A_170 : memref<640xf32, #tpu.memory_space<vmem>>) target_semaphore(%arg32 : memref<!tpu.dma_semaphore, #tpu.memory_space<semaphore_mem>>)
    %mul3A_172 = arith.constant 640 : i32
    %mul3A_173 = arith.muli %arg1, %mul3A_172 : i32
    %add3A_174 = arith.constant 174080 : i32
    %add3A_175 = arith.addi %add3A_174, %mul3A_173 : i32
    %dma_start3A_176 = arith.constant 10880 : i32
    %dma_start3A_177 = tpu.memref_slice %arg22[%dma_start3A_176] : memref<20480xf32, #tpu.memory_space<vmem>> -> memref<640xf32, #tpu.memory_space<vmem>>
    %dma_start3A_178 = tpu.memref_slice %arg5[%add3A_175] : memref<327680xf32, #tpu.memory_space<hbm>> -> memref<640xf32, #tpu.memory_space<hbm>>
    %dma_start3A_179 = arith.constant 10880 : i32
    %dma_start3A_180 = tpu.memref_slice %arg22[%dma_start3A_179] : memref<20480xf32, #tpu.memory_space<vmem>> -> memref<640xf32, #tpu.memory_space<vmem>>
    %dma_start3A_181 = tpu.memref_slice %arg5[%add3A_175] : memref<327680xf32, #tpu.memory_space<hbm>> -> memref<640xf32, #tpu.memory_space<hbm>>
    tpu.enqueue_dma source(%dma_start3A_181 : memref<640xf32, #tpu.memory_space<hbm>>) target(%dma_start3A_180 : memref<640xf32, #tpu.memory_space<vmem>>) target_semaphore(%arg32 : memref<!tpu.dma_semaphore, #tpu.memory_space<semaphore_mem>>)
    %mul3A_182 = arith.constant 640 : i32
    %mul3A_183 = arith.muli %arg1, %mul3A_182 : i32
    %add3A_184 = arith.constant 184320 : i32
    %add3A_185 = arith.addi %add3A_184, %mul3A_183 : i32
    %dma_start3A_186 = arith.constant 11520 : i32
    %dma_start3A_187 = tpu.memref_slice %arg22[%dma_start3A_186] : memref<20480xf32, #tpu.memory_space<vmem>> -> memref<640xf32, #tpu.memory_space<vmem>>
    %dma_start3A_188 = tpu.memref_slice %arg5[%add3A_185] : memref<327680xf32, #tpu.memory_space<hbm>> -> memref<640xf32, #tpu.memory_space<hbm>>
    %dma_start3A_189 = arith.constant 11520 : i32
    %dma_start3A_190 = tpu.memref_slice %arg22[%dma_start3A_189] : memref<20480xf32, #tpu.memory_space<vmem>> -> memref<640xf32, #tpu.memory_space<vmem>>
    %dma_start3A_191 = tpu.memref_slice %arg5[%add3A_185] : memref<327680xf32, #tpu.memory_space<hbm>> -> memref<640xf32, #tpu.memory_space<hbm>>
    tpu.enqueue_dma source(%dma_start3A_191 : memref<640xf32, #tpu.memory_space<hbm>>) target(%dma_start3A_190 : memref<640xf32, #tpu.memory_space<vmem>>) target_semaphore(%arg32 : memref<!tpu.dma_semaphore, #tpu.memory_space<semaphore_mem>>)
    %mul3A_192 = arith.constant 640 : i32
    %mul3A_193 = arith.muli %arg1, %mul3A_192 : i32
    %add3A_194 = arith.constant 194560 : i32
    %add3A_195 = arith.addi %add3A_194, %mul3A_193 : i32
    %dma_start3A_196 = arith.constant 12160 : i32
    %dma_start3A_197 = tpu.memref_slice %arg22[%dma_start3A_196] : memref<20480xf32, #tpu.memory_space<vmem>> -> memref<640xf32, #tpu.memory_space<vmem>>
    %dma_start3A_198 = tpu.memref_slice %arg5[%add3A_195] : memref<327680xf32, #tpu.memory_space<hbm>> -> memref<640xf32, #tpu.memory_space<hbm>>
    %dma_start3A_199 = arith.constant 12160 : i32
    %dma_start3A_200 = tpu.memref_slice %arg22[%dma_start3A_199] : memref<20480xf32, #tpu.memory_space<vmem>> -> memref<640xf32, #tpu.memory_space<vmem>>
    %dma_start3A_201 = tpu.memref_slice %arg5[%add3A_195] : memref<327680xf32, #tpu.memory_space<hbm>> -> memref<640xf32, #tpu.memory_space<hbm>>
    tpu.enqueue_dma source(%dma_start3A_201 : memref<640xf32, #tpu.memory_space<hbm>>) target(%dma_start3A_200 : memref<640xf32, #tpu.memory_space<vmem>>) target_semaphore(%arg32 : memref<!tpu.dma_semaphore, #tpu.memory_space<semaphore_mem>>)
    %mul3A_202 = arith.constant 640 : i32
    %mul3A_203 = arith.muli %arg1, %mul3A_202 : i32
    %add3A_204 = arith.constant 204800 : i32
    %add3A_205 = arith.addi %add3A_204, %mul3A_203 : i32
    %dma_start3A_206 = arith.constant 12800 : i32
    %dma_start3A_207 = tpu.memref_slice %arg22[%dma_start3A_206] : memref<20480xf32, #tpu.memory_space<vmem>> -> memref<640xf32, #tpu.memory_space<vmem>>
    %dma_start3A_208 = tpu.memref_slice %arg5[%add3A_205] : memref<327680xf32, #tpu.memory_space<hbm>> -> memref<640xf32, #tpu.memory_space<hbm>>
    %dma_start3A_209 = arith.constant 12800 : i32
    %dma_start3A_210 = tpu.memref_slice %arg22[%dma_start3A_209] : memref<20480xf32, #tpu.memory_space<vmem>> -> memref<640xf32, #tpu.memory_space<vmem>>
    %dma_start3A_211 = tpu.memref_slice %arg5[%add3A_205] : memref<327680xf32, #tpu.memory_space<hbm>> -> memref<640xf32, #tpu.memory_space<hbm>>
    tpu.enqueue_dma source(%dma_start3A_211 : memref<640xf32, #tpu.memory_space<hbm>>) target(%dma_start3A_210 : memref<640xf32, #tpu.memory_space<vmem>>) target_semaphore(%arg32 : memref<!tpu.dma_semaphore, #tpu.memory_space<semaphore_mem>>)
    %mul3A_212 = arith.constant 640 : i32
    %mul3A_213 = arith.muli %arg1, %mul3A_212 : i32
    %add3A_214 = arith.constant 215040 : i32
    %add3A_215 = arith.addi %add3A_214, %mul3A_213 : i32
    %dma_start3A_216 = arith.constant 13440 : i32
    %dma_start3A_217 = tpu.memref_slice %arg22[%dma_start3A_216] : memref<20480xf32, #tpu.memory_space<vmem>> -> memref<640xf32, #tpu.memory_space<vmem>>
    %dma_start3A_218 = tpu.memref_slice %arg5[%add3A_215] : memref<327680xf32, #tpu.memory_space<hbm>> -> memref<640xf32, #tpu.memory_space<hbm>>
    %dma_start3A_219 = arith.constant 13440 : i32
    %dma_start3A_220 = tpu.memref_slice %arg22[%dma_start3A_219] : memref<20480xf32, #tpu.memory_space<vmem>> -> memref<640xf32, #tpu.memory_space<vmem>>
    %dma_start3A_221 = tpu.memref_slice %arg5[%add3A_215] : memref<327680xf32, #tpu.memory_space<hbm>> -> memref<640xf32, #tpu.memory_space<hbm>>
    tpu.enqueue_dma source(%dma_start3A_221 : memref<640xf32, #tpu.memory_space<hbm>>) target(%dma_start3A_220 : memref<640xf32, #tpu.memory_space<vmem>>) target_semaphore(%arg32 : memref<!tpu.dma_semaphore, #tpu.memory_space<semaphore_mem>>)
    %mul3A_222 = arith.constant 640 : i32
    %mul3A_223 = arith.muli %arg1, %mul3A_222 : i32
    %add3A_224 = arith.constant 225280 : i32
    %add3A_225 = arith.addi %add3A_224, %mul3A_223 : i32
    %dma_start3A_226 = arith.constant 14080 : i32
    %dma_start3A_227 = tpu.memref_slice %arg22[%dma_start3A_226] : memref<20480xf32, #tpu.memory_space<vmem>> -> memref<640xf32, #tpu.memory_space<vmem>>
    %dma_start3A_228 = tpu.memref_slice %arg5[%add3A_225] : memref<327680xf32, #tpu.memory_space<hbm>> -> memref<640xf32, #tpu.memory_space<hbm>>
    %dma_start3A_229 = arith.constant 14080 : i32
    %dma_start3A_230 = tpu.memref_slice %arg22[%dma_start3A_229] : memref<20480xf32, #tpu.memory_space<vmem>> -> memref<640xf32, #tpu.memory_space<vmem>>
    %dma_start3A_231 = tpu.memref_slice %arg5[%add3A_225] : memref<327680xf32, #tpu.memory_space<hbm>> -> memref<640xf32, #tpu.memory_space<hbm>>
    tpu.enqueue_dma source(%dma_start3A_231 : memref<640xf32, #tpu.memory_space<hbm>>) target(%dma_start3A_230 : memref<640xf32, #tpu.memory_space<vmem>>) target_semaphore(%arg32 : memref<!tpu.dma_semaphore, #tpu.memory_space<semaphore_mem>>)
    %mul3A_232 = arith.constant 640 : i32
    %mul3A_233 = arith.muli %arg1, %mul3A_232 : i32
    %add3A_234 = arith.constant 235520 : i32
    %add3A_235 = arith.addi %add3A_234, %mul3A_233 : i32
    %dma_start3A_236 = arith.constant 14720 : i32
    %dma_start3A_237 = tpu.memref_slice %arg22[%dma_start3A_236] : memref<20480xf32, #tpu.memory_space<vmem>> -> memref<640xf32, #tpu.memory_space<vmem>>
    %dma_start3A_238 = tpu.memref_slice %arg5[%add3A_235] : memref<327680xf32, #tpu.memory_space<hbm>> -> memref<640xf32, #tpu.memory_space<hbm>>
    %dma_start3A_239 = arith.constant 14720 : i32
    %dma_start3A_240 = tpu.memref_slice %arg22[%dma_start3A_239] : memref<20480xf32, #tpu.memory_space<vmem>> -> memref<640xf32, #tpu.memory_space<vmem>>
    %dma_start3A_241 = tpu.memref_slice %arg5[%add3A_235] : memref<327680xf32, #tpu.memory_space<hbm>> -> memref<640xf32, #tpu.memory_space<hbm>>
    tpu.enqueue_dma source(%dma_start3A_241 : memref<640xf32, #tpu.memory_space<hbm>>) target(%dma_start3A_240 : memref<640xf32, #tpu.memory_space<vmem>>) target_semaphore(%arg32 : memref<!tpu.dma_semaphore, #tpu.memory_space<semaphore_mem>>)
    %mul3A_242 = arith.constant 640 : i32
    %mul3A_243 = arith.muli %arg1, %mul3A_242 : i32
    %add3A_244 = arith.constant 245760 : i32
    %add3A_245 = arith.addi %add3A_244, %mul3A_243 : i32
    %dma_start3A_246 = arith.constant 15360 : i32
    %dma_start3A_247 = tpu.memref_slice %arg22[%dma_start3A_246] : memref<20480xf32, #tpu.memory_space<vmem>> -> memref<640xf32, #tpu.memory_space<vmem>>
    %dma_start3A_248 = tpu.memref_slice %arg5[%add3A_245] : memref<327680xf32, #tpu.memory_space<hbm>> -> memref<640xf32, #tpu.memory_space<hbm>>
    %dma_start3A_249 = arith.constant 15360 : i32
    %dma_start3A_250 = tpu.memref_slice %arg22[%dma_start3A_249] : memref<20480xf32, #tpu.memory_space<vmem>> -> memref<640xf32, #tpu.memory_space<vmem>>
    %dma_start3A_251 = tpu.memref_slice %arg5[%add3A_245] : memref<327680xf32, #tpu.memory_space<hbm>> -> memref<640xf32, #tpu.memory_space<hbm>>
    tpu.enqueue_dma source(%dma_start3A_251 : memref<640xf32, #tpu.memory_space<hbm>>) target(%dma_start3A_250 : memref<640xf32, #tpu.memory_space<vmem>>) target_semaphore(%arg32 : memref<!tpu.dma_semaphore, #tpu.memory_space<semaphore_mem>>)
    %mul3A_252 = arith.constant 640 : i32
    %mul3A_253 = arith.muli %arg1, %mul3A_252 : i32
    %add3A_254 = arith.constant 256000 : i32
    %add3A_255 = arith.addi %add3A_254, %mul3A_253 : i32
    %dma_start3A_256 = arith.constant 16000 : i32
    %dma_start3A_257 = tpu.memref_slice %arg22[%dma_start3A_256] : memref<20480xf32, #tpu.memory_space<vmem>> -> memref<640xf32, #tpu.memory_space<vmem>>
    %dma_start3A_258 = tpu.memref_slice %arg5[%add3A_255] : memref<327680xf32, #tpu.memory_space<hbm>> -> memref<640xf32, #tpu.memory_space<hbm>>
    %dma_start3A_259 = arith.constant 16000 : i32
    %dma_start3A_260 = tpu.memref_slice %arg22[%dma_start3A_259] : memref<20480xf32, #tpu.memory_space<vmem>> -> memref<640xf32, #tpu.memory_space<vmem>>
    %dma_start3A_261 = tpu.memref_slice %arg5[%add3A_255] : memref<327680xf32, #tpu.memory_space<hbm>> -> memref<640xf32, #tpu.memory_space<hbm>>
    tpu.enqueue_dma source(%dma_start3A_261 : memref<640xf32, #tpu.memory_space<hbm>>) target(%dma_start3A_260 : memref<640xf32, #tpu.memory_space<vmem>>) target_semaphore(%arg32 : memref<!tpu.dma_semaphore, #tpu.memory_space<semaphore_mem>>)
    %mul3A_262 = arith.constant 640 : i32
    %mul3A_263 = arith.muli %arg1, %mul3A_262 : i32
    %add3A_264 = arith.constant 266240 : i32
    %add3A_265 = arith.addi %add3A_264, %mul3A_263 : i32
    %dma_start3A_266 = arith.constant 16640 : i32
    %dma_start3A_267 = tpu.memref_slice %arg22[%dma_start3A_266] : memref<20480xf32, #tpu.memory_space<vmem>> -> memref<640xf32, #tpu.memory_space<vmem>>
    %dma_start3A_268 = tpu.memref_slice %arg5[%add3A_265] : memref<327680xf32, #tpu.memory_space<hbm>> -> memref<640xf32, #tpu.memory_space<hbm>>
    %dma_start3A_269 = arith.constant 16640 : i32
    %dma_start3A_270 = tpu.memref_slice %arg22[%dma_start3A_269] : memref<20480xf32, #tpu.memory_space<vmem>> -> memref<640xf32, #tpu.memory_space<vmem>>
    %dma_start3A_271 = tpu.memref_slice %arg5[%add3A_265] : memref<327680xf32, #tpu.memory_space<hbm>> -> memref<640xf32, #tpu.memory_space<hbm>>
    tpu.enqueue_dma source(%dma_start3A_271 : memref<640xf32, #tpu.memory_space<hbm>>) target(%dma_start3A_270 : memref<640xf32, #tpu.memory_space<vmem>>) target_semaphore(%arg32 : memref<!tpu.dma_semaphore, #tpu.memory_space<semaphore_mem>>)
    %mul3A_272 = arith.constant 640 : i32
    %mul3A_273 = arith.muli %arg1, %mul3A_272 : i32
    %add3A_274 = arith.constant 276480 : i32
    %add3A_275 = arith.addi %add3A_274, %mul3A_273 : i32
    %dma_start3A_276 = arith.constant 17280 : i32
    %dma_start3A_277 = tpu.memref_slice %arg22[%dma_start3A_276] : memref<20480xf32, #tpu.memory_space<vmem>> -> memref<640xf32, #tpu.memory_space<vmem>>
    %dma_start3A_278 = tpu.memref_slice %arg5[%add3A_275] : memref<327680xf32, #tpu.memory_space<hbm>> -> memref<640xf32, #tpu.memory_space<hbm>>
    %dma_start3A_279 = arith.constant 17280 : i32
    %dma_start3A_280 = tpu.memref_slice %arg22[%dma_start3A_279] : memref<20480xf32, #tpu.memory_space<vmem>> -> memref<640xf32, #tpu.memory_space<vmem>>
    %dma_start3A_281 = tpu.memref_slice %arg5[%add3A_275] : memref<327680xf32, #tpu.memory_space<hbm>> -> memref<640xf32, #tpu.memory_space<hbm>>
    tpu.enqueue_dma source(%dma_start3A_281 : memref<640xf32, #tpu.memory_space<hbm>>) target(%dma_start3A_280 : memref<640xf32, #tpu.memory_space<vmem>>) target_semaphore(%arg32 : memref<!tpu.dma_semaphore, #tpu.memory_space<semaphore_mem>>)
    %mul3A_282 = arith.constant 640 : i32
    %mul3A_283 = arith.muli %arg1, %mul3A_282 : i32
    %add3A_284 = arith.constant 286720 : i32
    %add3A_285 = arith.addi %add3A_284, %mul3A_283 : i32
    %dma_start3A_286 = arith.constant 17920 : i32
    %dma_start3A_287 = tpu.memref_slice %arg22[%dma_start3A_286] : memref<20480xf32, #tpu.memory_space<vmem>> -> memref<640xf32, #tpu.memory_space<vmem>>
    %dma_start3A_288 = tpu.memref_slice %arg5[%add3A_285] : memref<327680xf32, #tpu.memory_space<hbm>> -> memref<640xf32, #tpu.memory_space<hbm>>
    %dma_start3A_289 = arith.constant 17920 : i32
    %dma_start3A_290 = tpu.memref_slice %arg22[%dma_start3A_289] : memref<20480xf32, #tpu.memory_space<vmem>> -> memref<640xf32, #tpu.memory_space<vmem>>
    %dma_start3A_291 = tpu.memref_slice %arg5[%add3A_285] : memref<327680xf32, #tpu.memory_space<hbm>> -> memref<640xf32, #tpu.memory_space<hbm>>
    tpu.enqueue_dma source(%dma_start3A_291 : memref<640xf32, #tpu.memory_space<hbm>>) target(%dma_start3A_290 : memref<640xf32, #tpu.memory_space<vmem>>) target_semaphore(%arg32 : memref<!tpu.dma_semaphore, #tpu.memory_space<semaphore_mem>>)
    %mul3A_292 = arith.constant 640 : i32
    %mul3A_293 = arith.muli %arg1, %mul3A_292 : i32
    %add3A_294 = arith.constant 296960 : i32
    %add3A_295 = arith.addi %add3A_294, %mul3A_293 : i32
    %dma_start3A_296 = arith.constant 18560 : i32
    %dma_start3A_297 = tpu.memref_slice %arg22[%dma_start3A_296] : memref<20480xf32, #tpu.memory_space<vmem>> -> memref<640xf32, #tpu.memory_space<vmem>>
    %dma_start3A_298 = tpu.memref_slice %arg5[%add3A_295] : memref<327680xf32, #tpu.memory_space<hbm>> -> memref<640xf32, #tpu.memory_space<hbm>>
    %dma_start3A_299 = arith.constant 18560 : i32
    %dma_start3A_300 = tpu.memref_slice %arg22[%dma_start3A_299] : memref<20480xf32, #tpu.memory_space<vmem>> -> memref<640xf32, #tpu.memory_space<vmem>>
    %dma_start3A_301 = tpu.memref_slice %arg5[%add3A_295] : memref<327680xf32, #tpu.memory_space<hbm>> -> memref<640xf32, #tpu.memory_space<hbm>>
    tpu.enqueue_dma source(%dma_start3A_301 : memref<640xf32, #tpu.memory_space<hbm>>) target(%dma_start3A_300 : memref<640xf32, #tpu.memory_space<vmem>>) target_semaphore(%arg32 : memref<!tpu.dma_semaphore, #tpu.memory_space<semaphore_mem>>)
    %mul3A_302 = arith.constant 640 : i32
    %mul3A_303 = arith.muli %arg1, %mul3A_302 : i32
    %add3A_304 = arith.constant 307200 : i32
    %add3A_305 = arith.addi %add3A_304, %mul3A_303 : i32
    %dma_start3A_306 = arith.constant 19200 : i32
    %dma_start3A_307 = tpu.memref_slice %arg22[%dma_start3A_306] : memref<20480xf32, #tpu.memory_space<vmem>> -> memref<640xf32, #tpu.memory_space<vmem>>
    %dma_start3A_308 = tpu.memref_slice %arg5[%add3A_305] : memref<327680xf32, #tpu.memory_space<hbm>> -> memref<640xf32, #tpu.memory_space<hbm>>
    %dma_start3A_309 = arith.constant 19200 : i32
    %dma_start3A_310 = tpu.memref_slice %arg22[%dma_start3A_309] : memref<20480xf32, #tpu.memory_space<vmem>> -> memref<640xf32, #tpu.memory_space<vmem>>
    %dma_start3A_311 = tpu.memref_slice %arg5[%add3A_305] : memref<327680xf32, #tpu.memory_space<hbm>> -> memref<640xf32, #tpu.memory_space<hbm>>
    tpu.enqueue_dma source(%dma_start3A_311 : memref<640xf32, #tpu.memory_space<hbm>>) target(%dma_start3A_310 : memref<640xf32, #tpu.memory_space<vmem>>) target_semaphore(%arg32 : memref<!tpu.dma_semaphore, #tpu.memory_space<semaphore_mem>>)
    %mul3A_312 = arith.constant 640 : i32
    %mul3A_313 = arith.muli %arg1, %mul3A_312 : i32
    %add3A_314 = arith.constant 317440 : i32
    %add3A_315 = arith.addi %add3A_314, %mul3A_313 : i32
    %dma_start3A_316 = arith.constant 19840 : i32
    %dma_start3A_317 = tpu.memref_slice %arg22[%dma_start3A_316] : memref<20480xf32, #tpu.memory_space<vmem>> -> memref<640xf32, #tpu.memory_space<vmem>>
    %dma_start3A_318 = tpu.memref_slice %arg5[%add3A_315] : memref<327680xf32, #tpu.memory_space<hbm>> -> memref<640xf32, #tpu.memory_space<hbm>>
    %dma_start3A_319 = arith.constant 19840 : i32
    %dma_start3A_320 = tpu.memref_slice %arg22[%dma_start3A_319] : memref<20480xf32, #tpu.memory_space<vmem>> -> memref<640xf32, #tpu.memory_space<vmem>>
    %dma_start3A_321 = tpu.memref_slice %arg5[%add3A_315] : memref<327680xf32, #tpu.memory_space<hbm>> -> memref<640xf32, #tpu.memory_space<hbm>>
    tpu.enqueue_dma source(%dma_start3A_321 : memref<640xf32, #tpu.memory_space<hbm>>) target(%dma_start3A_320 : memref<640xf32, #tpu.memory_space<vmem>>) target_semaphore(%arg32 : memref<!tpu.dma_semaphore, #tpu.memory_space<semaphore_mem>>)
    %dma_start3A_322 = tpu.memref_slice %arg2[%mul3A_2] : memref<160256xi32, #tpu.memory_space<hbm>> -> memref<5008xi32, #tpu.memory_space<hbm>>
    %dma_start3A_323 = tpu.memref_slice %arg2[%mul3A_2] : memref<160256xi32, #tpu.memory_space<hbm>> -> memref<5008xi32, #tpu.memory_space<hbm>>
    tpu.enqueue_dma source(%dma_start3A_323 : memref<5008xi32, #tpu.memory_space<hbm>>) target(%arg10 : memref<5008xi32, #tpu.memory_space<vmem>>) target_semaphore(%arg25 : memref<!tpu.dma_semaphore, #tpu.memory_space<semaphore_mem>>)
    %dma_start3A_324 = tpu.memref_slice %arg3[%mul3A_2] : memref<160256xi32, #tpu.memory_space<hbm>> -> memref<5008xi32, #tpu.memory_space<hbm>>
    %dma_start3A_325 = tpu.memref_slice %arg3[%mul3A_2] : memref<160256xi32, #tpu.memory_space<hbm>> -> memref<5008xi32, #tpu.memory_space<hbm>>
    tpu.enqueue_dma source(%dma_start3A_325 : memref<5008xi32, #tpu.memory_space<hbm>>) target(%arg11 : memref<5008xi32, #tpu.memory_space<vmem>>) target_semaphore(%arg25 : memref<!tpu.dma_semaphore, #tpu.memory_space<semaphore_mem>>)
    %dma_start3A_326 = tpu.memref_slice %arg4[%mul3A_2] : memref<160256xf32, #tpu.memory_space<hbm>> -> memref<5008xf32, #tpu.memory_space<hbm>>
    %dma_start3A_327 = tpu.memref_slice %arg4[%mul3A_2] : memref<160256xf32, #tpu.memory_space<hbm>> -> memref<5008xf32, #tpu.memory_space<hbm>>
    tpu.enqueue_dma source(%dma_start3A_327 : memref<5008xf32, #tpu.memory_space<hbm>>) target(%arg12 : memref<5008xf32, #tpu.memory_space<vmem>>) target_semaphore(%arg25 : memref<!tpu.dma_semaphore, #tpu.memory_space<semaphore_mem>>)
    %dma_start3A_328 = arith.constant 0 : i32
    %dma_start3A_329 = tpu.memref_slice %arg6[%dma_start3A_328] : memref<50000xf32, #tpu.memory_space<hbm>> -> memref<10000xf32, #tpu.memory_space<hbm>>
    %dma_start3A_330 = arith.constant 0 : i32
    %dma_start3A_331 = tpu.memref_slice %arg6[%dma_start3A_330] : memref<50000xf32, #tpu.memory_space<hbm>> -> memref<10000xf32, #tpu.memory_space<hbm>>
    tpu.enqueue_dma source(%dma_start3A_331 : memref<10000xf32, #tpu.memory_space<hbm>>) target(%arg15 : memref<10000xf32, #tpu.memory_space<vmem>>) target_semaphore(%arg26 : memref<!tpu.dma_semaphore, #tpu.memory_space<semaphore_mem>>)
    %dma_start3A_332 = arith.constant 10000 : i32
    %dma_start3A_333 = tpu.memref_slice %arg6[%dma_start3A_332] : memref<50000xf32, #tpu.memory_space<hbm>> -> memref<10000xf32, #tpu.memory_space<hbm>>
    %dma_start3A_334 = arith.constant 10000 : i32
    %dma_start3A_335 = tpu.memref_slice %arg6[%dma_start3A_334] : memref<50000xf32, #tpu.memory_space<hbm>> -> memref<10000xf32, #tpu.memory_space<hbm>>
    tpu.enqueue_dma source(%dma_start3A_335 : memref<10000xf32, #tpu.memory_space<hbm>>) target(%arg16 : memref<10000xf32, #tpu.memory_space<vmem>>) target_semaphore(%arg27 : memref<!tpu.dma_semaphore, #tpu.memory_space<semaphore_mem>>)
    %parallel_loop3A = arith.constant 0 : i32
    %parallel_loop3A_336 = arith.constant 625 : i32
    %parallel_loop3A_337 = arith.constant 1 : i32
    scf.for %parallel_loop3A_674 = %parallel_loop3A to %parallel_loop3A_336 step %parallel_loop3A_337  : i32 {
      %parallel_loop3A_675 = arith.constant 0.000000e+00 : f32
      %parallel_loop3A_676 = vector.broadcast %parallel_loop3A_675 : f32 to vector<16xf32>
      %parallel_loop3A_677 = arith.constant 16 : i32
      %parallel_loop3A_678 = arith.muli %parallel_loop3A_674, %parallel_loop3A_677 : i32
      %parallel_loop3A_679 = arith.index_cast %parallel_loop3A_678 : i32 to index
      %parallel_loop3A_680 = tpu.vector_load %arg17[%parallel_loop3A_679] {strides = array<i32>} : memref<10000xf32, #tpu.memory_space<vmem>>, vector<16xf32>,
      tpu.vector_store %arg17[%parallel_loop3A_679], %parallel_loop3A_676 {strides = array<i32>} : memref<10000xf32, #tpu.memory_space<vmem>>, vector<16xf32>,
    } {sc.loop_unroll_factor = 8 : i64, sc.parallel_access}
    %parallel_loop3A_338 = arith.constant 0 : i32
    %parallel_loop3A_339 = arith.constant 625 : i32
    %parallel_loop3A_340 = arith.constant 1 : i32
    scf.for %parallel_loop3A_674 = %parallel_loop3A_338 to %parallel_loop3A_339 step %parallel_loop3A_340  : i32 {
      %parallel_loop3A_675 = arith.constant 0.000000e+00 : f32
      %parallel_loop3A_676 = vector.broadcast %parallel_loop3A_675 : f32 to vector<16xf32>
      %parallel_loop3A_677 = arith.constant 16 : i32
      %parallel_loop3A_678 = arith.muli %parallel_loop3A_674, %parallel_loop3A_677 : i32
      %parallel_loop3A_679 = arith.index_cast %parallel_loop3A_678 : i32 to index
      %parallel_loop3A_680 = tpu.vector_load %arg18[%parallel_loop3A_679] {strides = array<i32>} : memref<10000xf32, #tpu.memory_space<vmem>>, vector<16xf32>,
      tpu.vector_store %arg18[%parallel_loop3A_679], %parallel_loop3A_676 {strides = array<i32>} : memref<10000xf32, #tpu.memory_space<vmem>>, vector<16xf32>,
    } {sc.loop_unroll_factor = 8 : i64, sc.parallel_access}
    %parallel_loop3A_341 = arith.constant 0 : i32
    %parallel_loop3A_342 = arith.constant 625 : i32
    %parallel_loop3A_343 = arith.constant 1 : i32
    scf.for %parallel_loop3A_674 = %parallel_loop3A_341 to %parallel_loop3A_342 step %parallel_loop3A_343  : i32 {
      %parallel_loop3A_675 = arith.constant 0.000000e+00 : f32
      %parallel_loop3A_676 = vector.broadcast %parallel_loop3A_675 : f32 to vector<16xf32>
      %parallel_loop3A_677 = arith.constant 16 : i32
      %parallel_loop3A_678 = arith.muli %parallel_loop3A_674, %parallel_loop3A_677 : i32
      %parallel_loop3A_679 = arith.index_cast %parallel_loop3A_678 : i32 to index
      %parallel_loop3A_680 = tpu.vector_load %arg19[%parallel_loop3A_679] {strides = array<i32>} : memref<10000xf32, #tpu.memory_space<vmem>>, vector<16xf32>,
      tpu.vector_store %arg19[%parallel_loop3A_679], %parallel_loop3A_676 {strides = array<i32>} : memref<10000xf32, #tpu.memory_space<vmem>>, vector<16xf32>,
    } {sc.loop_unroll_factor = 8 : i64, sc.parallel_access}
    %parallel_loop3A_344 = arith.constant 0 : i32
    %parallel_loop3A_345 = arith.constant 625 : i32
    %parallel_loop3A_346 = arith.constant 1 : i32
    scf.for %parallel_loop3A_674 = %parallel_loop3A_344 to %parallel_loop3A_345 step %parallel_loop3A_346  : i32 {
      %parallel_loop3A_675 = arith.constant 0.000000e+00 : f32
      %parallel_loop3A_676 = vector.broadcast %parallel_loop3A_675 : f32 to vector<16xf32>
      %parallel_loop3A_677 = arith.constant 16 : i32
      %parallel_loop3A_678 = arith.muli %parallel_loop3A_674, %parallel_loop3A_677 : i32
      %parallel_loop3A_679 = arith.index_cast %parallel_loop3A_678 : i32 to index
      %parallel_loop3A_680 = tpu.vector_load %arg20[%parallel_loop3A_679] {strides = array<i32>} : memref<10000xf32, #tpu.memory_space<vmem>>, vector<16xf32>,
      tpu.vector_store %arg20[%parallel_loop3A_679], %parallel_loop3A_676 {strides = array<i32>} : memref<10000xf32, #tpu.memory_space<vmem>>, vector<16xf32>,
    } {sc.loop_unroll_factor = 8 : i64, sc.parallel_access}
    %parallel_loop3A_347 = arith.constant 0 : i32
    %parallel_loop3A_348 = arith.constant 625 : i32
    %parallel_loop3A_349 = arith.constant 1 : i32
    scf.for %parallel_loop3A_674 = %parallel_loop3A_347 to %parallel_loop3A_348 step %parallel_loop3A_349  : i32 {
      %parallel_loop3A_675 = arith.constant 0.000000e+00 : f32
      %parallel_loop3A_676 = vector.broadcast %parallel_loop3A_675 : f32 to vector<16xf32>
      %parallel_loop3A_677 = arith.constant 16 : i32
      %parallel_loop3A_678 = arith.muli %parallel_loop3A_674, %parallel_loop3A_677 : i32
      %parallel_loop3A_679 = arith.index_cast %parallel_loop3A_678 : i32 to index
      %parallel_loop3A_680 = tpu.vector_load %arg21[%parallel_loop3A_679] {strides = array<i32>} : memref<10000xf32, #tpu.memory_space<vmem>>, vector<16xf32>,
      tpu.vector_store %arg21[%parallel_loop3A_679], %parallel_loop3A_676 {strides = array<i32>} : memref<10000xf32, #tpu.memory_space<vmem>>, vector<16xf32>,
    } {sc.loop_unroll_factor = 8 : i64, sc.parallel_access}
    %dma_wait3A = arith.constant 0 : i32
    %dma_wait3A_350 = tpu.memref_slice %arg22[%dma_wait3A] : memref<20480xf32, #tpu.memory_space<vmem>> -> memref<640xf32, #tpu.memory_space<vmem>>
    %dma_wait3A_351 = tpu.memref_slice %arg5[%add3A_6] : memref<327680xf32, #tpu.memory_space<hbm>> -> memref<640xf32, #tpu.memory_space<hbm>>
    %dma_wait3A_352 = arith.constant 0 : i32
    %dma_wait3A_353 = tpu.memref_slice %arg22[%dma_wait3A_352] : memref<20480xf32, #tpu.memory_space<vmem>> -> memref<640xf32, #tpu.memory_space<vmem>>
    %dma_wait3A_354 = tpu.memref_slice %arg5[%add3A_6] : memref<327680xf32, #tpu.memory_space<hbm>> -> memref<640xf32, #tpu.memory_space<hbm>>
    tpu.wait_dma2 semaphore(%arg32 : memref<!tpu.dma_semaphore, #tpu.memory_space<semaphore_mem>>) src(%dma_wait3A_354 : memref<640xf32, #tpu.memory_space<hbm>>) dst(%dma_wait3A_353 : memref<640xf32, #tpu.memory_space<vmem>>)
    %dma_wait3A_355 = arith.constant 640 : i32
    %dma_wait3A_356 = tpu.memref_slice %arg22[%dma_wait3A_355] : memref<20480xf32, #tpu.memory_space<vmem>> -> memref<640xf32, #tpu.memory_space<vmem>>
    %dma_wait3A_357 = tpu.memref_slice %arg5[%add3A_15] : memref<327680xf32, #tpu.memory_space<hbm>> -> memref<640xf32, #tpu.memory_space<hbm>>
    %dma_wait3A_358 = arith.constant 640 : i32
    %dma_wait3A_359 = tpu.memref_slice %arg22[%dma_wait3A_358] : memref<20480xf32, #tpu.memory_space<vmem>> -> memref<640xf32, #tpu.memory_space<vmem>>
    %dma_wait3A_360 = tpu.memref_slice %arg5[%add3A_15] : memref<327680xf32, #tpu.memory_space<hbm>> -> memref<640xf32, #tpu.memory_space<hbm>>
    tpu.wait_dma2 semaphore(%arg32 : memref<!tpu.dma_semaphore, #tpu.memory_space<semaphore_mem>>) src(%dma_wait3A_360 : memref<640xf32, #tpu.memory_space<hbm>>) dst(%dma_wait3A_359 : memref<640xf32, #tpu.memory_space<vmem>>)
    %dma_wait3A_361 = arith.constant 1280 : i32
    %dma_wait3A_362 = tpu.memref_slice %arg22[%dma_wait3A_361] : memref<20480xf32, #tpu.memory_space<vmem>> -> memref<640xf32, #tpu.memory_space<vmem>>
    %dma_wait3A_363 = tpu.memref_slice %arg5[%add3A_25] : memref<327680xf32, #tpu.memory_space<hbm>> -> memref<640xf32, #tpu.memory_space<hbm>>
    %dma_wait3A_364 = arith.constant 1280 : i32
    %dma_wait3A_365 = tpu.memref_slice %arg22[%dma_wait3A_364] : memref<20480xf32, #tpu.memory_space<vmem>> -> memref<640xf32, #tpu.memory_space<vmem>>
    %dma_wait3A_366 = tpu.memref_slice %arg5[%add3A_25] : memref<327680xf32, #tpu.memory_space<hbm>> -> memref<640xf32, #tpu.memory_space<hbm>>
    tpu.wait_dma2 semaphore(%arg32 : memref<!tpu.dma_semaphore, #tpu.memory_space<semaphore_mem>>) src(%dma_wait3A_366 : memref<640xf32, #tpu.memory_space<hbm>>) dst(%dma_wait3A_365 : memref<640xf32, #tpu.memory_space<vmem>>)
    %dma_wait3A_367 = arith.constant 1920 : i32
    %dma_wait3A_368 = tpu.memref_slice %arg22[%dma_wait3A_367] : memref<20480xf32, #tpu.memory_space<vmem>> -> memref<640xf32, #tpu.memory_space<vmem>>
    %dma_wait3A_369 = tpu.memref_slice %arg5[%add3A_35] : memref<327680xf32, #tpu.memory_space<hbm>> -> memref<640xf32, #tpu.memory_space<hbm>>
    %dma_wait3A_370 = arith.constant 1920 : i32
    %dma_wait3A_371 = tpu.memref_slice %arg22[%dma_wait3A_370] : memref<20480xf32, #tpu.memory_space<vmem>> -> memref<640xf32, #tpu.memory_space<vmem>>
    %dma_wait3A_372 = tpu.memref_slice %arg5[%add3A_35] : memref<327680xf32, #tpu.memory_space<hbm>> -> memref<640xf32, #tpu.memory_space<hbm>>
    tpu.wait_dma2 semaphore(%arg32 : memref<!tpu.dma_semaphore, #tpu.memory_space<semaphore_mem>>) src(%dma_wait3A_372 : memref<640xf32, #tpu.memory_space<hbm>>) dst(%dma_wait3A_371 : memref<640xf32, #tpu.memory_space<vmem>>)
    %dma_wait3A_373 = arith.constant 2560 : i32
    %dma_wait3A_374 = tpu.memref_slice %arg22[%dma_wait3A_373] : memref<20480xf32, #tpu.memory_space<vmem>> -> memref<640xf32, #tpu.memory_space<vmem>>
    %dma_wait3A_375 = tpu.memref_slice %arg5[%add3A_45] : memref<327680xf32, #tpu.memory_space<hbm>> -> memref<640xf32, #tpu.memory_space<hbm>>
    %dma_wait3A_376 = arith.constant 2560 : i32
    %dma_wait3A_377 = tpu.memref_slice %arg22[%dma_wait3A_376] : memref<20480xf32, #tpu.memory_space<vmem>> -> memref<640xf32, #tpu.memory_space<vmem>>
    %dma_wait3A_378 = tpu.memref_slice %arg5[%add3A_45] : memref<327680xf32, #tpu.memory_space<hbm>> -> memref<640xf32, #tpu.memory_space<hbm>>
    tpu.wait_dma2 semaphore(%arg32 : memref<!tpu.dma_semaphore, #tpu.memory_space<semaphore_mem>>) src(%dma_wait3A_378 : memref<640xf32, #tpu.memory_space<hbm>>) dst(%dma_wait3A_377 : memref<640xf32, #tpu.memory_space<vmem>>)
    %dma_wait3A_379 = arith.constant 3200 : i32
    %dma_wait3A_380 = tpu.memref_slice %arg22[%dma_wait3A_379] : memref<20480xf32, #tpu.memory_space<vmem>> -> memref<640xf32, #tpu.memory_space<vmem>>
    %dma_wait3A_381 = tpu.memref_slice %arg5[%add3A_55] : memref<327680xf32, #tpu.memory_space<hbm>> -> memref<640xf32, #tpu.memory_space<hbm>>
    %dma_wait3A_382 = arith.constant 3200 : i32
    %dma_wait3A_383 = tpu.memref_slice %arg22[%dma_wait3A_382] : memref<20480xf32, #tpu.memory_space<vmem>> -> memref<640xf32, #tpu.memory_space<vmem>>
    %dma_wait3A_384 = tpu.memref_slice %arg5[%add3A_55] : memref<327680xf32, #tpu.memory_space<hbm>> -> memref<640xf32, #tpu.memory_space<hbm>>
    tpu.wait_dma2 semaphore(%arg32 : memref<!tpu.dma_semaphore, #tpu.memory_space<semaphore_mem>>) src(%dma_wait3A_384 : memref<640xf32, #tpu.memory_space<hbm>>) dst(%dma_wait3A_383 : memref<640xf32, #tpu.memory_space<vmem>>)
    %dma_wait3A_385 = arith.constant 3840 : i32
    %dma_wait3A_386 = tpu.memref_slice %arg22[%dma_wait3A_385] : memref<20480xf32, #tpu.memory_space<vmem>> -> memref<640xf32, #tpu.memory_space<vmem>>
    %dma_wait3A_387 = tpu.memref_slice %arg5[%add3A_65] : memref<327680xf32, #tpu.memory_space<hbm>> -> memref<640xf32, #tpu.memory_space<hbm>>
    %dma_wait3A_388 = arith.constant 3840 : i32
    %dma_wait3A_389 = tpu.memref_slice %arg22[%dma_wait3A_388] : memref<20480xf32, #tpu.memory_space<vmem>> -> memref<640xf32, #tpu.memory_space<vmem>>
    %dma_wait3A_390 = tpu.memref_slice %arg5[%add3A_65] : memref<327680xf32, #tpu.memory_space<hbm>> -> memref<640xf32, #tpu.memory_space<hbm>>
    tpu.wait_dma2 semaphore(%arg32 : memref<!tpu.dma_semaphore, #tpu.memory_space<semaphore_mem>>) src(%dma_wait3A_390 : memref<640xf32, #tpu.memory_space<hbm>>) dst(%dma_wait3A_389 : memref<640xf32, #tpu.memory_space<vmem>>)
    %dma_wait3A_391 = arith.constant 4480 : i32
    %dma_wait3A_392 = tpu.memref_slice %arg22[%dma_wait3A_391] : memref<20480xf32, #tpu.memory_space<vmem>> -> memref<640xf32, #tpu.memory_space<vmem>>
    %dma_wait3A_393 = tpu.memref_slice %arg5[%add3A_75] : memref<327680xf32, #tpu.memory_space<hbm>> -> memref<640xf32, #tpu.memory_space<hbm>>
    %dma_wait3A_394 = arith.constant 4480 : i32
    %dma_wait3A_395 = tpu.memref_slice %arg22[%dma_wait3A_394] : memref<20480xf32, #tpu.memory_space<vmem>> -> memref<640xf32, #tpu.memory_space<vmem>>
    %dma_wait3A_396 = tpu.memref_slice %arg5[%add3A_75] : memref<327680xf32, #tpu.memory_space<hbm>> -> memref<640xf32, #tpu.memory_space<hbm>>
    tpu.wait_dma2 semaphore(%arg32 : memref<!tpu.dma_semaphore, #tpu.memory_space<semaphore_mem>>) src(%dma_wait3A_396 : memref<640xf32, #tpu.memory_space<hbm>>) dst(%dma_wait3A_395 : memref<640xf32, #tpu.memory_space<vmem>>)
    %dma_wait3A_397 = arith.constant 5120 : i32
    %dma_wait3A_398 = tpu.memref_slice %arg22[%dma_wait3A_397] : memref<20480xf32, #tpu.memory_space<vmem>> -> memref<640xf32, #tpu.memory_space<vmem>>
    %dma_wait3A_399 = tpu.memref_slice %arg5[%add3A_85] : memref<327680xf32, #tpu.memory_space<hbm>> -> memref<640xf32, #tpu.memory_space<hbm>>
    %dma_wait3A_400 = arith.constant 5120 : i32
    %dma_wait3A_401 = tpu.memref_slice %arg22[%dma_wait3A_400] : memref<20480xf32, #tpu.memory_space<vmem>> -> memref<640xf32, #tpu.memory_space<vmem>>
    %dma_wait3A_402 = tpu.memref_slice %arg5[%add3A_85] : memref<327680xf32, #tpu.memory_space<hbm>> -> memref<640xf32, #tpu.memory_space<hbm>>
    tpu.wait_dma2 semaphore(%arg32 : memref<!tpu.dma_semaphore, #tpu.memory_space<semaphore_mem>>) src(%dma_wait3A_402 : memref<640xf32, #tpu.memory_space<hbm>>) dst(%dma_wait3A_401 : memref<640xf32, #tpu.memory_space<vmem>>)
    %dma_wait3A_403 = arith.constant 5760 : i32
    %dma_wait3A_404 = tpu.memref_slice %arg22[%dma_wait3A_403] : memref<20480xf32, #tpu.memory_space<vmem>> -> memref<640xf32, #tpu.memory_space<vmem>>
    %dma_wait3A_405 = tpu.memref_slice %arg5[%add3A_95] : memref<327680xf32, #tpu.memory_space<hbm>> -> memref<640xf32, #tpu.memory_space<hbm>>
    %dma_wait3A_406 = arith.constant 5760 : i32
    %dma_wait3A_407 = tpu.memref_slice %arg22[%dma_wait3A_406] : memref<20480xf32, #tpu.memory_space<vmem>> -> memref<640xf32, #tpu.memory_space<vmem>>
    %dma_wait3A_408 = tpu.memref_slice %arg5[%add3A_95] : memref<327680xf32, #tpu.memory_space<hbm>> -> memref<640xf32, #tpu.memory_space<hbm>>
    tpu.wait_dma2 semaphore(%arg32 : memref<!tpu.dma_semaphore, #tpu.memory_space<semaphore_mem>>) src(%dma_wait3A_408 : memref<640xf32, #tpu.memory_space<hbm>>) dst(%dma_wait3A_407 : memref<640xf32, #tpu.memory_space<vmem>>)
    %dma_wait3A_409 = arith.constant 6400 : i32
    %dma_wait3A_410 = tpu.memref_slice %arg22[%dma_wait3A_409] : memref<20480xf32, #tpu.memory_space<vmem>> -> memref<640xf32, #tpu.memory_space<vmem>>
    %dma_wait3A_411 = tpu.memref_slice %arg5[%add3A_105] : memref<327680xf32, #tpu.memory_space<hbm>> -> memref<640xf32, #tpu.memory_space<hbm>>
    %dma_wait3A_412 = arith.constant 6400 : i32
    %dma_wait3A_413 = tpu.memref_slice %arg22[%dma_wait3A_412] : memref<20480xf32, #tpu.memory_space<vmem>> -> memref<640xf32, #tpu.memory_space<vmem>>
    %dma_wait3A_414 = tpu.memref_slice %arg5[%add3A_105] : memref<327680xf32, #tpu.memory_space<hbm>> -> memref<640xf32, #tpu.memory_space<hbm>>
    tpu.wait_dma2 semaphore(%arg32 : memref<!tpu.dma_semaphore, #tpu.memory_space<semaphore_mem>>) src(%dma_wait3A_414 : memref<640xf32, #tpu.memory_space<hbm>>) dst(%dma_wait3A_413 : memref<640xf32, #tpu.memory_space<vmem>>)
    %dma_wait3A_415 = arith.constant 7040 : i32
    %dma_wait3A_416 = tpu.memref_slice %arg22[%dma_wait3A_415] : memref<20480xf32, #tpu.memory_space<vmem>> -> memref<640xf32, #tpu.memory_space<vmem>>
    %dma_wait3A_417 = tpu.memref_slice %arg5[%add3A_115] : memref<327680xf32, #tpu.memory_space<hbm>> -> memref<640xf32, #tpu.memory_space<hbm>>
    %dma_wait3A_418 = arith.constant 7040 : i32
    %dma_wait3A_419 = tpu.memref_slice %arg22[%dma_wait3A_418] : memref<20480xf32, #tpu.memory_space<vmem>> -> memref<640xf32, #tpu.memory_space<vmem>>
    %dma_wait3A_420 = tpu.memref_slice %arg5[%add3A_115] : memref<327680xf32, #tpu.memory_space<hbm>> -> memref<640xf32, #tpu.memory_space<hbm>>
    tpu.wait_dma2 semaphore(%arg32 : memref<!tpu.dma_semaphore, #tpu.memory_space<semaphore_mem>>) src(%dma_wait3A_420 : memref<640xf32, #tpu.memory_space<hbm>>) dst(%dma_wait3A_419 : memref<640xf32, #tpu.memory_space<vmem>>)
    %dma_wait3A_421 = arith.constant 7680 : i32
    %dma_wait3A_422 = tpu.memref_slice %arg22[%dma_wait3A_421] : memref<20480xf32, #tpu.memory_space<vmem>> -> memref<640xf32, #tpu.memory_space<vmem>>
    %dma_wait3A_423 = tpu.memref_slice %arg5[%add3A_125] : memref<327680xf32, #tpu.memory_space<hbm>> -> memref<640xf32, #tpu.memory_space<hbm>>
    %dma_wait3A_424 = arith.constant 7680 : i32
    %dma_wait3A_425 = tpu.memref_slice %arg22[%dma_wait3A_424] : memref<20480xf32, #tpu.memory_space<vmem>> -> memref<640xf32, #tpu.memory_space<vmem>>
    %dma_wait3A_426 = tpu.memref_slice %arg5[%add3A_125] : memref<327680xf32, #tpu.memory_space<hbm>> -> memref<640xf32, #tpu.memory_space<hbm>>
    tpu.wait_dma2 semaphore(%arg32 : memref<!tpu.dma_semaphore, #tpu.memory_space<semaphore_mem>>) src(%dma_wait3A_426 : memref<640xf32, #tpu.memory_space<hbm>>) dst(%dma_wait3A_425 : memref<640xf32, #tpu.memory_space<vmem>>)
    %dma_wait3A_427 = arith.constant 8320 : i32
    %dma_wait3A_428 = tpu.memref_slice %arg22[%dma_wait3A_427] : memref<20480xf32, #tpu.memory_space<vmem>> -> memref<640xf32, #tpu.memory_space<vmem>>
    %dma_wait3A_429 = tpu.memref_slice %arg5[%add3A_135] : memref<327680xf32, #tpu.memory_space<hbm>> -> memref<640xf32, #tpu.memory_space<hbm>>
    %dma_wait3A_430 = arith.constant 8320 : i32
    %dma_wait3A_431 = tpu.memref_slice %arg22[%dma_wait3A_430] : memref<20480xf32, #tpu.memory_space<vmem>> -> memref<640xf32, #tpu.memory_space<vmem>>
    %dma_wait3A_432 = tpu.memref_slice %arg5[%add3A_135] : memref<327680xf32, #tpu.memory_space<hbm>> -> memref<640xf32, #tpu.memory_space<hbm>>
    tpu.wait_dma2 semaphore(%arg32 : memref<!tpu.dma_semaphore, #tpu.memory_space<semaphore_mem>>) src(%dma_wait3A_432 : memref<640xf32, #tpu.memory_space<hbm>>) dst(%dma_wait3A_431 : memref<640xf32, #tpu.memory_space<vmem>>)
    %dma_wait3A_433 = arith.constant 8960 : i32
    %dma_wait3A_434 = tpu.memref_slice %arg22[%dma_wait3A_433] : memref<20480xf32, #tpu.memory_space<vmem>> -> memref<640xf32, #tpu.memory_space<vmem>>
    %dma_wait3A_435 = tpu.memref_slice %arg5[%add3A_145] : memref<327680xf32, #tpu.memory_space<hbm>> -> memref<640xf32, #tpu.memory_space<hbm>>
    %dma_wait3A_436 = arith.constant 8960 : i32
    %dma_wait3A_437 = tpu.memref_slice %arg22[%dma_wait3A_436] : memref<20480xf32, #tpu.memory_space<vmem>> -> memref<640xf32, #tpu.memory_space<vmem>>
    %dma_wait3A_438 = tpu.memref_slice %arg5[%add3A_145] : memref<327680xf32, #tpu.memory_space<hbm>> -> memref<640xf32, #tpu.memory_space<hbm>>
    tpu.wait_dma2 semaphore(%arg32 : memref<!tpu.dma_semaphore, #tpu.memory_space<semaphore_mem>>) src(%dma_wait3A_438 : memref<640xf32, #tpu.memory_space<hbm>>) dst(%dma_wait3A_437 : memref<640xf32, #tpu.memory_space<vmem>>)
    %dma_wait3A_439 = arith.constant 9600 : i32
    %dma_wait3A_440 = tpu.memref_slice %arg22[%dma_wait3A_439] : memref<20480xf32, #tpu.memory_space<vmem>> -> memref<640xf32, #tpu.memory_space<vmem>>
    %dma_wait3A_441 = tpu.memref_slice %arg5[%add3A_155] : memref<327680xf32, #tpu.memory_space<hbm>> -> memref<640xf32, #tpu.memory_space<hbm>>
    %dma_wait3A_442 = arith.constant 9600 : i32
    %dma_wait3A_443 = tpu.memref_slice %arg22[%dma_wait3A_442] : memref<20480xf32, #tpu.memory_space<vmem>> -> memref<640xf32, #tpu.memory_space<vmem>>
    %dma_wait3A_444 = tpu.memref_slice %arg5[%add3A_155] : memref<327680xf32, #tpu.memory_space<hbm>> -> memref<640xf32, #tpu.memory_space<hbm>>
    tpu.wait_dma2 semaphore(%arg32 : memref<!tpu.dma_semaphore, #tpu.memory_space<semaphore_mem>>) src(%dma_wait3A_444 : memref<640xf32, #tpu.memory_space<hbm>>) dst(%dma_wait3A_443 : memref<640xf32, #tpu.memory_space<vmem>>)
    %dma_wait3A_445 = arith.constant 10240 : i32
    %dma_wait3A_446 = tpu.memref_slice %arg22[%dma_wait3A_445] : memref<20480xf32, #tpu.memory_space<vmem>> -> memref<640xf32, #tpu.memory_space<vmem>>
    %dma_wait3A_447 = tpu.memref_slice %arg5[%add3A_165] : memref<327680xf32, #tpu.memory_space<hbm>> -> memref<640xf32, #tpu.memory_space<hbm>>
    %dma_wait3A_448 = arith.constant 10240 : i32
    %dma_wait3A_449 = tpu.memref_slice %arg22[%dma_wait3A_448] : memref<20480xf32, #tpu.memory_space<vmem>> -> memref<640xf32, #tpu.memory_space<vmem>>
    %dma_wait3A_450 = tpu.memref_slice %arg5[%add3A_165] : memref<327680xf32, #tpu.memory_space<hbm>> -> memref<640xf32, #tpu.memory_space<hbm>>
    tpu.wait_dma2 semaphore(%arg32 : memref<!tpu.dma_semaphore, #tpu.memory_space<semaphore_mem>>) src(%dma_wait3A_450 : memref<640xf32, #tpu.memory_space<hbm>>) dst(%dma_wait3A_449 : memref<640xf32, #tpu.memory_space<vmem>>)
    %dma_wait3A_451 = arith.constant 10880 : i32
    %dma_wait3A_452 = tpu.memref_slice %arg22[%dma_wait3A_451] : memref<20480xf32, #tpu.memory_space<vmem>> -> memref<640xf32, #tpu.memory_space<vmem>>
    %dma_wait3A_453 = tpu.memref_slice %arg5[%add3A_175] : memref<327680xf32, #tpu.memory_space<hbm>> -> memref<640xf32, #tpu.memory_space<hbm>>
    %dma_wait3A_454 = arith.constant 10880 : i32
    %dma_wait3A_455 = tpu.memref_slice %arg22[%dma_wait3A_454] : memref<20480xf32, #tpu.memory_space<vmem>> -> memref<640xf32, #tpu.memory_space<vmem>>
    %dma_wait3A_456 = tpu.memref_slice %arg5[%add3A_175] : memref<327680xf32, #tpu.memory_space<hbm>> -> memref<640xf32, #tpu.memory_space<hbm>>
    tpu.wait_dma2 semaphore(%arg32 : memref<!tpu.dma_semaphore, #tpu.memory_space<semaphore_mem>>) src(%dma_wait3A_456 : memref<640xf32, #tpu.memory_space<hbm>>) dst(%dma_wait3A_455 : memref<640xf32, #tpu.memory_space<vmem>>)
    %dma_wait3A_457 = arith.constant 11520 : i32
    %dma_wait3A_458 = tpu.memref_slice %arg22[%dma_wait3A_457] : memref<20480xf32, #tpu.memory_space<vmem>> -> memref<640xf32, #tpu.memory_space<vmem>>
    %dma_wait3A_459 = tpu.memref_slice %arg5[%add3A_185] : memref<327680xf32, #tpu.memory_space<hbm>> -> memref<640xf32, #tpu.memory_space<hbm>>
    %dma_wait3A_460 = arith.constant 11520 : i32
    %dma_wait3A_461 = tpu.memref_slice %arg22[%dma_wait3A_460] : memref<20480xf32, #tpu.memory_space<vmem>> -> memref<640xf32, #tpu.memory_space<vmem>>
    %dma_wait3A_462 = tpu.memref_slice %arg5[%add3A_185] : memref<327680xf32, #tpu.memory_space<hbm>> -> memref<640xf32, #tpu.memory_space<hbm>>
    tpu.wait_dma2 semaphore(%arg32 : memref<!tpu.dma_semaphore, #tpu.memory_space<semaphore_mem>>) src(%dma_wait3A_462 : memref<640xf32, #tpu.memory_space<hbm>>) dst(%dma_wait3A_461 : memref<640xf32, #tpu.memory_space<vmem>>)
    %dma_wait3A_463 = arith.constant 12160 : i32
    %dma_wait3A_464 = tpu.memref_slice %arg22[%dma_wait3A_463] : memref<20480xf32, #tpu.memory_space<vmem>> -> memref<640xf32, #tpu.memory_space<vmem>>
    %dma_wait3A_465 = tpu.memref_slice %arg5[%add3A_195] : memref<327680xf32, #tpu.memory_space<hbm>> -> memref<640xf32, #tpu.memory_space<hbm>>
    %dma_wait3A_466 = arith.constant 12160 : i32
    %dma_wait3A_467 = tpu.memref_slice %arg22[%dma_wait3A_466] : memref<20480xf32, #tpu.memory_space<vmem>> -> memref<640xf32, #tpu.memory_space<vmem>>
    %dma_wait3A_468 = tpu.memref_slice %arg5[%add3A_195] : memref<327680xf32, #tpu.memory_space<hbm>> -> memref<640xf32, #tpu.memory_space<hbm>>
    tpu.wait_dma2 semaphore(%arg32 : memref<!tpu.dma_semaphore, #tpu.memory_space<semaphore_mem>>) src(%dma_wait3A_468 : memref<640xf32, #tpu.memory_space<hbm>>) dst(%dma_wait3A_467 : memref<640xf32, #tpu.memory_space<vmem>>)
    %dma_wait3A_469 = arith.constant 12800 : i32
    %dma_wait3A_470 = tpu.memref_slice %arg22[%dma_wait3A_469] : memref<20480xf32, #tpu.memory_space<vmem>> -> memref<640xf32, #tpu.memory_space<vmem>>
    %dma_wait3A_471 = tpu.memref_slice %arg5[%add3A_205] : memref<327680xf32, #tpu.memory_space<hbm>> -> memref<640xf32, #tpu.memory_space<hbm>>
    %dma_wait3A_472 = arith.constant 12800 : i32
    %dma_wait3A_473 = tpu.memref_slice %arg22[%dma_wait3A_472] : memref<20480xf32, #tpu.memory_space<vmem>> -> memref<640xf32, #tpu.memory_space<vmem>>
    %dma_wait3A_474 = tpu.memref_slice %arg5[%add3A_205] : memref<327680xf32, #tpu.memory_space<hbm>> -> memref<640xf32, #tpu.memory_space<hbm>>
    tpu.wait_dma2 semaphore(%arg32 : memref<!tpu.dma_semaphore, #tpu.memory_space<semaphore_mem>>) src(%dma_wait3A_474 : memref<640xf32, #tpu.memory_space<hbm>>) dst(%dma_wait3A_473 : memref<640xf32, #tpu.memory_space<vmem>>)
    %dma_wait3A_475 = arith.constant 13440 : i32
    %dma_wait3A_476 = tpu.memref_slice %arg22[%dma_wait3A_475] : memref<20480xf32, #tpu.memory_space<vmem>> -> memref<640xf32, #tpu.memory_space<vmem>>
    %dma_wait3A_477 = tpu.memref_slice %arg5[%add3A_215] : memref<327680xf32, #tpu.memory_space<hbm>> -> memref<640xf32, #tpu.memory_space<hbm>>
    %dma_wait3A_478 = arith.constant 13440 : i32
    %dma_wait3A_479 = tpu.memref_slice %arg22[%dma_wait3A_478] : memref<20480xf32, #tpu.memory_space<vmem>> -> memref<640xf32, #tpu.memory_space<vmem>>
    %dma_wait3A_480 = tpu.memref_slice %arg5[%add3A_215] : memref<327680xf32, #tpu.memory_space<hbm>> -> memref<640xf32, #tpu.memory_space<hbm>>
    tpu.wait_dma2 semaphore(%arg32 : memref<!tpu.dma_semaphore, #tpu.memory_space<semaphore_mem>>) src(%dma_wait3A_480 : memref<640xf32, #tpu.memory_space<hbm>>) dst(%dma_wait3A_479 : memref<640xf32, #tpu.memory_space<vmem>>)
    %dma_wait3A_481 = arith.constant 14080 : i32
    %dma_wait3A_482 = tpu.memref_slice %arg22[%dma_wait3A_481] : memref<20480xf32, #tpu.memory_space<vmem>> -> memref<640xf32, #tpu.memory_space<vmem>>
    %dma_wait3A_483 = tpu.memref_slice %arg5[%add3A_225] : memref<327680xf32, #tpu.memory_space<hbm>> -> memref<640xf32, #tpu.memory_space<hbm>>
    %dma_wait3A_484 = arith.constant 14080 : i32
    %dma_wait3A_485 = tpu.memref_slice %arg22[%dma_wait3A_484] : memref<20480xf32, #tpu.memory_space<vmem>> -> memref<640xf32, #tpu.memory_space<vmem>>
    %dma_wait3A_486 = tpu.memref_slice %arg5[%add3A_225] : memref<327680xf32, #tpu.memory_space<hbm>> -> memref<640xf32, #tpu.memory_space<hbm>>
    tpu.wait_dma2 semaphore(%arg32 : memref<!tpu.dma_semaphore, #tpu.memory_space<semaphore_mem>>) src(%dma_wait3A_486 : memref<640xf32, #tpu.memory_space<hbm>>) dst(%dma_wait3A_485 : memref<640xf32, #tpu.memory_space<vmem>>)
    %dma_wait3A_487 = arith.constant 14720 : i32
    %dma_wait3A_488 = tpu.memref_slice %arg22[%dma_wait3A_487] : memref<20480xf32, #tpu.memory_space<vmem>> -> memref<640xf32, #tpu.memory_space<vmem>>
    %dma_wait3A_489 = tpu.memref_slice %arg5[%add3A_235] : memref<327680xf32, #tpu.memory_space<hbm>> -> memref<640xf32, #tpu.memory_space<hbm>>
    %dma_wait3A_490 = arith.constant 14720 : i32
    %dma_wait3A_491 = tpu.memref_slice %arg22[%dma_wait3A_490] : memref<20480xf32, #tpu.memory_space<vmem>> -> memref<640xf32, #tpu.memory_space<vmem>>
    %dma_wait3A_492 = tpu.memref_slice %arg5[%add3A_235] : memref<327680xf32, #tpu.memory_space<hbm>> -> memref<640xf32, #tpu.memory_space<hbm>>
    tpu.wait_dma2 semaphore(%arg32 : memref<!tpu.dma_semaphore, #tpu.memory_space<semaphore_mem>>) src(%dma_wait3A_492 : memref<640xf32, #tpu.memory_space<hbm>>) dst(%dma_wait3A_491 : memref<640xf32, #tpu.memory_space<vmem>>)
    %dma_wait3A_493 = arith.constant 15360 : i32
    %dma_wait3A_494 = tpu.memref_slice %arg22[%dma_wait3A_493] : memref<20480xf32, #tpu.memory_space<vmem>> -> memref<640xf32, #tpu.memory_space<vmem>>
    %dma_wait3A_495 = tpu.memref_slice %arg5[%add3A_245] : memref<327680xf32, #tpu.memory_space<hbm>> -> memref<640xf32, #tpu.memory_space<hbm>>
    %dma_wait3A_496 = arith.constant 15360 : i32
    %dma_wait3A_497 = tpu.memref_slice %arg22[%dma_wait3A_496] : memref<20480xf32, #tpu.memory_space<vmem>> -> memref<640xf32, #tpu.memory_space<vmem>>
    %dma_wait3A_498 = tpu.memref_slice %arg5[%add3A_245] : memref<327680xf32, #tpu.memory_space<hbm>> -> memref<640xf32, #tpu.memory_space<hbm>>
    tpu.wait_dma2 semaphore(%arg32 : memref<!tpu.dma_semaphore, #tpu.memory_space<semaphore_mem>>) src(%dma_wait3A_498 : memref<640xf32, #tpu.memory_space<hbm>>) dst(%dma_wait3A_497 : memref<640xf32, #tpu.memory_space<vmem>>)
    %dma_wait3A_499 = arith.constant 16000 : i32
    %dma_wait3A_500 = tpu.memref_slice %arg22[%dma_wait3A_499] : memref<20480xf32, #tpu.memory_space<vmem>> -> memref<640xf32, #tpu.memory_space<vmem>>
    %dma_wait3A_501 = tpu.memref_slice %arg5[%add3A_255] : memref<327680xf32, #tpu.memory_space<hbm>> -> memref<640xf32, #tpu.memory_space<hbm>>
    %dma_wait3A_502 = arith.constant 16000 : i32
    %dma_wait3A_503 = tpu.memref_slice %arg22[%dma_wait3A_502] : memref<20480xf32, #tpu.memory_space<vmem>> -> memref<640xf32, #tpu.memory_space<vmem>>
    %dma_wait3A_504 = tpu.memref_slice %arg5[%add3A_255] : memref<327680xf32, #tpu.memory_space<hbm>> -> memref<640xf32, #tpu.memory_space<hbm>>
    tpu.wait_dma2 semaphore(%arg32 : memref<!tpu.dma_semaphore, #tpu.memory_space<semaphore_mem>>) src(%dma_wait3A_504 : memref<640xf32, #tpu.memory_space<hbm>>) dst(%dma_wait3A_503 : memref<640xf32, #tpu.memory_space<vmem>>)
    %dma_wait3A_505 = arith.constant 16640 : i32
    %dma_wait3A_506 = tpu.memref_slice %arg22[%dma_wait3A_505] : memref<20480xf32, #tpu.memory_space<vmem>> -> memref<640xf32, #tpu.memory_space<vmem>>
    %dma_wait3A_507 = tpu.memref_slice %arg5[%add3A_265] : memref<327680xf32, #tpu.memory_space<hbm>> -> memref<640xf32, #tpu.memory_space<hbm>>
    %dma_wait3A_508 = arith.constant 16640 : i32
    %dma_wait3A_509 = tpu.memref_slice %arg22[%dma_wait3A_508] : memref<20480xf32, #tpu.memory_space<vmem>> -> memref<640xf32, #tpu.memory_space<vmem>>
    %dma_wait3A_510 = tpu.memref_slice %arg5[%add3A_265] : memref<327680xf32, #tpu.memory_space<hbm>> -> memref<640xf32, #tpu.memory_space<hbm>>
    tpu.wait_dma2 semaphore(%arg32 : memref<!tpu.dma_semaphore, #tpu.memory_space<semaphore_mem>>) src(%dma_wait3A_510 : memref<640xf32, #tpu.memory_space<hbm>>) dst(%dma_wait3A_509 : memref<640xf32, #tpu.memory_space<vmem>>)
    %dma_wait3A_511 = arith.constant 17280 : i32
    %dma_wait3A_512 = tpu.memref_slice %arg22[%dma_wait3A_511] : memref<20480xf32, #tpu.memory_space<vmem>> -> memref<640xf32, #tpu.memory_space<vmem>>
    %dma_wait3A_513 = tpu.memref_slice %arg5[%add3A_275] : memref<327680xf32, #tpu.memory_space<hbm>> -> memref<640xf32, #tpu.memory_space<hbm>>
    %dma_wait3A_514 = arith.constant 17280 : i32
    %dma_wait3A_515 = tpu.memref_slice %arg22[%dma_wait3A_514] : memref<20480xf32, #tpu.memory_space<vmem>> -> memref<640xf32, #tpu.memory_space<vmem>>
    %dma_wait3A_516 = tpu.memref_slice %arg5[%add3A_275] : memref<327680xf32, #tpu.memory_space<hbm>> -> memref<640xf32, #tpu.memory_space<hbm>>
    tpu.wait_dma2 semaphore(%arg32 : memref<!tpu.dma_semaphore, #tpu.memory_space<semaphore_mem>>) src(%dma_wait3A_516 : memref<640xf32, #tpu.memory_space<hbm>>) dst(%dma_wait3A_515 : memref<640xf32, #tpu.memory_space<vmem>>)
    %dma_wait3A_517 = arith.constant 17920 : i32
    %dma_wait3A_518 = tpu.memref_slice %arg22[%dma_wait3A_517] : memref<20480xf32, #tpu.memory_space<vmem>> -> memref<640xf32, #tpu.memory_space<vmem>>
    %dma_wait3A_519 = tpu.memref_slice %arg5[%add3A_285] : memref<327680xf32, #tpu.memory_space<hbm>> -> memref<640xf32, #tpu.memory_space<hbm>>
    %dma_wait3A_520 = arith.constant 17920 : i32
    %dma_wait3A_521 = tpu.memref_slice %arg22[%dma_wait3A_520] : memref<20480xf32, #tpu.memory_space<vmem>> -> memref<640xf32, #tpu.memory_space<vmem>>
    %dma_wait3A_522 = tpu.memref_slice %arg5[%add3A_285] : memref<327680xf32, #tpu.memory_space<hbm>> -> memref<640xf32, #tpu.memory_space<hbm>>
    tpu.wait_dma2 semaphore(%arg32 : memref<!tpu.dma_semaphore, #tpu.memory_space<semaphore_mem>>) src(%dma_wait3A_522 : memref<640xf32, #tpu.memory_space<hbm>>) dst(%dma_wait3A_521 : memref<640xf32, #tpu.memory_space<vmem>>)
    %dma_wait3A_523 = arith.constant 18560 : i32
    %dma_wait3A_524 = tpu.memref_slice %arg22[%dma_wait3A_523] : memref<20480xf32, #tpu.memory_space<vmem>> -> memref<640xf32, #tpu.memory_space<vmem>>
    %dma_wait3A_525 = tpu.memref_slice %arg5[%add3A_295] : memref<327680xf32, #tpu.memory_space<hbm>> -> memref<640xf32, #tpu.memory_space<hbm>>
    %dma_wait3A_526 = arith.constant 18560 : i32
    %dma_wait3A_527 = tpu.memref_slice %arg22[%dma_wait3A_526] : memref<20480xf32, #tpu.memory_space<vmem>> -> memref<640xf32, #tpu.memory_space<vmem>>
    %dma_wait3A_528 = tpu.memref_slice %arg5[%add3A_295] : memref<327680xf32, #tpu.memory_space<hbm>> -> memref<640xf32, #tpu.memory_space<hbm>>
    tpu.wait_dma2 semaphore(%arg32 : memref<!tpu.dma_semaphore, #tpu.memory_space<semaphore_mem>>) src(%dma_wait3A_528 : memref<640xf32, #tpu.memory_space<hbm>>) dst(%dma_wait3A_527 : memref<640xf32, #tpu.memory_space<vmem>>)
    %dma_wait3A_529 = arith.constant 19200 : i32
    %dma_wait3A_530 = tpu.memref_slice %arg22[%dma_wait3A_529] : memref<20480xf32, #tpu.memory_space<vmem>> -> memref<640xf32, #tpu.memory_space<vmem>>
    %dma_wait3A_531 = tpu.memref_slice %arg5[%add3A_305] : memref<327680xf32, #tpu.memory_space<hbm>> -> memref<640xf32, #tpu.memory_space<hbm>>
    %dma_wait3A_532 = arith.constant 19200 : i32
    %dma_wait3A_533 = tpu.memref_slice %arg22[%dma_wait3A_532] : memref<20480xf32, #tpu.memory_space<vmem>> -> memref<640xf32, #tpu.memory_space<vmem>>
    %dma_wait3A_534 = tpu.memref_slice %arg5[%add3A_305] : memref<327680xf32, #tpu.memory_space<hbm>> -> memref<640xf32, #tpu.memory_space<hbm>>
    tpu.wait_dma2 semaphore(%arg32 : memref<!tpu.dma_semaphore, #tpu.memory_space<semaphore_mem>>) src(%dma_wait3A_534 : memref<640xf32, #tpu.memory_space<hbm>>) dst(%dma_wait3A_533 : memref<640xf32, #tpu.memory_space<vmem>>)
    %dma_wait3A_535 = arith.constant 19840 : i32
    %dma_wait3A_536 = tpu.memref_slice %arg22[%dma_wait3A_535] : memref<20480xf32, #tpu.memory_space<vmem>> -> memref<640xf32, #tpu.memory_space<vmem>>
    %dma_wait3A_537 = tpu.memref_slice %arg5[%add3A_315] : memref<327680xf32, #tpu.memory_space<hbm>> -> memref<640xf32, #tpu.memory_space<hbm>>
    %dma_wait3A_538 = arith.constant 19840 : i32
    %dma_wait3A_539 = tpu.memref_slice %arg22[%dma_wait3A_538] : memref<20480xf32, #tpu.memory_space<vmem>> -> memref<640xf32, #tpu.memory_space<vmem>>
    %dma_wait3A_540 = tpu.memref_slice %arg5[%add3A_315] : memref<327680xf32, #tpu.memory_space<hbm>> -> memref<640xf32, #tpu.memory_space<hbm>>
    tpu.wait_dma2 semaphore(%arg32 : memref<!tpu.dma_semaphore, #tpu.memory_space<semaphore_mem>>) src(%dma_wait3A_540 : memref<640xf32, #tpu.memory_space<hbm>>) dst(%dma_wait3A_539 : memref<640xf32, #tpu.memory_space<vmem>>)
    %parallel_loop3A_541 = arith.constant 0 : i32
    %parallel_loop3A_542 = arith.constant 40 : i32
    %parallel_loop3A_543 = arith.constant 1 : i32
    scf.for %parallel_loop3A_674 = %parallel_loop3A_541 to %parallel_loop3A_542 step %parallel_loop3A_543  : i32 {
      %parallel_loop3A_675 = arith.constant 16 : i32
      %parallel_loop3A_676 = arith.muli %parallel_loop3A_674, %parallel_loop3A_675 : i32
      %parallel_loop3A_677 = arith.index_cast %parallel_loop3A_676 : i32 to index
      %parallel_loop3A_678 = tpu.vector_load %arg22[%parallel_loop3A_677] {strides = array<i32>} : memref<20480xf32, #tpu.memory_space<vmem>>, vector<16xf32>,
      %parallel_loop3A_679 = arith.constant 16 : i32
      %parallel_loop3A_680 = arith.muli %parallel_loop3A_674, %parallel_loop3A_679 : i32
      %parallel_loop3A_681 = arith.constant 640 : i32
      %parallel_loop3A_682 = arith.addi %parallel_loop3A_681, %parallel_loop3A_680 : i32
      %parallel_loop3A_683 = arith.index_cast %parallel_loop3A_682 : i32 to index
      %parallel_loop3A_684 = tpu.vector_load %arg22[%parallel_loop3A_683] {strides = array<i32>} : memref<20480xf32, #tpu.memory_space<vmem>>, vector<16xf32>,
      %parallel_loop3A_685 = arith.addf %parallel_loop3A_678, %parallel_loop3A_684 : vector<16xf32>
      %parallel_loop3A_686 = arith.constant 16 : i32
      %parallel_loop3A_687 = arith.muli %parallel_loop3A_674, %parallel_loop3A_686 : i32
      %parallel_loop3A_688 = arith.constant 1280 : i32
      %parallel_loop3A_689 = arith.addi %parallel_loop3A_688, %parallel_loop3A_687 : i32
      %parallel_loop3A_690 = arith.index_cast %parallel_loop3A_689 : i32 to index
      %parallel_loop3A_691 = tpu.vector_load %arg22[%parallel_loop3A_690] {strides = array<i32>} : memref<20480xf32, #tpu.memory_space<vmem>>, vector<16xf32>,
      %parallel_loop3A_692 = arith.addf %parallel_loop3A_685, %parallel_loop3A_691 : vector<16xf32>
      %parallel_loop3A_693 = arith.constant 16 : i32
      %parallel_loop3A_694 = arith.muli %parallel_loop3A_674, %parallel_loop3A_693 : i32
      %parallel_loop3A_695 = arith.constant 1920 : i32
      %parallel_loop3A_696 = arith.addi %parallel_loop3A_695, %parallel_loop3A_694 : i32
      %parallel_loop3A_697 = arith.index_cast %parallel_loop3A_696 : i32 to index
      %parallel_loop3A_698 = tpu.vector_load %arg22[%parallel_loop3A_697] {strides = array<i32>} : memref<20480xf32, #tpu.memory_space<vmem>>, vector<16xf32>,
      %parallel_loop3A_699 = arith.addf %parallel_loop3A_692, %parallel_loop3A_698 : vector<16xf32>
      %parallel_loop3A_700 = arith.constant 16 : i32
      %parallel_loop3A_701 = arith.muli %parallel_loop3A_674, %parallel_loop3A_700 : i32
      %parallel_loop3A_702 = arith.constant 2560 : i32
      %parallel_loop3A_703 = arith.addi %parallel_loop3A_702, %parallel_loop3A_701 : i32
      %parallel_loop3A_704 = arith.index_cast %parallel_loop3A_703 : i32 to index
      %parallel_loop3A_705 = tpu.vector_load %arg22[%parallel_loop3A_704] {strides = array<i32>} : memref<20480xf32, #tpu.memory_space<vmem>>, vector<16xf32>,
      %parallel_loop3A_706 = arith.addf %parallel_loop3A_699, %parallel_loop3A_705 : vector<16xf32>
      %parallel_loop3A_707 = arith.constant 16 : i32
      %parallel_loop3A_708 = arith.muli %parallel_loop3A_674, %parallel_loop3A_707 : i32
      %parallel_loop3A_709 = arith.constant 3200 : i32
      %parallel_loop3A_710 = arith.addi %parallel_loop3A_709, %parallel_loop3A_708 : i32
      %parallel_loop3A_711 = arith.index_cast %parallel_loop3A_710 : i32 to index
      %parallel_loop3A_712 = tpu.vector_load %arg22[%parallel_loop3A_711] {strides = array<i32>} : memref<20480xf32, #tpu.memory_space<vmem>>, vector<16xf32>,
      %parallel_loop3A_713 = arith.addf %parallel_loop3A_706, %parallel_loop3A_712 : vector<16xf32>
      %parallel_loop3A_714 = arith.constant 16 : i32
      %parallel_loop3A_715 = arith.muli %parallel_loop3A_674, %parallel_loop3A_714 : i32
      %parallel_loop3A_716 = arith.constant 3840 : i32
      %parallel_loop3A_717 = arith.addi %parallel_loop3A_716, %parallel_loop3A_715 : i32
      %parallel_loop3A_718 = arith.index_cast %parallel_loop3A_717 : i32 to index
      %parallel_loop3A_719 = tpu.vector_load %arg22[%parallel_loop3A_718] {strides = array<i32>} : memref<20480xf32, #tpu.memory_space<vmem>>, vector<16xf32>,
      %parallel_loop3A_720 = arith.addf %parallel_loop3A_713, %parallel_loop3A_719 : vector<16xf32>
      %parallel_loop3A_721 = arith.constant 16 : i32
      %parallel_loop3A_722 = arith.muli %parallel_loop3A_674, %parallel_loop3A_721 : i32
      %parallel_loop3A_723 = arith.constant 4480 : i32
      %parallel_loop3A_724 = arith.addi %parallel_loop3A_723, %parallel_loop3A_722 : i32
      %parallel_loop3A_725 = arith.index_cast %parallel_loop3A_724 : i32 to index
      %parallel_loop3A_726 = tpu.vector_load %arg22[%parallel_loop3A_725] {strides = array<i32>} : memref<20480xf32, #tpu.memory_space<vmem>>, vector<16xf32>,
      %parallel_loop3A_727 = arith.addf %parallel_loop3A_720, %parallel_loop3A_726 : vector<16xf32>
      %parallel_loop3A_728 = arith.constant 16 : i32
      %parallel_loop3A_729 = arith.muli %parallel_loop3A_674, %parallel_loop3A_728 : i32
      %parallel_loop3A_730 = arith.constant 5120 : i32
      %parallel_loop3A_731 = arith.addi %parallel_loop3A_730, %parallel_loop3A_729 : i32
      %parallel_loop3A_732 = arith.index_cast %parallel_loop3A_731 : i32 to index
      %parallel_loop3A_733 = tpu.vector_load %arg22[%parallel_loop3A_732] {strides = array<i32>} : memref<20480xf32, #tpu.memory_space<vmem>>, vector<16xf32>,
      %parallel_loop3A_734 = arith.addf %parallel_loop3A_727, %parallel_loop3A_733 : vector<16xf32>
      %parallel_loop3A_735 = arith.constant 16 : i32
      %parallel_loop3A_736 = arith.muli %parallel_loop3A_674, %parallel_loop3A_735 : i32
      %parallel_loop3A_737 = arith.constant 5760 : i32
      %parallel_loop3A_738 = arith.addi %parallel_loop3A_737, %parallel_loop3A_736 : i32
      %parallel_loop3A_739 = arith.index_cast %parallel_loop3A_738 : i32 to index
      %parallel_loop3A_740 = tpu.vector_load %arg22[%parallel_loop3A_739] {strides = array<i32>} : memref<20480xf32, #tpu.memory_space<vmem>>, vector<16xf32>,
      %parallel_loop3A_741 = arith.addf %parallel_loop3A_734, %parallel_loop3A_740 : vector<16xf32>
      %parallel_loop3A_742 = arith.constant 16 : i32
      %parallel_loop3A_743 = arith.muli %parallel_loop3A_674, %parallel_loop3A_742 : i32
      %parallel_loop3A_744 = arith.constant 6400 : i32
      %parallel_loop3A_745 = arith.addi %parallel_loop3A_744, %parallel_loop3A_743 : i32
      %parallel_loop3A_746 = arith.index_cast %parallel_loop3A_745 : i32 to index
      %parallel_loop3A_747 = tpu.vector_load %arg22[%parallel_loop3A_746] {strides = array<i32>} : memref<20480xf32, #tpu.memory_space<vmem>>, vector<16xf32>,
      %parallel_loop3A_748 = arith.addf %parallel_loop3A_741, %parallel_loop3A_747 : vector<16xf32>
      %parallel_loop3A_749 = arith.constant 16 : i32
      %parallel_loop3A_750 = arith.muli %parallel_loop3A_674, %parallel_loop3A_749 : i32
      %parallel_loop3A_751 = arith.constant 7040 : i32
      %parallel_loop3A_752 = arith.addi %parallel_loop3A_751, %parallel_loop3A_750 : i32
      %parallel_loop3A_753 = arith.index_cast %parallel_loop3A_752 : i32 to index
      %parallel_loop3A_754 = tpu.vector_load %arg22[%parallel_loop3A_753] {strides = array<i32>} : memref<20480xf32, #tpu.memory_space<vmem>>, vector<16xf32>,
      %parallel_loop3A_755 = arith.addf %parallel_loop3A_748, %parallel_loop3A_754 : vector<16xf32>
      %parallel_loop3A_756 = arith.constant 16 : i32
      %parallel_loop3A_757 = arith.muli %parallel_loop3A_674, %parallel_loop3A_756 : i32
      %parallel_loop3A_758 = arith.constant 7680 : i32
      %parallel_loop3A_759 = arith.addi %parallel_loop3A_758, %parallel_loop3A_757 : i32
      %parallel_loop3A_760 = arith.index_cast %parallel_loop3A_759 : i32 to index
      %parallel_loop3A_761 = tpu.vector_load %arg22[%parallel_loop3A_760] {strides = array<i32>} : memref<20480xf32, #tpu.memory_space<vmem>>, vector<16xf32>,
      %parallel_loop3A_762 = arith.addf %parallel_loop3A_755, %parallel_loop3A_761 : vector<16xf32>
      %parallel_loop3A_763 = arith.constant 16 : i32
      %parallel_loop3A_764 = arith.muli %parallel_loop3A_674, %parallel_loop3A_763 : i32
      %parallel_loop3A_765 = arith.constant 8320 : i32
      %parallel_loop3A_766 = arith.addi %parallel_loop3A_765, %parallel_loop3A_764 : i32
      %parallel_loop3A_767 = arith.index_cast %parallel_loop3A_766 : i32 to index
      %parallel_loop3A_768 = tpu.vector_load %arg22[%parallel_loop3A_767] {strides = array<i32>} : memref<20480xf32, #tpu.memory_space<vmem>>, vector<16xf32>,
      %parallel_loop3A_769 = arith.addf %parallel_loop3A_762, %parallel_loop3A_768 : vector<16xf32>
      %parallel_loop3A_770 = arith.constant 16 : i32
      %parallel_loop3A_771 = arith.muli %parallel_loop3A_674, %parallel_loop3A_770 : i32
      %parallel_loop3A_772 = arith.constant 8960 : i32
      %parallel_loop3A_773 = arith.addi %parallel_loop3A_772, %parallel_loop3A_771 : i32
      %parallel_loop3A_774 = arith.index_cast %parallel_loop3A_773 : i32 to index
      %parallel_loop3A_775 = tpu.vector_load %arg22[%parallel_loop3A_774] {strides = array<i32>} : memref<20480xf32, #tpu.memory_space<vmem>>, vector<16xf32>,
      %parallel_loop3A_776 = arith.addf %parallel_loop3A_769, %parallel_loop3A_775 : vector<16xf32>
      %parallel_loop3A_777 = arith.constant 16 : i32
      %parallel_loop3A_778 = arith.muli %parallel_loop3A_674, %parallel_loop3A_777 : i32
      %parallel_loop3A_779 = arith.constant 9600 : i32
      %parallel_loop3A_780 = arith.addi %parallel_loop3A_779, %parallel_loop3A_778 : i32
      %parallel_loop3A_781 = arith.index_cast %parallel_loop3A_780 : i32 to index
      %parallel_loop3A_782 = tpu.vector_load %arg22[%parallel_loop3A_781] {strides = array<i32>} : memref<20480xf32, #tpu.memory_space<vmem>>, vector<16xf32>,
      %parallel_loop3A_783 = arith.addf %parallel_loop3A_776, %parallel_loop3A_782 : vector<16xf32>
      %parallel_loop3A_784 = arith.constant 16 : i32
      %parallel_loop3A_785 = arith.muli %parallel_loop3A_674, %parallel_loop3A_784 : i32
      %parallel_loop3A_786 = arith.constant 10240 : i32
      %parallel_loop3A_787 = arith.addi %parallel_loop3A_786, %parallel_loop3A_785 : i32
      %parallel_loop3A_788 = arith.index_cast %parallel_loop3A_787 : i32 to index
      %parallel_loop3A_789 = tpu.vector_load %arg22[%parallel_loop3A_788] {strides = array<i32>} : memref<20480xf32, #tpu.memory_space<vmem>>, vector<16xf32>,
      %parallel_loop3A_790 = arith.addf %parallel_loop3A_783, %parallel_loop3A_789 : vector<16xf32>
      %parallel_loop3A_791 = arith.constant 16 : i32
      %parallel_loop3A_792 = arith.muli %parallel_loop3A_674, %parallel_loop3A_791 : i32
      %parallel_loop3A_793 = arith.constant 10880 : i32
      %parallel_loop3A_794 = arith.addi %parallel_loop3A_793, %parallel_loop3A_792 : i32
      %parallel_loop3A_795 = arith.index_cast %parallel_loop3A_794 : i32 to index
      %parallel_loop3A_796 = tpu.vector_load %arg22[%parallel_loop3A_795] {strides = array<i32>} : memref<20480xf32, #tpu.memory_space<vmem>>, vector<16xf32>,
      %parallel_loop3A_797 = arith.addf %parallel_loop3A_790, %parallel_loop3A_796 : vector<16xf32>
      %parallel_loop3A_798 = arith.constant 16 : i32
      %parallel_loop3A_799 = arith.muli %parallel_loop3A_674, %parallel_loop3A_798 : i32
      %parallel_loop3A_800 = arith.constant 11520 : i32
      %parallel_loop3A_801 = arith.addi %parallel_loop3A_800, %parallel_loop3A_799 : i32
      %parallel_loop3A_802 = arith.index_cast %parallel_loop3A_801 : i32 to index
      %parallel_loop3A_803 = tpu.vector_load %arg22[%parallel_loop3A_802] {strides = array<i32>} : memref<20480xf32, #tpu.memory_space<vmem>>, vector<16xf32>,
      %parallel_loop3A_804 = arith.addf %parallel_loop3A_797, %parallel_loop3A_803 : vector<16xf32>
      %parallel_loop3A_805 = arith.constant 16 : i32
      %parallel_loop3A_806 = arith.muli %parallel_loop3A_674, %parallel_loop3A_805 : i32
      %parallel_loop3A_807 = arith.constant 12160 : i32
      %parallel_loop3A_808 = arith.addi %parallel_loop3A_807, %parallel_loop3A_806 : i32
      %parallel_loop3A_809 = arith.index_cast %parallel_loop3A_808 : i32 to index
      %parallel_loop3A_810 = tpu.vector_load %arg22[%parallel_loop3A_809] {strides = array<i32>} : memref<20480xf32, #tpu.memory_space<vmem>>, vector<16xf32>,
      %parallel_loop3A_811 = arith.addf %parallel_loop3A_804, %parallel_loop3A_810 : vector<16xf32>
      %parallel_loop3A_812 = arith.constant 16 : i32
      %parallel_loop3A_813 = arith.muli %parallel_loop3A_674, %parallel_loop3A_812 : i32
      %parallel_loop3A_814 = arith.constant 12800 : i32
      %parallel_loop3A_815 = arith.addi %parallel_loop3A_814, %parallel_loop3A_813 : i32
      %parallel_loop3A_816 = arith.index_cast %parallel_loop3A_815 : i32 to index
      %parallel_loop3A_817 = tpu.vector_load %arg22[%parallel_loop3A_816] {strides = array<i32>} : memref<20480xf32, #tpu.memory_space<vmem>>, vector<16xf32>,
      %parallel_loop3A_818 = arith.addf %parallel_loop3A_811, %parallel_loop3A_817 : vector<16xf32>
      %parallel_loop3A_819 = arith.constant 16 : i32
      %parallel_loop3A_820 = arith.muli %parallel_loop3A_674, %parallel_loop3A_819 : i32
      %parallel_loop3A_821 = arith.constant 13440 : i32
      %parallel_loop3A_822 = arith.addi %parallel_loop3A_821, %parallel_loop3A_820 : i32
      %parallel_loop3A_823 = arith.index_cast %parallel_loop3A_822 : i32 to index
      %parallel_loop3A_824 = tpu.vector_load %arg22[%parallel_loop3A_823] {strides = array<i32>} : memref<20480xf32, #tpu.memory_space<vmem>>, vector<16xf32>,
      %parallel_loop3A_825 = arith.addf %parallel_loop3A_818, %parallel_loop3A_824 : vector<16xf32>
      %parallel_loop3A_826 = arith.constant 16 : i32
      %parallel_loop3A_827 = arith.muli %parallel_loop3A_674, %parallel_loop3A_826 : i32
      %parallel_loop3A_828 = arith.constant 14080 : i32
      %parallel_loop3A_829 = arith.addi %parallel_loop3A_828, %parallel_loop3A_827 : i32
      %parallel_loop3A_830 = arith.index_cast %parallel_loop3A_829 : i32 to index
      %parallel_loop3A_831 = tpu.vector_load %arg22[%parallel_loop3A_830] {strides = array<i32>} : memref<20480xf32, #tpu.memory_space<vmem>>, vector<16xf32>,
      %parallel_loop3A_832 = arith.addf %parallel_loop3A_825, %parallel_loop3A_831 : vector<16xf32>
      %parallel_loop3A_833 = arith.constant 16 : i32
      %parallel_loop3A_834 = arith.muli %parallel_loop3A_674, %parallel_loop3A_833 : i32
      %parallel_loop3A_835 = arith.constant 14720 : i32
      %parallel_loop3A_836 = arith.addi %parallel_loop3A_835, %parallel_loop3A_834 : i32
      %parallel_loop3A_837 = arith.index_cast %parallel_loop3A_836 : i32 to index
      %parallel_loop3A_838 = tpu.vector_load %arg22[%parallel_loop3A_837] {strides = array<i32>} : memref<20480xf32, #tpu.memory_space<vmem>>, vector<16xf32>,
      %parallel_loop3A_839 = arith.addf %parallel_loop3A_832, %parallel_loop3A_838 : vector<16xf32>
      %parallel_loop3A_840 = arith.constant 16 : i32
      %parallel_loop3A_841 = arith.muli %parallel_loop3A_674, %parallel_loop3A_840 : i32
      %parallel_loop3A_842 = arith.constant 15360 : i32
      %parallel_loop3A_843 = arith.addi %parallel_loop3A_842, %parallel_loop3A_841 : i32
      %parallel_loop3A_844 = arith.index_cast %parallel_loop3A_843 : i32 to index
      %parallel_loop3A_845 = tpu.vector_load %arg22[%parallel_loop3A_844] {strides = array<i32>} : memref<20480xf32, #tpu.memory_space<vmem>>, vector<16xf32>,
      %parallel_loop3A_846 = arith.addf %parallel_loop3A_839, %parallel_loop3A_845 : vector<16xf32>
      %parallel_loop3A_847 = arith.constant 16 : i32
      %parallel_loop3A_848 = arith.muli %parallel_loop3A_674, %parallel_loop3A_847 : i32
      %parallel_loop3A_849 = arith.constant 16000 : i32
      %parallel_loop3A_850 = arith.addi %parallel_loop3A_849, %parallel_loop3A_848 : i32
      %parallel_loop3A_851 = arith.index_cast %parallel_loop3A_850 : i32 to index
      %parallel_loop3A_852 = tpu.vector_load %arg22[%parallel_loop3A_851] {strides = array<i32>} : memref<20480xf32, #tpu.memory_space<vmem>>, vector<16xf32>,
      %parallel_loop3A_853 = arith.addf %parallel_loop3A_846, %parallel_loop3A_852 : vector<16xf32>
      %parallel_loop3A_854 = arith.constant 16 : i32
      %parallel_loop3A_855 = arith.muli %parallel_loop3A_674, %parallel_loop3A_854 : i32
      %parallel_loop3A_856 = arith.constant 16640 : i32
      %parallel_loop3A_857 = arith.addi %parallel_loop3A_856, %parallel_loop3A_855 : i32
      %parallel_loop3A_858 = arith.index_cast %parallel_loop3A_857 : i32 to index
      %parallel_loop3A_859 = tpu.vector_load %arg22[%parallel_loop3A_858] {strides = array<i32>} : memref<20480xf32, #tpu.memory_space<vmem>>, vector<16xf32>,
      %parallel_loop3A_860 = arith.addf %parallel_loop3A_853, %parallel_loop3A_859 : vector<16xf32>
      %parallel_loop3A_861 = arith.constant 16 : i32
      %parallel_loop3A_862 = arith.muli %parallel_loop3A_674, %parallel_loop3A_861 : i32
      %parallel_loop3A_863 = arith.constant 17280 : i32
      %parallel_loop3A_864 = arith.addi %parallel_loop3A_863, %parallel_loop3A_862 : i32
      %parallel_loop3A_865 = arith.index_cast %parallel_loop3A_864 : i32 to index
      %parallel_loop3A_866 = tpu.vector_load %arg22[%parallel_loop3A_865] {strides = array<i32>} : memref<20480xf32, #tpu.memory_space<vmem>>, vector<16xf32>,
      %parallel_loop3A_867 = arith.addf %parallel_loop3A_860, %parallel_loop3A_866 : vector<16xf32>
      %parallel_loop3A_868 = arith.constant 16 : i32
      %parallel_loop3A_869 = arith.muli %parallel_loop3A_674, %parallel_loop3A_868 : i32
      %parallel_loop3A_870 = arith.constant 17920 : i32
      %parallel_loop3A_871 = arith.addi %parallel_loop3A_870, %parallel_loop3A_869 : i32
      %parallel_loop3A_872 = arith.index_cast %parallel_loop3A_871 : i32 to index
      %parallel_loop3A_873 = tpu.vector_load %arg22[%parallel_loop3A_872] {strides = array<i32>} : memref<20480xf32, #tpu.memory_space<vmem>>, vector<16xf32>,
      %parallel_loop3A_874 = arith.addf %parallel_loop3A_867, %parallel_loop3A_873 : vector<16xf32>
      %parallel_loop3A_875 = arith.constant 16 : i32
      %parallel_loop3A_876 = arith.muli %parallel_loop3A_674, %parallel_loop3A_875 : i32
      %parallel_loop3A_877 = arith.constant 18560 : i32
      %parallel_loop3A_878 = arith.addi %parallel_loop3A_877, %parallel_loop3A_876 : i32
      %parallel_loop3A_879 = arith.index_cast %parallel_loop3A_878 : i32 to index
      %parallel_loop3A_880 = tpu.vector_load %arg22[%parallel_loop3A_879] {strides = array<i32>} : memref<20480xf32, #tpu.memory_space<vmem>>, vector<16xf32>,
      %parallel_loop3A_881 = arith.addf %parallel_loop3A_874, %parallel_loop3A_880 : vector<16xf32>
      %parallel_loop3A_882 = arith.constant 16 : i32
      %parallel_loop3A_883 = arith.muli %parallel_loop3A_674, %parallel_loop3A_882 : i32
      %parallel_loop3A_884 = arith.constant 19200 : i32
      %parallel_loop3A_885 = arith.addi %parallel_loop3A_884, %parallel_loop3A_883 : i32
      %parallel_loop3A_886 = arith.index_cast %parallel_loop3A_885 : i32 to index
      %parallel_loop3A_887 = tpu.vector_load %arg22[%parallel_loop3A_886] {strides = array<i32>} : memref<20480xf32, #tpu.memory_space<vmem>>, vector<16xf32>,
      %parallel_loop3A_888 = arith.addf %parallel_loop3A_881, %parallel_loop3A_887 : vector<16xf32>
      %parallel_loop3A_889 = arith.constant 16 : i32
      %parallel_loop3A_890 = arith.muli %parallel_loop3A_674, %parallel_loop3A_889 : i32
      %parallel_loop3A_891 = arith.constant 19840 : i32
      %parallel_loop3A_892 = arith.addi %parallel_loop3A_891, %parallel_loop3A_890 : i32
      %parallel_loop3A_893 = arith.index_cast %parallel_loop3A_892 : i32 to index
      %parallel_loop3A_894 = tpu.vector_load %arg22[%parallel_loop3A_893] {strides = array<i32>} : memref<20480xf32, #tpu.memory_space<vmem>>, vector<16xf32>,
      %parallel_loop3A_895 = arith.addf %parallel_loop3A_888, %parallel_loop3A_894 : vector<16xf32>
      %parallel_loop3A_896 = arith.constant 1.000000e+00 : f32
      %parallel_loop3A_897 = vector.broadcast %parallel_loop3A_896 : f32 to vector<16xf32>
      %parallel_loop3A_898 = arith.addf %parallel_loop3A_895, %parallel_loop3A_897 : vector<16xf32>
      %parallel_loop3A_899 = vector.bitcast %parallel_loop3A_898 : vector<16xf32> to vector<16xi32>
      %parallel_loop3A_900 = arith.constant 1 : i32
      %parallel_loop3A_901 = vector.broadcast %parallel_loop3A_900 : i32 to vector<16xi32>
      %parallel_loop3A_902 = arith.shrsi %parallel_loop3A_899, %parallel_loop3A_901 : vector<16xi32>
      %parallel_loop3A_903 = arith.constant 1597463007 : i32
      %parallel_loop3A_904 = vector.broadcast %parallel_loop3A_903 : i32 to vector<16xi32>
      %parallel_loop3A_905 = arith.subi %parallel_loop3A_904, %parallel_loop3A_902 : vector<16xi32>
      %parallel_loop3A_906 = vector.bitcast %parallel_loop3A_905 : vector<16xi32> to vector<16xf32>
      %parallel_loop3A_907 = arith.constant 5.000000e-01 : f32
      %parallel_loop3A_908 = vector.broadcast %parallel_loop3A_907 : f32 to vector<16xf32>
      %parallel_loop3A_909 = arith.mulf %parallel_loop3A_908, %parallel_loop3A_898 : vector<16xf32>
      %parallel_loop3A_910 = arith.mulf %parallel_loop3A_909, %parallel_loop3A_906 : vector<16xf32>
      %parallel_loop3A_911 = arith.mulf %parallel_loop3A_910, %parallel_loop3A_906 : vector<16xf32>
      %parallel_loop3A_912 = arith.constant 1.500000e+00 : f32
      %parallel_loop3A_913 = vector.broadcast %parallel_loop3A_912 : f32 to vector<16xf32>
      %parallel_loop3A_914 = arith.subf %parallel_loop3A_913, %parallel_loop3A_911 : vector<16xf32>
      %parallel_loop3A_915 = arith.mulf %parallel_loop3A_906, %parallel_loop3A_914 : vector<16xf32>
      %parallel_loop3A_916 = arith.constant 5.000000e-01 : f32
      %parallel_loop3A_917 = vector.broadcast %parallel_loop3A_916 : f32 to vector<16xf32>
      %parallel_loop3A_918 = arith.mulf %parallel_loop3A_917, %parallel_loop3A_898 : vector<16xf32>
      %parallel_loop3A_919 = arith.mulf %parallel_loop3A_918, %parallel_loop3A_915 : vector<16xf32>
      %parallel_loop3A_920 = arith.mulf %parallel_loop3A_919, %parallel_loop3A_915 : vector<16xf32>
      %parallel_loop3A_921 = arith.constant 1.500000e+00 : f32
      %parallel_loop3A_922 = vector.broadcast %parallel_loop3A_921 : f32 to vector<16xf32>
      %parallel_loop3A_923 = arith.subf %parallel_loop3A_922, %parallel_loop3A_920 : vector<16xf32>
      %parallel_loop3A_924 = arith.mulf %parallel_loop3A_915, %parallel_loop3A_923 : vector<16xf32>
      %parallel_loop3A_925 = arith.constant 5.000000e-01 : f32
      %parallel_loop3A_926 = vector.broadcast %parallel_loop3A_925 : f32 to vector<16xf32>
      %parallel_loop3A_927 = arith.mulf %parallel_loop3A_926, %parallel_loop3A_898 : vector<16xf32>
      %parallel_loop3A_928 = arith.mulf %parallel_loop3A_927, %parallel_loop3A_924 : vector<16xf32>
      %parallel_loop3A_929 = arith.mulf %parallel_loop3A_928, %parallel_loop3A_924 : vector<16xf32>
      %parallel_loop3A_930 = arith.constant 1.500000e+00 : f32
      %parallel_loop3A_931 = vector.broadcast %parallel_loop3A_930 : f32 to vector<16xf32>
      %parallel_loop3A_932 = arith.subf %parallel_loop3A_931, %parallel_loop3A_929 : vector<16xf32>
      %parallel_loop3A_933 = arith.mulf %parallel_loop3A_924, %parallel_loop3A_932 : vector<16xf32>
      %parallel_loop3A_934 = arith.constant 16 : i32
      %parallel_loop3A_935 = arith.muli %parallel_loop3A_674, %parallel_loop3A_934 : i32
      %parallel_loop3A_936 = arith.index_cast %parallel_loop3A_935 : i32 to index
      %parallel_loop3A_937 = tpu.vector_load %arg23[%parallel_loop3A_936] {strides = array<i32>} : memref<640xf32, #tpu.memory_space<vmem>>, vector<16xf32>,
      tpu.vector_store %arg23[%parallel_loop3A_936], %parallel_loop3A_933 {strides = array<i32>} : memref<640xf32, #tpu.memory_space<vmem>>, vector<16xf32>,
    } {sc.loop_unroll_factor = 4 : i64, sc.parallel_access}
    %mul3A_544 = arith.constant 640 : i32
    %mul3A_545 = arith.muli %arg1, %mul3A_544 : i32
    "tpu.region"() ({
      %run_scoped3A = tpu.sem_alloc : memref<!tpu.dma_semaphore, #tpu.memory_space<semaphore_mem>>
      %dma_start3A_674 = tpu.memref_slice %arg24[%mul3A_545] : memref<10240xf32, #tpu.memory_space<vmem_shared>> -> memref<640xf32, #tpu.memory_space<vmem_shared>>
      %dma_start3A_675 = tpu.memref_slice %arg24[%mul3A_545] : memref<10240xf32, #tpu.memory_space<vmem_shared>> -> memref<640xf32, #tpu.memory_space<vmem_shared>>
      tpu.enqueue_dma source(%arg23 : memref<640xf32, #tpu.memory_space<vmem>>) target(%dma_start3A_675 : memref<640xf32, #tpu.memory_space<vmem_shared>>) target_semaphore(%run_scoped3A : memref<!tpu.dma_semaphore, #tpu.memory_space<semaphore_mem>>)
      %dma_wait3A_676 = tpu.memref_slice %arg24[%mul3A_545] : memref<10240xf32, #tpu.memory_space<vmem_shared>> -> memref<640xf32, #tpu.memory_space<vmem_shared>>
      %dma_wait3A_677 = tpu.memref_slice %arg24[%mul3A_545] : memref<10240xf32, #tpu.memory_space<vmem_shared>> -> memref<640xf32, #tpu.memory_space<vmem_shared>>
      tpu.wait_dma2 semaphore(%run_scoped3A : memref<!tpu.dma_semaphore, #tpu.memory_space<semaphore_mem>>) src(%arg23 : memref<640xf32, #tpu.memory_space<vmem>>) dst(%dma_wait3A_677 : memref<640xf32, #tpu.memory_space<vmem_shared>>)
      tpu.yield
    }) : () -> ()
    %eq3A = arith.constant 0 : i32
    %eq3A_546 = arith.cmpi eq, %arg0, %eq3A : i32
    %convert_element_type3A = arith.extui %eq3A_546 : i1 to i32
    %cond3A = arith.constant 0 : i32
    %cond3A_547 = arith.cmpi ne, %convert_element_type3A, %cond3A : i32
    scf.if %cond3A_547 {
      %mul3A_674 = arith.constant 640 : i32
      %mul3A_675 = arith.muli %arg1, %mul3A_674 : i32
      "tpu.region"() ({
        %run_scoped3A = tpu.sem_alloc : memref<!tpu.dma_semaphore, #tpu.memory_space<semaphore_mem>>
        %dma_start3A_676 = tpu.memref_slice %arg9[%mul3A_675] : memref<10240xf32, #tpu.memory_space<hbm>> -> memref<640xf32, #tpu.memory_space<hbm>>
        %dma_start3A_677 = tpu.memref_slice %arg9[%mul3A_675] : memref<10240xf32, #tpu.memory_space<hbm>> -> memref<640xf32, #tpu.memory_space<hbm>>
        tpu.enqueue_dma source(%arg23 : memref<640xf32, #tpu.memory_space<vmem>>) target(%dma_start3A_677 : memref<640xf32, #tpu.memory_space<hbm>>) target_semaphore(%run_scoped3A : memref<!tpu.dma_semaphore, #tpu.memory_space<semaphore_mem>>)
        %dma_wait3A_678 = tpu.memref_slice %arg9[%mul3A_675] : memref<10240xf32, #tpu.memory_space<hbm>> -> memref<640xf32, #tpu.memory_space<hbm>>
        %dma_wait3A_679 = tpu.memref_slice %arg9[%mul3A_675] : memref<10240xf32, #tpu.memory_space<hbm>> -> memref<640xf32, #tpu.memory_space<hbm>>
        tpu.wait_dma2 semaphore(%run_scoped3A : memref<!tpu.dma_semaphore, #tpu.memory_space<semaphore_mem>>) src(%arg23 : memref<640xf32, #tpu.memory_space<vmem>>) dst(%dma_wait3A_679 : memref<640xf32, #tpu.memory_space<hbm>>)
        tpu.yield
      }) : () -> ()
    } else {
    }
    %dma_start3A_548 = arith.constant 0 : i32
    %dma_start3A_549 = tpu.memref_slice %arg22[%dma_start3A_548] : memref<20480xf32, #tpu.memory_space<vmem>> -> memref<10000xf32, #tpu.memory_space<vmem>>
    %dma_start3A_550 = arith.constant 20000 : i32
    %dma_start3A_551 = tpu.memref_slice %arg6[%dma_start3A_550] : memref<50000xf32, #tpu.memory_space<hbm>> -> memref<10000xf32, #tpu.memory_space<hbm>>
    %dma_start3A_552 = arith.constant 0 : i32
    %dma_start3A_553 = tpu.memref_slice %arg22[%dma_start3A_552] : memref<20480xf32, #tpu.memory_space<vmem>> -> memref<10000xf32, #tpu.memory_space<vmem>>
    %dma_start3A_554 = arith.constant 20000 : i32
    %dma_start3A_555 = tpu.memref_slice %arg6[%dma_start3A_554] : memref<50000xf32, #tpu.memory_space<hbm>> -> memref<10000xf32, #tpu.memory_space<hbm>>
    tpu.enqueue_dma source(%dma_start3A_555 : memref<10000xf32, #tpu.memory_space<hbm>>) target(%dma_start3A_553 : memref<10000xf32, #tpu.memory_space<vmem>>) target_semaphore(%arg28 : memref<!tpu.dma_semaphore, #tpu.memory_space<semaphore_mem>>)
    %dma_start3A_556 = arith.constant 10240 : i32
    %dma_start3A_557 = tpu.memref_slice %arg22[%dma_start3A_556] : memref<20480xf32, #tpu.memory_space<vmem>> -> memref<10000xf32, #tpu.memory_space<vmem>>
    %dma_start3A_558 = arith.constant 30000 : i32
    %dma_start3A_559 = tpu.memref_slice %arg6[%dma_start3A_558] : memref<50000xf32, #tpu.memory_space<hbm>> -> memref<10000xf32, #tpu.memory_space<hbm>>
    %dma_start3A_560 = arith.constant 10240 : i32
    %dma_start3A_561 = tpu.memref_slice %arg22[%dma_start3A_560] : memref<20480xf32, #tpu.memory_space<vmem>> -> memref<10000xf32, #tpu.memory_space<vmem>>
    %dma_start3A_562 = arith.constant 30000 : i32
    %dma_start3A_563 = tpu.memref_slice %arg6[%dma_start3A_562] : memref<50000xf32, #tpu.memory_space<hbm>> -> memref<10000xf32, #tpu.memory_space<hbm>>
    tpu.enqueue_dma source(%dma_start3A_563 : memref<10000xf32, #tpu.memory_space<hbm>>) target(%dma_start3A_561 : memref<10000xf32, #tpu.memory_space<vmem>>) target_semaphore(%arg29 : memref<!tpu.dma_semaphore, #tpu.memory_space<semaphore_mem>>)
    %barrier3A = arith.constant 0 : index
    tpu.barrier barrier_id(%barrier3A)
    "tpu.region"() ({
      %run_scoped3A = tpu.sem_alloc : memref<!tpu.dma_semaphore, #tpu.memory_space<semaphore_mem>>
      tpu.enqueue_dma source(%arg24 : memref<10240xf32, #tpu.memory_space<vmem_shared>>) target(%arg14 : memref<10240xf32, #tpu.memory_space<vmem>>) target_semaphore(%run_scoped3A : memref<!tpu.dma_semaphore, #tpu.memory_space<semaphore_mem>>)
      tpu.wait_dma2 semaphore(%run_scoped3A : memref<!tpu.dma_semaphore, #tpu.memory_space<semaphore_mem>>) src(%arg24 : memref<10240xf32, #tpu.memory_space<vmem_shared>>) dst(%arg14 : memref<10240xf32, #tpu.memory_space<vmem>>)
      tpu.yield
    }) : () -> ()
    %dma_wait3A_564 = tpu.memref_slice %arg2[%mul3A_2] : memref<160256xi32, #tpu.memory_space<hbm>> -> memref<5008xi32, #tpu.memory_space<hbm>>
    %dma_wait3A_565 = tpu.memref_slice %arg2[%mul3A_2] : memref<160256xi32, #tpu.memory_space<hbm>> -> memref<5008xi32, #tpu.memory_space<hbm>>
    tpu.wait_dma2 semaphore(%arg25 : memref<!tpu.dma_semaphore, #tpu.memory_space<semaphore_mem>>) src(%dma_wait3A_565 : memref<5008xi32, #tpu.memory_space<hbm>>) dst(%arg10 : memref<5008xi32, #tpu.memory_space<vmem>>)
    %dma_wait3A_566 = tpu.memref_slice %arg3[%mul3A_2] : memref<160256xi32, #tpu.memory_space<hbm>> -> memref<5008xi32, #tpu.memory_space<hbm>>
    %dma_wait3A_567 = tpu.memref_slice %arg3[%mul3A_2] : memref<160256xi32, #tpu.memory_space<hbm>> -> memref<5008xi32, #tpu.memory_space<hbm>>
    tpu.wait_dma2 semaphore(%arg25 : memref<!tpu.dma_semaphore, #tpu.memory_space<semaphore_mem>>) src(%dma_wait3A_567 : memref<5008xi32, #tpu.memory_space<hbm>>) dst(%arg11 : memref<5008xi32, #tpu.memory_space<vmem>>)
    %dma_wait3A_568 = tpu.memref_slice %arg4[%mul3A_2] : memref<160256xf32, #tpu.memory_space<hbm>> -> memref<5008xf32, #tpu.memory_space<hbm>>
    %dma_wait3A_569 = tpu.memref_slice %arg4[%mul3A_2] : memref<160256xf32, #tpu.memory_space<hbm>> -> memref<5008xf32, #tpu.memory_space<hbm>>
    tpu.wait_dma2 semaphore(%arg25 : memref<!tpu.dma_semaphore, #tpu.memory_space<semaphore_mem>>) src(%dma_wait3A_569 : memref<5008xf32, #tpu.memory_space<hbm>>) dst(%arg12 : memref<5008xf32, #tpu.memory_space<vmem>>)
    %parallel_loop3A_570 = arith.constant 0 : i32
    %parallel_loop3A_571 = arith.constant 313 : i32
    %parallel_loop3A_572 = arith.constant 1 : i32
    scf.for %parallel_loop3A_674 = %parallel_loop3A_570 to %parallel_loop3A_571 step %parallel_loop3A_572  : i32 {
      %parallel_loop3A_675 = arith.constant 16 : i32
      %parallel_loop3A_676 = arith.muli %parallel_loop3A_674, %parallel_loop3A_675 : i32
      %parallel_loop3A_677 = arith.index_cast %parallel_loop3A_676 : i32 to index
      %parallel_loop3A_678 = tpu.vector_load %arg10[%parallel_loop3A_677] {strides = array<i32>} : memref<5008xi32, #tpu.memory_space<vmem>>, vector<16xi32>,
      %parallel_loop3A_679 = tpu.vector_load_idx %arg14[%parallel_loop3A_678] : memref<10240xf32, #tpu.memory_space<vmem>>[vector<16xi32>], vector<16xf32>,
      %parallel_loop3A_680 = arith.index_cast %parallel_loop3A_676 : i32 to index
      %parallel_loop3A_681 = tpu.vector_load %arg11[%parallel_loop3A_680] {strides = array<i32>} : memref<5008xi32, #tpu.memory_space<vmem>>, vector<16xi32>,
      %parallel_loop3A_682 = tpu.vector_load_idx %arg14[%parallel_loop3A_681] : memref<10240xf32, #tpu.memory_space<vmem>>[vector<16xi32>], vector<16xf32>,
      %parallel_loop3A_683 = arith.index_cast %parallel_loop3A_676 : i32 to index
      %parallel_loop3A_684 = tpu.vector_load %arg12[%parallel_loop3A_683] {strides = array<i32>} : memref<5008xf32, #tpu.memory_space<vmem>>, vector<16xf32>,
      %parallel_loop3A_685 = arith.mulf %parallel_loop3A_679, %parallel_loop3A_684 : vector<16xf32>
      %parallel_loop3A_686 = arith.mulf %parallel_loop3A_685, %parallel_loop3A_682 : vector<16xf32>
      %parallel_loop3A_687 = arith.index_cast %parallel_loop3A_676 : i32 to index
      %parallel_loop3A_688 = tpu.vector_load %arg13[%parallel_loop3A_687] {strides = array<i32>} : memref<5008xf32, #tpu.memory_space<vmem>>, vector<16xf32>,
      tpu.vector_store %arg13[%parallel_loop3A_687], %parallel_loop3A_686 {strides = array<i32>} : memref<5008xf32, #tpu.memory_space<vmem>>, vector<16xf32>,
      %parallel_loop3A_689 = arith.index_cast %parallel_loop3A_676 : i32 to index
      %parallel_loop3A_690 = tpu.vector_load %arg11[%parallel_loop3A_689] {strides = array<i32>} : memref<5008xi32, #tpu.memory_space<vmem>>, vector<16xi32>,
      tpu.vector_store_idx %arg21[%parallel_loop3A_690], %parallel_loop3A_686 {add = true} : memref<10000xf32, #tpu.memory_space<vmem>>[vector<16xi32>], vector<16xf32>,
    } {sc.loop_unroll_factor = 8 : i64, sc.parallel_access}
    %dma_start3A_573 = tpu.memref_slice %arg7[%mul3A_2] : memref<160256xf32, #tpu.memory_space<hbm>> -> memref<5008xf32, #tpu.memory_space<hbm>>
    %dma_start3A_574 = tpu.memref_slice %arg7[%mul3A_2] : memref<160256xf32, #tpu.memory_space<hbm>> -> memref<5008xf32, #tpu.memory_space<hbm>>
    tpu.enqueue_dma source(%arg13 : memref<5008xf32, #tpu.memory_space<vmem>>) target(%dma_start3A_574 : memref<5008xf32, #tpu.memory_space<hbm>>) target_semaphore(%arg25 : memref<!tpu.dma_semaphore, #tpu.memory_space<semaphore_mem>>)
    %mul3A_575 = arith.constant 6 : i32
    %mul3A_576 = arith.muli %add3A, %mul3A_575 : i32
    %mul3A_577 = arith.constant 10000 : i32
    %mul3A_578 = arith.muli %mul3A_576, %mul3A_577 : i32
    %add3A_579 = arith.constant 50000 : i32
    %add3A_580 = arith.addi %mul3A_578, %add3A_579 : i32
    %dma_start3A_581 = tpu.memref_slice %arg8[%add3A_580] : memref<1920000xf32, #tpu.memory_space<hbm>> -> memref<10000xf32, #tpu.memory_space<hbm>>
    %dma_start3A_582 = tpu.memref_slice %arg8[%add3A_580] : memref<1920000xf32, #tpu.memory_space<hbm>> -> memref<10000xf32, #tpu.memory_space<hbm>>
    tpu.enqueue_dma source(%arg21 : memref<10000xf32, #tpu.memory_space<vmem>>) target(%dma_start3A_582 : memref<10000xf32, #tpu.memory_space<hbm>>) target_semaphore(%arg31 : memref<!tpu.dma_semaphore, #tpu.memory_space<semaphore_mem>>)
    %dma_wait3A_583 = arith.constant 0 : i32
    %dma_wait3A_584 = tpu.memref_slice %arg6[%dma_wait3A_583] : memref<50000xf32, #tpu.memory_space<hbm>> -> memref<10000xf32, #tpu.memory_space<hbm>>
    %dma_wait3A_585 = arith.constant 0 : i32
    %dma_wait3A_586 = tpu.memref_slice %arg6[%dma_wait3A_585] : memref<50000xf32, #tpu.memory_space<hbm>> -> memref<10000xf32, #tpu.memory_space<hbm>>
    tpu.wait_dma2 semaphore(%arg26 : memref<!tpu.dma_semaphore, #tpu.memory_space<semaphore_mem>>) src(%dma_wait3A_586 : memref<10000xf32, #tpu.memory_space<hbm>>) dst(%arg15 : memref<10000xf32, #tpu.memory_space<vmem>>)
    %dma_wait3A_587 = arith.constant 10000 : i32
    %dma_wait3A_588 = tpu.memref_slice %arg6[%dma_wait3A_587] : memref<50000xf32, #tpu.memory_space<hbm>> -> memref<10000xf32, #tpu.memory_space<hbm>>
    %dma_wait3A_589 = arith.constant 10000 : i32
    %dma_wait3A_590 = tpu.memref_slice %arg6[%dma_wait3A_589] : memref<50000xf32, #tpu.memory_space<hbm>> -> memref<10000xf32, #tpu.memory_space<hbm>>
    tpu.wait_dma2 semaphore(%arg27 : memref<!tpu.dma_semaphore, #tpu.memory_space<semaphore_mem>>) src(%dma_wait3A_590 : memref<10000xf32, #tpu.memory_space<hbm>>) dst(%arg16 : memref<10000xf32, #tpu.memory_space<vmem>>)
    %dma_wait3A_591 = arith.constant 0 : i32
    %dma_wait3A_592 = tpu.memref_slice %arg22[%dma_wait3A_591] : memref<20480xf32, #tpu.memory_space<vmem>> -> memref<10000xf32, #tpu.memory_space<vmem>>
    %dma_wait3A_593 = arith.constant 20000 : i32
    %dma_wait3A_594 = tpu.memref_slice %arg6[%dma_wait3A_593] : memref<50000xf32, #tpu.memory_space<hbm>> -> memref<10000xf32, #tpu.memory_space<hbm>>
    %dma_wait3A_595 = arith.constant 0 : i32
    %dma_wait3A_596 = tpu.memref_slice %arg22[%dma_wait3A_595] : memref<20480xf32, #tpu.memory_space<vmem>> -> memref<10000xf32, #tpu.memory_space<vmem>>
    %dma_wait3A_597 = arith.constant 20000 : i32
    %dma_wait3A_598 = tpu.memref_slice %arg6[%dma_wait3A_597] : memref<50000xf32, #tpu.memory_space<hbm>> -> memref<10000xf32, #tpu.memory_space<hbm>>
    tpu.wait_dma2 semaphore(%arg28 : memref<!tpu.dma_semaphore, #tpu.memory_space<semaphore_mem>>) src(%dma_wait3A_598 : memref<10000xf32, #tpu.memory_space<hbm>>) dst(%dma_wait3A_596 : memref<10000xf32, #tpu.memory_space<vmem>>)
    %dma_wait3A_599 = arith.constant 10240 : i32
    %dma_wait3A_600 = tpu.memref_slice %arg22[%dma_wait3A_599] : memref<20480xf32, #tpu.memory_space<vmem>> -> memref<10000xf32, #tpu.memory_space<vmem>>
    %dma_wait3A_601 = arith.constant 30000 : i32
    %dma_wait3A_602 = tpu.memref_slice %arg6[%dma_wait3A_601] : memref<50000xf32, #tpu.memory_space<hbm>> -> memref<10000xf32, #tpu.memory_space<hbm>>
    %dma_wait3A_603 = arith.constant 10240 : i32
    %dma_wait3A_604 = tpu.memref_slice %arg22[%dma_wait3A_603] : memref<20480xf32, #tpu.memory_space<vmem>> -> memref<10000xf32, #tpu.memory_space<vmem>>
    %dma_wait3A_605 = arith.constant 30000 : i32
    %dma_wait3A_606 = tpu.memref_slice %arg6[%dma_wait3A_605] : memref<50000xf32, #tpu.memory_space<hbm>> -> memref<10000xf32, #tpu.memory_space<hbm>>
    tpu.wait_dma2 semaphore(%arg29 : memref<!tpu.dma_semaphore, #tpu.memory_space<semaphore_mem>>) src(%dma_wait3A_606 : memref<10000xf32, #tpu.memory_space<hbm>>) dst(%dma_wait3A_604 : memref<10000xf32, #tpu.memory_space<vmem>>)
    %parallel_loop3A_607 = arith.constant 0 : i32
    %parallel_loop3A_608 = arith.constant 313 : i32
    %parallel_loop3A_609 = arith.constant 1 : i32
    scf.for %parallel_loop3A_674 = %parallel_loop3A_607 to %parallel_loop3A_608 step %parallel_loop3A_609  : i32 {
      %parallel_loop3A_675 = arith.constant 16 : i32
      %parallel_loop3A_676 = arith.muli %parallel_loop3A_674, %parallel_loop3A_675 : i32
      %parallel_loop3A_677 = arith.index_cast %parallel_loop3A_676 : i32 to index
      %parallel_loop3A_678 = tpu.vector_load %arg10[%parallel_loop3A_677] {strides = array<i32>} : memref<5008xi32, #tpu.memory_space<vmem>>, vector<16xi32>,
      %parallel_loop3A_679 = arith.index_cast %parallel_loop3A_676 : i32 to index
      %parallel_loop3A_680 = tpu.vector_load %arg11[%parallel_loop3A_679] {strides = array<i32>} : memref<5008xi32, #tpu.memory_space<vmem>>, vector<16xi32>,
      %parallel_loop3A_681 = arith.index_cast %parallel_loop3A_676 : i32 to index
      %parallel_loop3A_682 = tpu.vector_load %arg13[%parallel_loop3A_681] {strides = array<i32>} : memref<5008xf32, #tpu.memory_space<vmem>>, vector<16xf32>,
      %parallel_loop3A_683 = tpu.vector_load_idx %arg15[%parallel_loop3A_678] : memref<10000xf32, #tpu.memory_space<vmem>>[vector<16xi32>], vector<16xf32>,
      %parallel_loop3A_684 = arith.mulf %parallel_loop3A_683, %parallel_loop3A_682 : vector<16xf32>
      tpu.vector_store_idx %arg17[%parallel_loop3A_680], %parallel_loop3A_684 {add = true} : memref<10000xf32, #tpu.memory_space<vmem>>[vector<16xi32>], vector<16xf32>,
      %parallel_loop3A_685 = tpu.vector_load_idx %arg16[%parallel_loop3A_678] : memref<10000xf32, #tpu.memory_space<vmem>>[vector<16xi32>], vector<16xf32>,
      %parallel_loop3A_686 = arith.mulf %parallel_loop3A_685, %parallel_loop3A_682 : vector<16xf32>
      tpu.vector_store_idx %arg18[%parallel_loop3A_680], %parallel_loop3A_686 {add = true} : memref<10000xf32, #tpu.memory_space<vmem>>[vector<16xi32>], vector<16xf32>,
      %parallel_loop3A_687 = arith.constant 0 : i32
      %parallel_loop3A_688 = tpu.memref_slice %arg22[%parallel_loop3A_687] : memref<20480xf32, #tpu.memory_space<vmem>> -> memref<10000xf32, #tpu.memory_space<vmem>>
      %parallel_loop3A_689 = tpu.vector_load_idx %parallel_loop3A_688[%parallel_loop3A_678] : memref<10000xf32, #tpu.memory_space<vmem>>[vector<16xi32>], vector<16xf32>,
      %parallel_loop3A_690 = arith.mulf %parallel_loop3A_689, %parallel_loop3A_682 : vector<16xf32>
      tpu.vector_store_idx %arg19[%parallel_loop3A_680], %parallel_loop3A_690 {add = true} : memref<10000xf32, #tpu.memory_space<vmem>>[vector<16xi32>], vector<16xf32>,
      %parallel_loop3A_691 = arith.constant 10240 : i32
      %parallel_loop3A_692 = tpu.memref_slice %arg22[%parallel_loop3A_691] : memref<20480xf32, #tpu.memory_space<vmem>> -> memref<10000xf32, #tpu.memory_space<vmem>>
      %parallel_loop3A_693 = tpu.vector_load_idx %parallel_loop3A_692[%parallel_loop3A_678] : memref<10000xf32, #tpu.memory_space<vmem>>[vector<16xi32>], vector<16xf32>,
      %parallel_loop3A_694 = arith.mulf %parallel_loop3A_693, %parallel_loop3A_682 : vector<16xf32>
      tpu.vector_store_idx %arg20[%parallel_loop3A_680], %parallel_loop3A_694 {add = true} : memref<10000xf32, #tpu.memory_space<vmem>>[vector<16xi32>], vector<16xf32>,
    } {sc.loop_unroll_factor = 4 : i64, sc.parallel_access}
    %mul3A_610 = arith.constant 6 : i32
    %mul3A_611 = arith.muli %add3A, %mul3A_610 : i32
    %mul3A_612 = arith.constant 10000 : i32
    %mul3A_613 = arith.muli %mul3A_611, %mul3A_612 : i32
    %add3A_614 = arith.constant 0 : i32
    %add3A_615 = arith.addi %mul3A_613, %add3A_614 : i32
    %dma_start3A_616 = tpu.memref_slice %arg8[%add3A_615] : memref<1920000xf32, #tpu.memory_space<hbm>> -> memref<10000xf32, #tpu.memory_space<hbm>>
    %dma_start3A_617 = tpu.memref_slice %arg8[%add3A_615] : memref<1920000xf32, #tpu.memory_space<hbm>> -> memref<10000xf32, #tpu.memory_space<hbm>>
    tpu.enqueue_dma source(%arg17 : memref<10000xf32, #tpu.memory_space<vmem>>) target(%dma_start3A_617 : memref<10000xf32, #tpu.memory_space<hbm>>) target_semaphore(%arg30 : memref<!tpu.dma_semaphore, #tpu.memory_space<semaphore_mem>>)
    %mul3A_618 = arith.constant 6 : i32
    %mul3A_619 = arith.muli %add3A, %mul3A_618 : i32
    %mul3A_620 = arith.constant 10000 : i32
    %mul3A_621 = arith.muli %mul3A_619, %mul3A_620 : i32
    %add3A_622 = arith.constant 10000 : i32
    %add3A_623 = arith.addi %mul3A_621, %add3A_622 : i32
    %dma_start3A_624 = tpu.memref_slice %arg8[%add3A_623] : memref<1920000xf32, #tpu.memory_space<hbm>> -> memref<10000xf32, #tpu.memory_space<hbm>>
    %dma_start3A_625 = tpu.memref_slice %arg8[%add3A_623] : memref<1920000xf32, #tpu.memory_space<hbm>> -> memref<10000xf32, #tpu.memory_space<hbm>>
    tpu.enqueue_dma source(%arg18 : memref<10000xf32, #tpu.memory_space<vmem>>) target(%dma_start3A_625 : memref<10000xf32, #tpu.memory_space<hbm>>) target_semaphore(%arg30 : memref<!tpu.dma_semaphore, #tpu.memory_space<semaphore_mem>>)
    %mul3A_626 = arith.constant 6 : i32
    %mul3A_627 = arith.muli %add3A, %mul3A_626 : i32
    %mul3A_628 = arith.constant 10000 : i32
    %mul3A_629 = arith.muli %mul3A_627, %mul3A_628 : i32
    %add3A_630 = arith.constant 20000 : i32
    %add3A_631 = arith.addi %mul3A_629, %add3A_630 : i32
    %dma_start3A_632 = tpu.memref_slice %arg8[%add3A_631] : memref<1920000xf32, #tpu.memory_space<hbm>> -> memref<10000xf32, #tpu.memory_space<hbm>>
    %dma_start3A_633 = tpu.memref_slice %arg8[%add3A_631] : memref<1920000xf32, #tpu.memory_space<hbm>> -> memref<10000xf32, #tpu.memory_space<hbm>>
    tpu.enqueue_dma source(%arg19 : memref<10000xf32, #tpu.memory_space<vmem>>) target(%dma_start3A_633 : memref<10000xf32, #tpu.memory_space<hbm>>) target_semaphore(%arg30 : memref<!tpu.dma_semaphore, #tpu.memory_space<semaphore_mem>>)
    %mul3A_634 = arith.constant 6 : i32
    %mul3A_635 = arith.muli %add3A, %mul3A_634 : i32
    %mul3A_636 = arith.constant 10000 : i32
    %mul3A_637 = arith.muli %mul3A_635, %mul3A_636 : i32
    %add3A_638 = arith.constant 30000 : i32
    %add3A_639 = arith.addi %mul3A_637, %add3A_638 : i32
    %dma_start3A_640 = tpu.memref_slice %arg8[%add3A_639] : memref<1920000xf32, #tpu.memory_space<hbm>> -> memref<10000xf32, #tpu.memory_space<hbm>>
    %dma_start3A_641 = tpu.memref_slice %arg8[%add3A_639] : memref<1920000xf32, #tpu.memory_space<hbm>> -> memref<10000xf32, #tpu.memory_space<hbm>>
    tpu.enqueue_dma source(%arg20 : memref<10000xf32, #tpu.memory_space<vmem>>) target(%dma_start3A_641 : memref<10000xf32, #tpu.memory_space<hbm>>) target_semaphore(%arg30 : memref<!tpu.dma_semaphore, #tpu.memory_space<semaphore_mem>>)
    %dma_wait3A_642 = tpu.memref_slice %arg8[%add3A_580] : memref<1920000xf32, #tpu.memory_space<hbm>> -> memref<10000xf32, #tpu.memory_space<hbm>>
    %dma_wait3A_643 = tpu.memref_slice %arg8[%add3A_580] : memref<1920000xf32, #tpu.memory_space<hbm>> -> memref<10000xf32, #tpu.memory_space<hbm>>
    tpu.wait_dma2 semaphore(%arg31 : memref<!tpu.dma_semaphore, #tpu.memory_space<semaphore_mem>>) src(%arg21 : memref<10000xf32, #tpu.memory_space<vmem>>) dst(%dma_wait3A_643 : memref<10000xf32, #tpu.memory_space<hbm>>)
    %dma_start3A_644 = arith.constant 40000 : i32
    %dma_start3A_645 = tpu.memref_slice %arg6[%dma_start3A_644] : memref<50000xf32, #tpu.memory_space<hbm>> -> memref<10000xf32, #tpu.memory_space<hbm>>
    %dma_start3A_646 = arith.constant 40000 : i32
    %dma_start3A_647 = tpu.memref_slice %arg6[%dma_start3A_646] : memref<50000xf32, #tpu.memory_space<hbm>> -> memref<10000xf32, #tpu.memory_space<hbm>>
    tpu.enqueue_dma source(%dma_start3A_647 : memref<10000xf32, #tpu.memory_space<hbm>>) target(%arg15 : memref<10000xf32, #tpu.memory_space<vmem>>) target_semaphore(%arg26 : memref<!tpu.dma_semaphore, #tpu.memory_space<semaphore_mem>>)
    %parallel_loop3A_648 = arith.constant 0 : i32
    %parallel_loop3A_649 = arith.constant 625 : i32
    %parallel_loop3A_650 = arith.constant 1 : i32
    scf.for %parallel_loop3A_674 = %parallel_loop3A_648 to %parallel_loop3A_649 step %parallel_loop3A_650  : i32 {
      %parallel_loop3A_675 = arith.constant 0.000000e+00 : f32
      %parallel_loop3A_676 = vector.broadcast %parallel_loop3A_675 : f32 to vector<16xf32>
      %parallel_loop3A_677 = arith.constant 16 : i32
      %parallel_loop3A_678 = arith.muli %parallel_loop3A_674, %parallel_loop3A_677 : i32
      %parallel_loop3A_679 = arith.index_cast %parallel_loop3A_678 : i32 to index
      %parallel_loop3A_680 = tpu.vector_load %arg21[%parallel_loop3A_679] {strides = array<i32>} : memref<10000xf32, #tpu.memory_space<vmem>>, vector<16xf32>,
      tpu.vector_store %arg21[%parallel_loop3A_679], %parallel_loop3A_676 {strides = array<i32>} : memref<10000xf32, #tpu.memory_space<vmem>>, vector<16xf32>,
    } {sc.loop_unroll_factor = 8 : i64, sc.parallel_access}
    %dma_wait3A_651 = arith.constant 40000 : i32
    %dma_wait3A_652 = tpu.memref_slice %arg6[%dma_wait3A_651] : memref<50000xf32, #tpu.memory_space<hbm>> -> memref<10000xf32, #tpu.memory_space<hbm>>
    %dma_wait3A_653 = arith.constant 40000 : i32
    %dma_wait3A_654 = tpu.memref_slice %arg6[%dma_wait3A_653] : memref<50000xf32, #tpu.memory_space<hbm>> -> memref<10000xf32, #tpu.memory_space<hbm>>
    tpu.wait_dma2 semaphore(%arg26 : memref<!tpu.dma_semaphore, #tpu.memory_space<semaphore_mem>>) src(%dma_wait3A_654 : memref<10000xf32, #tpu.memory_space<hbm>>) dst(%arg15 : memref<10000xf32, #tpu.memory_space<vmem>>)
    %parallel_loop3A_655 = arith.constant 0 : i32
    %parallel_loop3A_656 = arith.constant 313 : i32
    %parallel_loop3A_657 = arith.constant 1 : i32
    scf.for %parallel_loop3A_674 = %parallel_loop3A_655 to %parallel_loop3A_656 step %parallel_loop3A_657  : i32 {
      %parallel_loop3A_675 = arith.constant 16 : i32
      %parallel_loop3A_676 = arith.muli %parallel_loop3A_674, %parallel_loop3A_675 : i32
      %parallel_loop3A_677 = arith.index_cast %parallel_loop3A_676 : i32 to index
      %parallel_loop3A_678 = tpu.vector_load %arg11[%parallel_loop3A_677] {strides = array<i32>} : memref<5008xi32, #tpu.memory_space<vmem>>, vector<16xi32>,
      %parallel_loop3A_679 = arith.index_cast %parallel_loop3A_676 : i32 to index
      %parallel_loop3A_680 = tpu.vector_load %arg10[%parallel_loop3A_679] {strides = array<i32>} : memref<5008xi32, #tpu.memory_space<vmem>>, vector<16xi32>,
      %parallel_loop3A_681 = tpu.vector_load_idx %arg15[%parallel_loop3A_680] : memref<10000xf32, #tpu.memory_space<vmem>>[vector<16xi32>], vector<16xf32>,
      %parallel_loop3A_682 = arith.index_cast %parallel_loop3A_676 : i32 to index
      %parallel_loop3A_683 = tpu.vector_load %arg13[%parallel_loop3A_682] {strides = array<i32>} : memref<5008xf32, #tpu.memory_space<vmem>>, vector<16xf32>,
      %parallel_loop3A_684 = arith.mulf %parallel_loop3A_681, %parallel_loop3A_683 : vector<16xf32>
      tpu.vector_store_idx %arg21[%parallel_loop3A_678], %parallel_loop3A_684 {add = true} : memref<10000xf32, #tpu.memory_space<vmem>>[vector<16xi32>], vector<16xf32>,
    } {sc.loop_unroll_factor = 8 : i64, sc.parallel_access}
    %mul3A_658 = arith.constant 6 : i32
    %mul3A_659 = arith.muli %add3A, %mul3A_658 : i32
    %mul3A_660 = arith.constant 10000 : i32
    %mul3A_661 = arith.muli %mul3A_659, %mul3A_660 : i32
    %add3A_662 = arith.constant 40000 : i32
    %add3A_663 = arith.addi %mul3A_661, %add3A_662 : i32
    "tpu.region"() ({
      %run_scoped3A = tpu.sem_alloc : memref<!tpu.dma_semaphore, #tpu.memory_space<semaphore_mem>>
      %dma_start3A_674 = tpu.memref_slice %arg8[%add3A_663] : memref<1920000xf32, #tpu.memory_space<hbm>> -> memref<10000xf32, #tpu.memory_space<hbm>>
      %dma_start3A_675 = tpu.memref_slice %arg8[%add3A_663] : memref<1920000xf32, #tpu.memory_space<hbm>> -> memref<10000xf32, #tpu.memory_space<hbm>>
      tpu.enqueue_dma source(%arg21 : memref<10000xf32, #tpu.memory_space<vmem>>) target(%dma_start3A_675 : memref<10000xf32, #tpu.memory_space<hbm>>) target_semaphore(%run_scoped3A : memref<!tpu.dma_semaphore, #tpu.memory_space<semaphore_mem>>)
      %dma_wait3A_676 = tpu.memref_slice %arg8[%add3A_663] : memref<1920000xf32, #tpu.memory_space<hbm>> -> memref<10000xf32, #tpu.memory_space<hbm>>
      %dma_wait3A_677 = tpu.memref_slice %arg8[%add3A_663] : memref<1920000xf32, #tpu.memory_space<hbm>> -> memref<10000xf32, #tpu.memory_space<hbm>>
      tpu.wait_dma2 semaphore(%run_scoped3A : memref<!tpu.dma_semaphore, #tpu.memory_space<semaphore_mem>>) src(%arg21 : memref<10000xf32, #tpu.memory_space<vmem>>) dst(%dma_wait3A_677 : memref<10000xf32, #tpu.memory_space<hbm>>)
      tpu.yield
    }) : () -> ()
    %dma_wait3A_664 = tpu.memref_slice %arg8[%add3A_615] : memref<1920000xf32, #tpu.memory_space<hbm>> -> memref<10000xf32, #tpu.memory_space<hbm>>
    %dma_wait3A_665 = tpu.memref_slice %arg8[%add3A_615] : memref<1920000xf32, #tpu.memory_space<hbm>> -> memref<10000xf32, #tpu.memory_space<hbm>>
    tpu.wait_dma2 semaphore(%arg30 : memref<!tpu.dma_semaphore, #tpu.memory_space<semaphore_mem>>) src(%arg17 : memref<10000xf32, #tpu.memory_space<vmem>>) dst(%dma_wait3A_665 : memref<10000xf32, #tpu.memory_space<hbm>>)
    %dma_wait3A_666 = tpu.memref_slice %arg8[%add3A_623] : memref<1920000xf32, #tpu.memory_space<hbm>> -> memref<10000xf32, #tpu.memory_space<hbm>>
    %dma_wait3A_667 = tpu.memref_slice %arg8[%add3A_623] : memref<1920000xf32, #tpu.memory_space<hbm>> -> memref<10000xf32, #tpu.memory_space<hbm>>
    tpu.wait_dma2 semaphore(%arg30 : memref<!tpu.dma_semaphore, #tpu.memory_space<semaphore_mem>>) src(%arg18 : memref<10000xf32, #tpu.memory_space<vmem>>) dst(%dma_wait3A_667 : memref<10000xf32, #tpu.memory_space<hbm>>)
    %dma_wait3A_668 = tpu.memref_slice %arg8[%add3A_631] : memref<1920000xf32, #tpu.memory_space<hbm>> -> memref<10000xf32, #tpu.memory_space<hbm>>
    %dma_wait3A_669 = tpu.memref_slice %arg8[%add3A_631] : memref<1920000xf32, #tpu.memory_space<hbm>> -> memref<10000xf32, #tpu.memory_space<hbm>>
    tpu.wait_dma2 semaphore(%arg30 : memref<!tpu.dma_semaphore, #tpu.memory_space<semaphore_mem>>) src(%arg19 : memref<10000xf32, #tpu.memory_space<vmem>>) dst(%dma_wait3A_669 : memref<10000xf32, #tpu.memory_space<hbm>>)
    %dma_wait3A_670 = tpu.memref_slice %arg8[%add3A_639] : memref<1920000xf32, #tpu.memory_space<hbm>> -> memref<10000xf32, #tpu.memory_space<hbm>>
    %dma_wait3A_671 = tpu.memref_slice %arg8[%add3A_639] : memref<1920000xf32, #tpu.memory_space<hbm>> -> memref<10000xf32, #tpu.memory_space<hbm>>
    tpu.wait_dma2 semaphore(%arg30 : memref<!tpu.dma_semaphore, #tpu.memory_space<semaphore_mem>>) src(%arg20 : memref<10000xf32, #tpu.memory_space<vmem>>) dst(%dma_wait3A_671 : memref<10000xf32, #tpu.memory_space<hbm>>)
    %dma_wait3A_672 = tpu.memref_slice %arg7[%mul3A_2] : memref<160256xf32, #tpu.memory_space<hbm>> -> memref<5008xf32, #tpu.memory_space<hbm>>
    %dma_wait3A_673 = tpu.memref_slice %arg7[%mul3A_2] : memref<160256xf32, #tpu.memory_space<hbm>> -> memref<5008xf32, #tpu.memory_space<hbm>>
    tpu.wait_dma2 semaphore(%arg25 : memref<!tpu.dma_semaphore, #tpu.memory_space<semaphore_mem>>) src(%arg13 : memref<5008xf32, #tpu.memory_space<vmem>>) dst(%dma_wait3A_673 : memref<5008xf32, #tpu.memory_space<hbm>>)
    return
  }
}

module attributes {stable_mosaic.version = 14 : i64} {
  func.func @body(%arg0: memref<32x6x10000xf32, #tpu.memory_space<vmem>>, %arg1: memref<10000xf32, #tpu.memory_space<vmem>>, %arg2: memref<5x10000xf32, #tpu.memory_space<vmem>>, %arg3: memref<5x512xf32, #tpu.memory_space<vmem>>, %arg4: memref<512xf32, #tpu.memory_space<vmem>>, %arg5: memref<512x256xf32, #tpu.memory_space<vmem>>, %arg6: memref<256xf32, #tpu.memory_space<vmem>>, %arg7: memref<256x1xf32, #tpu.memory_space<vmem>>, %arg8: memref<10000xf32, #tpu.memory_space<vmem>>) attributes {dimension_semantics = [], scalar_prefetch = 0 : i64, scratch_operands = 0 : i64, tpu.core_type = #tpu.core_type<tc>} {
    %get3A = arith.constant 0 : index
    %get3A_0 = arith.constant 0 : index
    %get3A_1 = arith.constant 0 : index
    %get3A_2 = vector.load %arg0[%get3A, %get3A_0, %get3A_1] : memref<32x6x10000xf32, #tpu.memory_space<vmem>>, vector<32x6x10000xf32>
    %reduce_sum3A = arith.constant dense<0.000000e+00> : vector<6x10000xf32>
    %reduce_sum3A_3 = vector.multi_reduction <add>, %get3A_2, %reduce_sum3A [0] : vector<32x6x10000xf32> to vector<6x10000xf32>
    %get3A_4 = arith.constant 0 : index
    %get3A_5 = vector.load %arg1[%get3A_4] : memref<10000xf32, #tpu.memory_space<vmem>>, vector<10000xf32>
    %mul3A = arith.mulf %get3A_5, %get3A_5 : vector<10000xf32>
    %slice3A = vector.extract_strided_slice %reduce_sum3A_3 {offsets = [0, 0], sizes = [5, 10000], strides = [1, 1]} : vector<6x10000xf32> to vector<5x10000xf32>
    %get3A_6 = arith.constant 0 : index
    %get3A_7 = arith.constant 0 : index
    %get3A_8 = vector.load %arg2[%get3A_6, %get3A_7] : memref<5x10000xf32, #tpu.memory_space<vmem>>, vector<5x10000xf32>
    %broadcast_in_dim3A = vector.shape_cast %mul3A : vector<10000xf32> to vector<1x10000xf32>
    %mul3A_9 = vector.broadcast %broadcast_in_dim3A : vector<1x10000xf32> to vector<5x10000xf32>
    %mul3A_10 = arith.mulf %get3A_8, %mul3A_9 : vector<5x10000xf32>
    %add3A = arith.addf %slice3A, %mul3A_10 : vector<5x10000xf32>
    %slice3A_11 = vector.extract_strided_slice %reduce_sum3A_3 {offsets = [5, 0], sizes = [1, 10000], strides = [1, 1]} : vector<6x10000xf32> to vector<1x10000xf32>
    %squeeze3A = vector.shape_cast %slice3A_11 : vector<1x10000xf32> to vector<10000xf32>
    %add3A_12 = arith.addf %squeeze3A, %mul3A : vector<10000xf32>
    %get3A_13 = arith.constant 0 : index
    %get3A_14 = arith.constant 0 : index
    %get3A_15 = vector.load %arg5[%get3A_13, %get3A_14] : memref<512x256xf32, #tpu.memory_space<vmem>>, vector<512x256xf32>
    %get3A_16 = arith.constant 0 : index
    %get3A_17 = arith.constant 0 : index
    %get3A_18 = vector.load %arg3[%get3A_16, %get3A_17] : memref<5x512xf32, #tpu.memory_space<vmem>>, vector<5x512xf32>
    %dot_general3A = arith.constant dense<0.000000e+00> : vector<256x5xf32>
    %dot_general3A_19 = tpu.matmul %get3A_15, %get3A_18, %dot_general3A {dimension_numbers = #tpu.dot_dimension_numbers<[0], [1], [1], [0], [0, 1, 1, 0], [], []>, transpose_lhs_hint = false} : vector<512x256xf32>, vector<5x512xf32>, vector<256x5xf32> -> vector<256x5xf32>
    %get3A_20 = arith.constant 0 : index
    %get3A_21 = vector.load %arg4[%get3A_20] : memref<512xf32, #tpu.memory_space<vmem>>, vector<512xf32>
    %get3A_22 = arith.constant 0 : index
    %get3A_23 = arith.constant 0 : index
    %get3A_24 = vector.load %arg5[%get3A_22, %get3A_23] : memref<512x256xf32, #tpu.memory_space<vmem>>, vector<512x256xf32>
    %dot_general3A_25 = arith.constant dense<0.000000e+00> : vector<256xf32>
    %dot_general3A_26 = tpu.matmul %get3A_21, %get3A_24, %dot_general3A_25 {dimension_numbers = #tpu.dot_dimension_numbers<[0], [0], [], [1], [1, 1], [], []>, transpose_lhs_hint = false} : vector<512xf32>, vector<512x256xf32>, vector<256xf32> -> vector<256xf32>
    %dot_general3A_27 = arith.constant dense<0.000000e+00> : vector<256x10000xf32>
    %dot_general3A_28 = tpu.matmul %dot_general3A_19, %add3A, %dot_general3A_27 {dimension_numbers = #tpu.dot_dimension_numbers<[1], [0], [0], [1], [0, 0, 1, 1], [], []>, transpose_lhs_hint = false} : vector<256x5xf32>, vector<5x10000xf32>, vector<256x10000xf32> -> vector<256x10000xf32>
    %broadcast_in_dim3A_29 = vector.shape_cast %dot_general3A_26 : vector<256xf32> to vector<256x1xf32>
    %broadcast_in_dim3A_30 = vector.shape_cast %add3A_12 : vector<10000xf32> to vector<1x10000xf32>
    %mul3A_31 = vector.broadcast %broadcast_in_dim3A_29 : vector<256x1xf32> to vector<256x10000xf32>
    %mul3A_32 = vector.broadcast %broadcast_in_dim3A_30 : vector<1x10000xf32> to vector<256x10000xf32>
    %mul3A_33 = arith.mulf %mul3A_31, %mul3A_32 : vector<256x10000xf32>
    %add3A_34 = arith.addf %dot_general3A_28, %mul3A_33 : vector<256x10000xf32>
    %get3A_35 = arith.constant 0 : index
    %get3A_36 = vector.load %arg6[%get3A_35] : memref<256xf32, #tpu.memory_space<vmem>>, vector<256xf32>
    %broadcast_in_dim3A_37 = vector.shape_cast %get3A_36 : vector<256xf32> to vector<256x1xf32>
    %add3A_38 = vector.broadcast %broadcast_in_dim3A_37 : vector<256x1xf32> to vector<256x10000xf32>
    %add3A_39 = arith.addf %add3A_34, %add3A_38 : vector<256x10000xf32>
    %max3A = arith.constant 0.000000e+00 : f32
    %max3A_40 = vector.broadcast %max3A : f32 to vector<256x10000xf32>
    %max3A_41 = arith.maximumf %add3A_39, %max3A_40 : vector<256x10000xf32>
    %get3A_42 = arith.constant 0 : index
    %get3A_43 = arith.constant 0 : index
    %get3A_44 = vector.load %arg7[%get3A_42, %get3A_43] : memref<256x1xf32, #tpu.memory_space<vmem>>, vector<256x1xf32>
    %dot_general3A_45 = arith.constant dense<0.000000e+00> : vector<1x10000xf32>
    %dot_general3A_46 = tpu.matmul %get3A_44, %max3A_41, %dot_general3A_45 {dimension_numbers = #tpu.dot_dimension_numbers<[0], [0], [1], [1], [0, 1, 1, 1], [], []>, transpose_lhs_hint = false} : vector<256x1xf32>, vector<256x10000xf32>, vector<1x10000xf32> -> vector<1x10000xf32>
    %squeeze3A_47 = vector.shape_cast %dot_general3A_46 : vector<1x10000xf32> to vector<10000xf32>
    %swap3A = arith.constant 0 : index
    %swap3A_48 = vector.load %arg8[%swap3A] : memref<10000xf32, #tpu.memory_space<vmem>>, vector<10000xf32>
    tpu.vector_store %arg8[%swap3A], %squeeze3A_47 {strides = array<i32>} : memref<10000xf32, #tpu.memory_space<vmem>>, vector<10000xf32>,
    return
  }
}

module attributes {stable_mosaic.version = 14 : i64} {
  func.func @body(%arg0: memref<32x10000xf32, #tpu.memory_space<vmem>>, %arg1: memref<10000xf32, #tpu.memory_space<vmem>>, %arg2: memref<10000xf32, #tpu.memory_space<vmem>>, %arg3: memref<1x1xf32, #tpu.memory_space<vmem>>, %arg4: memref<10000xi32, #tpu.memory_space<vmem>>, %arg5: memref<10000xf32, #tpu.memory_space<vmem>>) attributes {dimension_semantics = [], scalar_prefetch = 0 : i64, scratch_operands = 0 : i64, tpu.core_type = #tpu.core_type<tc>} {
    %get3A = arith.constant 0 : index
    %get3A_0 = vector.load %arg1[%get3A] : memref<10000xf32, #tpu.memory_space<vmem>>, vector<10000xf32>
    %get3A_1 = arith.constant 0 : index
    %get3A_2 = arith.constant 0 : index
    %get3A_3 = vector.load %arg0[%get3A_1, %get3A_2] : memref<32x10000xf32, #tpu.memory_space<vmem>>, vector<32x10000xf32>
    %reduce_sum3A = arith.constant dense<0.000000e+00> : vector<10000xf32>
    %reduce_sum3A_4 = vector.multi_reduction <add>, %get3A_3, %reduce_sum3A [0] : vector<32x10000xf32> to vector<10000xf32>
    %mul3A = arith.mulf %get3A_0, %get3A_0 : vector<10000xf32>
    %get3A_5 = arith.constant 0 : index
    %get3A_6 = vector.load %arg2[%get3A_5] : memref<10000xf32, #tpu.memory_space<vmem>>, vector<10000xf32>
    %mul3A_7 = arith.mulf %mul3A, %get3A_6 : vector<10000xf32>
    %add3A = arith.addf %reduce_sum3A_4, %mul3A_7 : vector<10000xf32>
    %get3A_8 = arith.constant 0 : index
    %get3A_9 = arith.constant 0 : index
    %get3A_10 = vector.load %arg3[%get3A_8, %get3A_9] : memref<1x1xf32, #tpu.memory_space<vmem>>, vector<1x1xf32>
    %get3A_11 = vector.extract %get3A_10[0, 0] : f32 from vector<1x1xf32>
    %add3A_12 = vector.broadcast %get3A_11 : f32 to vector<10000xf32>
    %add3A_13 = arith.addf %add3A, %add3A_12 : vector<10000xf32>
    %get3A_14 = arith.constant 0 : index
    %get3A_15 = vector.load %arg4[%get3A_14] : memref<10000xi32, #tpu.memory_space<vmem>>, vector<10000xi32>
    %iota3A = tpu.iota {dimensions = array<i32: 0>} : vector<64x10000xi32>
    %broadcast_in_dim3A = vector.shape_cast %get3A_15 : vector<10000xi32> to vector<1x10000xi32>
    %eq3A = vector.broadcast %broadcast_in_dim3A : vector<1x10000xi32> to vector<64x10000xi32>
    %eq3A_16 = arith.cmpi eq, %iota3A, %eq3A : vector<64x10000xi32>
    %broadcast_in_dim3A_17 = vector.shape_cast %add3A_13 : vector<10000xf32> to vector<1x10000xf32>
    %jit3A = arith.constant 0xFF800000 : f32
    %broadcast_in_dim3A_18 = vector.shape_cast %broadcast_in_dim3A_17 : vector<1x10000xf32> to vector<1x10000xf32>
    %broadcast_in_dim3A_19 = vector.broadcast %broadcast_in_dim3A_18 : vector<1x10000xf32> to vector<64x10000xf32>
    %broadcast_in_dim3A_20 = vector.broadcast %jit3A : f32 to vector<64x10000xf32>
    %select_n3A = arith.select %eq3A_16, %broadcast_in_dim3A_19, %broadcast_in_dim3A_20 : vector<64x10000xi1>, vector<64x10000xf32>
    %reduce_max3A = arith.constant dense<0xFF800000> : vector<64xf32>
    %reduce_max3A_21 = vector.multi_reduction <maximumf>, %select_n3A, %reduce_max3A [1] : vector<64x10000xf32> to vector<64xf32>
    %broadcast_in_dim3A_22 = vector.shape_cast %reduce_max3A_21 : vector<64xf32> to vector<64x1xf32>
    %jit3A_23 = arith.constant 0.000000e+00 : f32
    %broadcast_in_dim3A_24 = vector.shape_cast %broadcast_in_dim3A_22 : vector<64x1xf32> to vector<64x1xf32>
    %broadcast_in_dim3A_25 = vector.broadcast %broadcast_in_dim3A_24 : vector<64x1xf32> to vector<64x10000xf32>
    %broadcast_in_dim3A_26 = vector.broadcast %jit3A_23 : f32 to vector<64x10000xf32>
    %select_n3A_27 = arith.select %eq3A_16, %broadcast_in_dim3A_25, %broadcast_in_dim3A_26 : vector<64x10000xi1>, vector<64x10000xf32>
    %reduce_sum3A_28 = arith.constant dense<0.000000e+00> : vector<10000xf32>
    %reduce_sum3A_29 = vector.multi_reduction <add>, %select_n3A_27, %reduce_sum3A_28 [0] : vector<64x10000xf32> to vector<10000xf32>
    %sub3A = arith.subf %add3A_13, %reduce_sum3A_29 : vector<10000xf32>
    %exp3A = math.exp %sub3A : vector<10000xf32>
    %broadcast_in_dim3A_30 = vector.shape_cast %exp3A : vector<10000xf32> to vector<1x10000xf32>
    %jit3A_31 = arith.constant 0.000000e+00 : f32
    %broadcast_in_dim3A_32 = vector.shape_cast %broadcast_in_dim3A_30 : vector<1x10000xf32> to vector<1x10000xf32>
    %broadcast_in_dim3A_33 = vector.broadcast %broadcast_in_dim3A_32 : vector<1x10000xf32> to vector<64x10000xf32>
    %broadcast_in_dim3A_34 = vector.broadcast %jit3A_31 : f32 to vector<64x10000xf32>
    %select_n3A_35 = arith.select %eq3A_16, %broadcast_in_dim3A_33, %broadcast_in_dim3A_34 : vector<64x10000xi1>, vector<64x10000xf32>
    %reduce_sum3A_36 = arith.constant dense<0.000000e+00> : vector<64xf32>
    %reduce_sum3A_37 = vector.multi_reduction <add>, %select_n3A_35, %reduce_sum3A_36 [1] : vector<64x10000xf32> to vector<64xf32>
    %broadcast_in_dim3A_38 = vector.shape_cast %reduce_sum3A_37 : vector<64xf32> to vector<64x1xf32>
    %jit3A_39 = arith.constant 0.000000e+00 : f32
    %broadcast_in_dim3A_40 = vector.shape_cast %broadcast_in_dim3A_38 : vector<64x1xf32> to vector<64x1xf32>
    %broadcast_in_dim3A_41 = vector.broadcast %broadcast_in_dim3A_40 : vector<64x1xf32> to vector<64x10000xf32>
    %broadcast_in_dim3A_42 = vector.broadcast %jit3A_39 : f32 to vector<64x10000xf32>
    %select_n3A_43 = arith.select %eq3A_16, %broadcast_in_dim3A_41, %broadcast_in_dim3A_42 : vector<64x10000xi1>, vector<64x10000xf32>
    %reduce_sum3A_44 = arith.constant dense<0.000000e+00> : vector<10000xf32>
    %reduce_sum3A_45 = vector.multi_reduction <add>, %select_n3A_43, %reduce_sum3A_44 [0] : vector<64x10000xf32> to vector<10000xf32>
    %div3A = arith.divf %exp3A, %reduce_sum3A_45 : vector<10000xf32>
    %swap3A = arith.constant 0 : index
    %swap3A_46 = vector.load %arg5[%swap3A] : memref<10000xf32, #tpu.memory_space<vmem>>, vector<10000xf32>
    tpu.vector_store %arg5[%swap3A], %div3A {strides = array<i32>} : memref<10000xf32, #tpu.memory_space<vmem>>, vector<10000xf32>,
    return
  }
}

</mosaic_0001>

<sc_bundles>
// kernel: kernel.10.cloned.1.call-start
scs
__scs_entry_jumppad:
0x0: {  	(pc) =	sbr.rel $0x88, $3  }
0x1: {  	(tag) =	ssettag $0x0;
	lr =	simm.s32 $0x1  }
0x2: {  	[smem:$0x3F97] =	sst lr;
	_ =	strace $0xD0000000  }
0x3: {  	_ = 	snop  }
0x4: {  	_ = 	snop  }
0x5: {  	_ = 	snop  }
0x6: {  	_ = 	snop  }
0x7: {  	_ = 	snop  }
__scs_overlays_trampoline_lowered:
0x8: {  	[smem:$0x3FA6] =	sst s0  }
0x9: {  	[smem:$0x3FA7] =	sst s1  }
0xa: {  	[smem:$0x3FA8] =	sst s2  }
0xb: {  	[smem:$0x3FA9] =	sst s3  }
0xc: {  	[smem:$0x3FAA] =	sst s4  }
0xd: {  	[smem:$0x3FAB] =	sst s5  }
0xe: {  	[smem:$0x3FAC] =	sst s6  }
0xf: {  	[smem:$0x3FAD] =	sst s7  }
0x10: {  	[smem:$0x3FAE] =	sst s8  }
0x11: {  	[smem:$0x3FAF] =	sst s9;
	s0 =	simm.s32 @!p0 $0x0  }
0x12: {  	s1 =	sld [smem:$0x3F95];
	s0 =	simm.s32 @p0 $0x1  }
0x13: {  	[smem:$0x3FB0] =	sst s0;
	s0 =	simm.s32 @!p1 $0x0  }
0x14: {  	s2 =	sld [smem:$0x3F94];
	s0 =	simm.s32 @p1 $0x1  }
0x15: {  	[smem:$0x3FB1] =	sst s0;
	s0 =	simm.s32 @!p2 $0x0  }
0x16: {  	s3 =	sld [smem:$0x3FDB];
	s0 =	simm.s32 @p2 $0x1  }
0x17: {  	s4 =	simm.s32 $0x1BF5;
	[smem:$0x3FB3] =	sst s0  }
0x18: {  	s0 =	sld [smem:$0x3F96];
	_ =	swait.ge [sflag:s4], $0x0  }
0x19: {  	s7 =	sld [smem:$0x3F97]  }
0x1a: {  	s8 =	sadd.s32 $0xFFFFE003, lr  }
0x1b: {  	s9 =	sadd.s32 $0xFFFFFEF7, lr;
	s5 =	simm.s32 $0xFFFFFFFF;
	p2 =	slt.u32 s8, $0xFFFFF086  }
0x1c: {  	p1 =	slt.u32 s9, $0xF7A;
	s5 =	simm.s32 @!p2 $0x0  }
0x1d: {  	s5 =	simm.s32 @p1 $0x1;
	p0 =	seq.s32 s7, s2  }
0x1e: {  	s7 =	smul.u32 @!p0 $0xF7A, s2;
	p2 =	seq.s32 @!p0 s5, $0x0  }
0x1f: {  	s9 =	smul.u32 $0xF7A, s1;
	s8 =	simm.s32 @!p0 $0x1BF5;
	p2 =	por !p2, p0  }
0x20: {  	[sflag:s8] =	ssyncset.s32 @!p0 $0xFFFFF086;
	s6 =	sadd.s32 @!p0 s3, s7;
	s7 =	simm.s32 @!p0 $0x108  }
0x21: {  	s3 =	sadd.s32 s3, s9;
	s6 =	sadd.s32 @!p0 $0x88, s6;
	s7 =	simm.s32 @p2 $0x1082  }
0x22: {  	[simem:s7], [sflag:s8] =	dma.local @!p0 [hbm:s6], $0xF7A  }
0x23: {  	s9 =	sor.u32 $0xD0000000, s2;
	s6 =	simm.s32 $0x108;
	_ =	swait.ge @!p0 [sflag:s8], $0x0  }
0x24: {  	s3 =	sadd.s32 $0x88, s3;
	s6 =	simm.s32 @!p1 $0x1082;
	[sflag:s4] =	ssyncset.s32 $0xFFFFF086  }
0x25: {  	[simem:s6], [sflag:s4] =	dma.local [hbm:s3], $0xF7A  }
0x26: {  	[smem:$0x3F97] =	sst s1;
	(tag) =	ssettag s2;
	_ =	strace s9  }
0x27: {  	s1 =	sld [smem:$0x3FA7]  }
0x28: {  	s2 =	sld [smem:$0x3FA8]  }
0x29: {  	s4 =	sld [smem:$0x3FAA]  }
0x2a: {  	p0 =	seq.s32 s5, $0x0;
	s5 =	sld [smem:$0x3FAB]  }
0x2b: {  	s6 =	sld [smem:$0x3FAC]  }
0x2c: {  	s7 =	sld [smem:$0x3FAD]  }
0x2d: {  	s3 =	simm.s32 $0x108;
	s8 =	sld [smem:$0x3FAE]  }
0x2e: {  	s3 =	simm.s32 @!p0 $0x1082;
	s9 =	sld [smem:$0x3FAF]  }
0x2f: {  	lr =	sadd.s32 s0, s3;
	s0 =	sld [smem:$0x3FA6]  }
0x30: {  	s3 =	sld [smem:$0x3FA9]  }
0x31: {  	[smem:$0x3FB2] =	sst s10  }
0x32: {  	s10 =	sld [smem:$0x3FB0];
	_ =	sdelay $0x3  }
0x33: {  	p0 =	seq.s32 s10, $0x1;
	s10 =	sld [smem:$0x3FB2];
	_ =	sdelay $0x3  }
0x34: {  	[smem:$0x3FB2] =	sst s10  }
0x35: {  	s10 =	sld [smem:$0x3FB1];
	_ =	sdelay $0x3  }
0x36: {  	p1 =	seq.s32 s10, $0x1;
	s10 =	sld [smem:$0x3FB2];
	_ =	sdelay $0x3  }
0x37: {  	[smem:$0x3FB2] =	sst s10  }
0x38: {  	s10 =	sld [smem:$0x3FB3]  }
0x39: {  	_ = 	snop;
	(pc) =	sbr.ind lr, $3  }
0x3a: {  	_ = 	snop  }
0x3b: {  	_ = 	snop  }
0x3c: {  	p2 =	seq.s32 s10, $0x1;
	s10 =	sld [smem:$0x3FB2]  }
0x3d: {  	_ =	shalt  }
0x3e: {  	_ =	shalt  }
0x3f: {  	_ =	shalt  }
0x40: {  	_ =	shalt  }
0x41: {  	_ =	shalt  }
0x42: {  	_ =	shalt  }
0x43: {  	_ =	shalt  }
0x44: {  	_ =	shalt  }
0x45: {  	_ =	shalt  }
0x46: {  	_ =	shalt  }
0x47: {  	_ =	shalt  }
0x48: {  	_ =	shalt  }
0x49: {  	_ =	shalt  }
0x4a: {  	_ =	shalt  }
0x4b: {  	_ =	shalt  }
0x4c: {  	_ =	shalt  }
0x4d: {  	_ =	shalt  }
0x4e: {  	_ =	shalt  }
0x4f: {  	_ =	shalt  }
0x50: {  	_ =	shalt  }
0x51: {  	_ =	shalt  }
0x52: {  	_ =	shalt  }
0x53: {  	_ =	shalt  }
0x54: {  	_ =	shalt  }
0x55: {  	_ =	shalt  }
0x56: {  	_ =	shalt  }
0x57: {  	_ =	shalt  }
0x58: {  	_ =	shalt  }
0x59: {  	_ =	shalt  }
0x5a: {  	_ =	shalt  }
0x5b: {  	_ =	shalt  }
0x5c: {  	_ =	shalt  }
0x5d: {  	_ =	shalt  }
0x5e: {  	_ =	shalt  }
0x5f: {  	_ =	shalt  }
0x60: {  	_ =	shalt  }
0x61: {  	_ =	shalt  }
0x62: {  	_ =	shalt  }
0x63: {  	_ =	shalt  }
0x64: {  	_ =	shalt  }
0x65: {  	_ =	shalt  }
0x66: {  	_ =	shalt  }
0x67: {  	_ =	shalt  }
0x68: {  	_ =	shalt  }
0x69: {  	_ =	shalt  }
0x6a: {  	_ =	shalt  }
0x6b: {  	_ =	shalt  }
0x6c: {  	_ =	shalt  }
0x6d: {  	_ =	shalt  }
0x6e: {  	_ =	shalt  }
0x6f: {  	_ =	shalt  }
0x70: {  	_ =	shalt  }
0x71: {  	_ =	shalt  }
0x72: {  	_ =	shalt  }
0x73: {  	_ =	shalt  }
0x74: {  	_ =	shalt  }
0x75: {  	_ =	shalt  }
0x76: {  	_ =	shalt  }
0x77: {  	_ =	shalt  }
0x78: {  	_ =	shalt  }
0x79: {  	_ =	shalt  }
0x7a: {  	_ =	shalt  }
0x7b: {  	_ =	shalt  }
0x7c: {  	_ =	shalt  }
0x7d: {  	_ =	shalt  }
0x7e: {  	_ =	shalt  }
0x7f: {  	_ =	shalt  }
0x80: {  	_ =	shalt  }
0x81: {  	_ =	shalt  }
0x82: {  	_ =	shalt  }
0x83: {  	_ =	shalt  }
0x84: {  	_ =	shalt  }
0x85: {  	_ =	shalt  }
0x86: {  	_ =	shalt  }
0x87: {  	_ =	shalt  }
.Lfunc_end0:
.L_simem_size_0:
called_computation.1_lowered:
.L_overlay_start_0:
0x88: {  	s2 =	sld [smem:$0x3FD9]  }
0x89: {  	s3 =	sld [smem:$0x3FFE];
	_ =	sdelay $0x1  }
0x8a: {  	s1 =	srdreg.scid  }
0x8b: {  	s0 =	sand.u32 $0x1, s1  }
0x8c: {  	s17 =	sshll.u32 s0, $0xA;
	s2 =	sadd.s32 s3, s2  }
0x8d: {  	s2 =	sadd.s32 s2, s17  }
0x8e: {  	[smem:$0x3FBE] =	sst s2  }
0x8f: {  	_ = 	snop  }
0x90: {  	s2 =	sld [smem:$0x3FD0];
	(tm) =	ssettm $0x1  }
0x91: {  	s18 =	sld [smem:$0x3FFB];
	_ =	sdelay $0x3  }
0x92: {  	_ =	strace s18  }
0x93: {  	s3 =	sld [smem:$0x3FFC];
	_ =	sdelay $0x3  }
0x94: {  	_ =	strace s3  }
0x95: {  	s3 =	sld [smem:$0x3FFD];
	_ =	sdelay $0x3  }
0x96: {  	_ =	strace s3  }
0x97: {  	_ =	strace $0x8FFFFFFF  }
0x98: {  	s19 =	sld [smem:$0x3FDB];
	_ =	sdelay $0x1  }
0x99: {  	s4 =	simm.s32 $_scs_section_size  }
0x9a: {  	s5 =	simm.s32 $_size__tile_overlayer_lowered;
	s6 =	simm.s32 $_tile_overlayer_lowered  }
0x9b: {  	s22 =	simm.s32 $0x1BFF;
	s21 =	sshll.u32 s6, $0x1;
	s3 =	sadd.s32 s4, s19  }
0x9c: {  	s7 =	simm.s32 $0x0;
	s20 =	sshll.u32 s5, $0x1;
	s5 =	sadd.s32 s21, s3  }
0x9d: {  	[timem:s7], [sflag:s22] =	dma.local [hbm:s5], s20  }
0x9e: {  	_ =	swait.ge [sflag:s22], s20  }
0x9f: {  	s4 =	ssub.s32 $0x0, s20;
	[sflag:s22] =	ssyncset.done $0x0  }
0xa0: {  	[sflag:s22] =	ssyncadd.s32 s4;
	_ =	sdelay $0x1  }
0xa1: {  	s23 =	simm.s32 $0x1B8B  }
0xa2: {  	_ =	swait.ge [sflag:s23], $0x1  }
0xa3: {  	[sflag:s23] =	ssyncset.done $0x0  }
0xa4: {  	s25 =	simm.s32 $0x1B8E;
	s24 =	sld [smem:$0x3FFE];
	[sflag:s23] =	ssyncadd.s32 $0xFFFFFFFF  }
0xa5: {  	s26 =	simm.s32 $execute0_lowered;
	[smem:$0x3FD2] =	sst s25  }
0xa6: {  	s5 =	sshll.u32 s26, $0x1;
	_ =	strace $0x80000049;
	[dreg:$0x1] =	wrdreg $0xFFFFFFFF  }
0xa7: {  	s28 =	simm.s32 $_size_execute0_lowered;
	s3 =	sadd.s32 s3, s5;
	[dreg:$0x0] =	wrdreg $0x0  }
0xa8: {  	s5 =	sshll.u32 s28, $0x1;
	[dreg:$0x2] =	wrdreg s3  }
0xa9: {  	[dreg:$0x3] =	wrdreg s5  }
0xaa: {  	[dreg:$0x4] =	wrdreg $0xC0  }
0xab: {  	_ =	task [dreg:s7], $0x5FFFF  }
0xac: {  	[dreg:$0x1] =	wrdreg $0xFFFFFFFF  }
0xad: {  	[dreg:$0x0] =	wrdreg $0x60  }
0xae: {  	[dreg:$0x2] =	wrdreg s24  }
0xaf: {  	[dreg:$0x3] =	wrdreg s2  }
0xb0: {  	[dreg:$0x4] =	wrdreg $0x1DF000  }
0xb1: {  	[dreg:$0x5] =	wrdreg $0x9  }
0xb2: {  	_ =	task.clear_ibuf [dreg:s7], $0x6FFFF;
	_ =	strace $0x90000049  }
0xb3: {  	s29 =	simm.s32 $0x9;
	_ =	strace $0x8000004B  }
0xb4: {  	_ =	swait.ge [sflag:s29], $0x1  }
0xb5: {  	[sflag:s29] =	ssyncadd.s32 $0xFFFFFFFF  }
0xb6: {  	_ =	strace $0x9000004B  }
0xb7: {  	_ =	sfence  }
0xb8: {  	s30 =	sld [smem:$0x0];
	_ =	sdelay $0x2  }
0xb9: {  	s31 =	sshll.u32 s1, $0xD;
	s1 =	sshrl.u32 s1, $0x2  }
0xba: {  	s3 =	sand.u32 $0x4000, s31;
	s1 =	sadd.s32 s1, s30  }
0xbb: {  	s0 =	sor.u32 s3, s0;
	s1 =	sshll.u32 s1, $0x11  }
0xbc: {  	s0 =	sor.u32 s1, s0  }
0xbd: {  	s0 =	sadd.s32 $0x8F2B, s0  }
0xbe: {  	[sflag:s0] =	ssyncadd.remote.s32 $0x1  }
0xbf: {  	_ =	sfence.sel $0xFFFF  }
0xc0: {  	[dreg:$0x0] =	wrdreg $0xFFFFFFFF;
	(pc) =	sbr.abs _section_cstart, $3  }
0xc1: {  	[dreg:$0x1] =	wrdreg $0xFFFFFFFF  }
0xc2: {  	_ =	task.clear_ibuf [dreg:s7], $0x2FFFF;
	_ =	strace $0x9FFFFFFF  }
0xc3: {  	(tm) =	ssettm $0x7FFFFFFF  }
tec
execute0_lowered:
.L_overlay_start_1:
0x0: {  	(tag) =	ssettag $0x1  }
0x1: {  	s5 =	stileid.u32  }
0x2: {  	s0 =	rddreg [dreg:$0x0];
	s4 =	sshll.u32 s5, $0x1;
	s5 =	smul.u32 $0x280, s5  }
0x3: {  	s1 =	rddreg [dreg:$0x1]  }
0x4: {  	s11 =	rddreg [dreg:$0x2];
	s3 =	simm.s32 $0x0;
	s7 =	sshrl.u32 s5, $0x3  }
0x5: {  	[smem:$0x7FF] =	sst s3;
	s9 =	sadd.s32 s7, s0;
	s1 =	sadd.s32 s1, s7  }
0x6: {  	_ =	strace $0x8000004A;
	s15 =	sadd.s32 $0xBE00, s9;
	[dreg:$0x11] =	wrdreg s1  }
0x7: {  	s16 =	sadd.s32 $0xC300, s9;
	[dreg:$0x4] =	wrdreg s15  }
0x8: {  	s17 =	sadd.s32 $0xC800, s9;
	[dreg:$0x5] =	wrdreg s16  }
0x9: {  	s18 =	sadd.s32 $0xCD00, s9;
	[dreg:$0x6] =	wrdreg s17  }
0xa: {  	s19 =	sadd.s32 $0xD200, s9;
	[dreg:$0x7] =	wrdreg s18  }
0xb: {  	s20 =	sadd.s32 $0xD700, s9;
	[dreg:$0x8] =	wrdreg s19  }
0xc: {  	s21 =	sadd.s32 $0xDC00, s9;
	[dreg:$0x9] =	wrdreg s20  }
0xd: {  	s22 =	sadd.s32 $0xE100, s9;
	[dreg:$0xa] =	wrdreg s21  }
0xe: {  	s23 =	sadd.s32 $0xE600, s9;
	[dreg:$0xb] =	wrdreg s22  }
0xf: {  	s24 =	sadd.s32 $0xEB00, s9;
	[dreg:$0xc] =	wrdreg s23  }
0x10: {  	s25 =	sadd.s32 $0xF000, s9;
	[dreg:$0xd] =	wrdreg s24  }
0x11: {  	s2 =	srdreg.scid;
	s26 =	sadd.s32 $0xF500, s9;
	[dreg:$0xe] =	wrdreg s25  }
0x12: {  	s2 =	sand.u32 $0x1, s2;
	s12 =	sadd.s32 $0xFA00, s9;
	[dreg:$0xf] =	wrdreg s26  }
0x13: {  	s4 =	sor.u32 s2, s4;
	s13 =	sadd.s32 $0xFF00, s9;
	[dreg:$0x10] =	wrdreg s12  }
0x14: {  	s8 =	ssub.s32 $0x2, s2;
	s14 =	sadd.s32 $0x10400, s9;
	[dreg:$0x12] =	wrdreg s13  }
0x15: {  	p0 =	sne.s32 s2, $0x0;
	s2 =	sadd.s32 $0x14500, s9;
	[dreg:$0x13] =	wrdreg s14  }
0x16: {  	s10 =	sshrl.u32 s8, $0x1;
	s7 =	sadd.s32 $0x14A00, s9;
	[smem:$0x7EB] =	sst s2  }
0x17: {  	s8 =	ssub.s32 s8, s10;
	s10 =	sadd.s32 $0x14F00, s9;
	[smem:$0x7EC] =	sst s7  }
0x18: {  	s15 =	sadd.s32 $0x10900, s9;
	[smem:$0x7ED] =	sst s10  }
0x19: {  	s16 =	sadd.s32 $0x10E00, s9;
	[dreg:$0x14] =	wrdreg s15  }
0x1a: {  	s17 =	sadd.s32 $0x11300, s9;
	[dreg:$0x15] =	wrdreg s16  }
0x1b: {  	s18 =	sadd.s32 $0x11800, s9;
	[dreg:$0x16] =	wrdreg s17  }
0x1c: {  	s19 =	sadd.s32 $0x11D00, s9;
	[dreg:$0x17] =	wrdreg s18  }
0x1d: {  	s20 =	sadd.s32 $0x12200, s9;
	[dreg:$0x18] =	wrdreg s19  }
0x1e: {  	s21 =	sadd.s32 $0x12700, s9;
	[dreg:$0x19] =	wrdreg s20  }
0x1f: {  	s22 =	sadd.s32 $0x12C00, s9;
	[dreg:$0x1a] =	wrdreg s21  }
0x20: {  	s23 =	sadd.s32 $0x13100, s9;
	[dreg:$0x1b] =	wrdreg s22  }
0x21: {  	s24 =	sadd.s32 $0x13600, s9;
	[dreg:$0x1c] =	wrdreg s23  }
0x22: {  	s25 =	sadd.s32 $0x13B00, s9;
	[dreg:$0x1d] =	wrdreg s24  }
0x23: {  	s6 =	smul.u32 $0xEA60, s4;
	s26 =	sadd.s32 $0x14000, s9;
	[dreg:$0x1e] =	wrdreg s25  }
0x24: {  	s4 =	smul.u32 $0x272, s4;
	s12 =	sadd.s32 $0x15400, s9;
	[dreg:$0x1f] =	wrdreg s26  }
0x25: {  	s28 =	simm.s32 $0x9F80;
	s13 =	sadd.s32 $0x15900, s9;
	[smem:$0x7EE] =	sst s12  }
0x26: {  	s4 =	sadd.s32 s4, s0;
	s14 =	sadd.s32 s5, s11;
	[smem:$0x7EF] =	sst s13  }
0x27: {  	s29 =	simm.s32 $0x8;
	[smem:$0x7F0] =	sst s14;
	s15 =	sadd.s32 $0x15E00, s4  }
0x28: {  	s30 =	simm.s32 $0x9;
	s16 =	sadd.s32 $0x1E00, s4;
	[smem:$0x7F1] =	sst s15  }
0x29: {  	s31 =	simm.s32 $0x5000;
	s17 =	sadd.s32 $0x6E00, s4;
	[smem:$0x7F2] =	sst s16  }
0x2a: {  	s6 =	sshrl.u32 s6, $0x3;
	s18 =	sadd.s32 $0x57200, s4;
	[smem:$0x7F3] =	sst s17  }
0x2b: {  	s1 =	simm.s32 $0x16500;
	s19 =	sadd.s32 $0x1AE00, s0;
	[smem:$0x7F4] =	sst s18  }
0x2c: {  	s6 =	sadd.s32 s6, s0;
	s20 =	sadd.s32 $0x1B2E2, s0;
	[smem:$0x7F5] =	sst s19  }
0x2d: {  	s2 =	simm.s32 $0x2;
	s21 =	sadd.s32 $0x1B7C4, s0;
	[smem:$0x7F6] =	sst s20  }
0x2e: {  	s5 =	simm.s32 $0x4;
	s22 =	sadd.s32 $0x1BCA6, s0;
	[smem:$0x7F7] =	sst s21  }
0x2f: {  	s7 =	simm.s32 $0xC700;
	s0 =	sadd.s32 $0x1C188, s0;
	[smem:$0x7F8] =	sst s22  }
0x30: {  	s9 =	simm.s32 $0x11600;
	s23 =	sadd.s32 $0x1E06A, s6;
	[smem:$0x7F9] =	sst s0  }
0x31: {  	s10 =	simm.s32 $0x13D80;
	s24 =	sadd.s32 $0x1C800, s6;
	[smem:$0x7FA] =	sst s23  }
0x32: {  	s11 =	simm.s32 $0x7;
	s25 =	sadd.s32 $0x1CCE2, s6;
	[smem:$0x7FB] =	sst s24  }
0x33: {  	s26 =	sadd.s32 $0x1D1C4, s6;
	s4 =	simm.s32 $0x3;
	[smem:$0x7FC] =	sst s25  }
0x34: {  	s12 =	simm.s32 $0x6;
	s13 =	simm.s32 $0x0;
	[smem:$0x7FD] =	sst s26  }
0x35: {  	s21 =	sadd.s32 $0x1D6A6, s6;
	s22 =	sadd.s32 $0x1DB88, s6;
	s23 =	smax.u32 s8, $0x1  }
0x36: {  	s24 =	simm.s32 $0x18C80;
	s25 =	simm.s32 $0x1B480;
	s26 =	simm.s32 $0x7800  }
0x37: {  	v0 =	vimm.f32 $0.0e+00;
	s0 =	simm.s32 $0x1;
	s6 =	simm.s32 $0x5;
	s8 =	simm.s32 $0xEE80  }
.LBB2_1:
0x38: {  	s14 =	rddreg [dreg:$0x4]  }
0x39: {  	s18 =	rddreg [dreg:$0x5]  }
0x3a: {  	[tilespmem:s24], [sflag:$0x8] =	stream.linear.gather [hbm4b:s14+s3], $0x280, $0x38;
	[tilespmem:$0x1E180] =	vst v63  }
0x3b: {  	s15 =	simm.s32 $0x18F00;
	s19 =	rddreg [dreg:$0x6]  }
0x3c: {  	[tilespmem:s15], [sflag:$0x8] =	stream.linear.gather [hbm4b:s18+s3], $0x280, $0x38;
	[tilespmem:$0x1E180] =	vst v63  }
0x3d: {  	s20 =	simm.s32 $0x19180;
	s17 =	rddreg [dreg:$0x8]  }
0x3e: {  	[tilespmem:s20], [sflag:$0x8] =	stream.linear.gather [hbm4b:s19+s3], $0x280, $0x38;
	[tilespmem:$0x1E180] =	vst v63  }
0x3f: {  	s16 =	simm.s32 $0x19400;
	s15 =	rddreg [dreg:$0x7]  }
0x40: {  	[tilespmem:s16], [sflag:$0x8] =	stream.linear.gather [hbm4b:s15+s3], $0x280, $0x38;
	[tilespmem:$0x1E180] =	vst v63  }
0x41: {  	s18 =	simm.s32 $0x19680;
	s19 =	rddreg [dreg:$0x9]  }
0x42: {  	[tilespmem:s18], [sflag:$0x8] =	stream.linear.gather [hbm4b:s17+s3], $0x280, $0x38;
	[tilespmem:$0x1E180] =	vst v63  }
0x43: {  	s20 =	simm.s32 $0x19900;
	s15 =	rddreg [dreg:$0xa]  }
0x44: {  	[tilespmem:s20], [sflag:$0x8] =	stream.linear.gather [hbm4b:s19+s3], $0x280, $0x38;
	[tilespmem:$0x1E180] =	vst v63  }
0x45: {  	s16 =	simm.s32 $0x19B80;
	s17 =	rddreg [dreg:$0xb]  }
0x46: {  	[tilespmem:s16], [sflag:$0x8] =	stream.linear.gather [hbm4b:s15+s3], $0x280, $0x38;
	[tilespmem:$0x1E180] =	vst v63  }
0x47: {  	s18 =	simm.s32 $0x19E00;
	s19 =	rddreg [dreg:$0xc]  }
0x48: {  	[tilespmem:s18], [sflag:$0x8] =	stream.linear.gather [hbm4b:s17+s3], $0x280, $0x38;
	[tilespmem:$0x1E180] =	vst v63  }
0x49: {  	s20 =	simm.s32 $0x1A080;
	s15 =	rddreg [dreg:$0xd]  }
0x4a: {  	[tilespmem:s20], [sflag:$0x8] =	stream.linear.gather [hbm4b:s19+s3], $0x280, $0x38;
	[tilespmem:$0x1E180] =	vst v63  }
0x4b: {  	s16 =	simm.s32 $0x1A300;
	s17 =	rddreg [dreg:$0xe]  }
0x4c: {  	[tilespmem:s16], [sflag:$0x8] =	stream.linear.gather [hbm4b:s15+s3], $0x280, $0x38;
	[tilespmem:$0x1E180] =	vst v63  }
0x4d: {  	s18 =	simm.s32 $0x1A580;
	s19 =	rddreg [dreg:$0xf]  }
0x4e: {  	[tilespmem:s18], [sflag:$0x8] =	stream.linear.gather [hbm4b:s17+s3], $0x280, $0x38;
	[tilespmem:$0x1E180] =	vst v63  }
0x4f: {  	s20 =	simm.s32 $0x1A800;
	s15 =	rddreg [dreg:$0x10]  }
0x50: {  	[tilespmem:s20], [sflag:$0x8] =	stream.linear.gather [hbm4b:s19+s3], $0x280, $0x38;
	[tilespmem:$0x1E180] =	vst v63  }
0x51: {  	s16 =	simm.s32 $0x1AA80;
	s17 =	rddreg [dreg:$0x12]  }
0x52: {  	[tilespmem:s16], [sflag:$0x8] =	stream.linear.gather [hbm4b:s15+s3], $0x280, $0x38;
	[tilespmem:$0x1E180] =	vst v63  }
0x53: {  	s18 =	simm.s32 $0x1AD00;
	s19 =	rddreg [dreg:$0x13]  }
0x54: {  	[tilespmem:s18], [sflag:$0x8] =	stream.linear.gather [hbm4b:s17+s3], $0x280, $0x38;
	[tilespmem:$0x1E180] =	vst v63  }
0x55: {  	s20 =	simm.s32 $0x1AF80;
	s16 =	rddreg [dreg:$0x14]  }
0x56: {  	[tilespmem:s20], [sflag:$0x8] =	stream.linear.gather [hbm4b:s19+s3], $0x280, $0x38;
	[tilespmem:$0x1E180] =	vst v63  }
0x57: {  	s15 =	rddreg [dreg:$0x17];
	s17 =	simm.s32 $0x1B200  }
0x58: {  	[tilespmem:s17], [sflag:$0x8] =	stream.linear.gather [hbm4b:s16+s3], $0x280, $0x38;
	[tilespmem:$0x1E180] =	vst v63  }
0x59: {  	s18 =	rddreg [dreg:$0x15]  }
0x5a: {  	[tilespmem:s25], [sflag:$0x8] =	stream.linear.gather [hbm4b:s18+s3], $0x280, $0x38;
	[tilespmem:$0x1E180] =	vst v63  }
0x5b: {  	s19 =	rddreg [dreg:$0x16];
	s20 =	simm.s32 $0x1B700  }
0x5c: {  	[tilespmem:s20], [sflag:$0x8] =	stream.linear.gather [hbm4b:s19+s3], $0x280, $0x38;
	[tilespmem:$0x1E180] =	vst v63  }
0x5d: {  	s16 =	simm.s32 $0x1B980;
	s17 =	rddreg [dreg:$0x18]  }
0x5e: {  	[tilespmem:s16], [sflag:$0x8] =	stream.linear.gather [hbm4b:s15+s3], $0x280, $0x38;
	[tilespmem:$0x1E180] =	vst v63  }
0x5f: {  	s18 =	simm.s32 $0x1BC00;
	s19 =	rddreg [dreg:$0x19]  }
0x60: {  	[tilespmem:s18], [sflag:$0x8] =	stream.linear.gather [hbm4b:s17+s3], $0x280, $0x38;
	[tilespmem:$0x1E180] =	vst v63  }
0x61: {  	s20 =	simm.s32 $0x1BE80;
	s15 =	rddreg [dreg:$0x1a]  }
0x62: {  	[tilespmem:s20], [sflag:$0x8] =	stream.linear.gather [hbm4b:s19+s3], $0x280, $0x38;
	[tilespmem:$0x1E180] =	vst v63  }
0x63: {  	s16 =	simm.s32 $0x1C100;
	s17 =	rddreg [dreg:$0x1b]  }
0x64: {  	[tilespmem:s16], [sflag:$0x8] =	stream.linear.gather [hbm4b:s15+s3], $0x280, $0x38;
	[tilespmem:$0x1E180] =	vst v63  }
0x65: {  	s18 =	simm.s32 $0x1C380;
	s19 =	rddreg [dreg:$0x1c]  }
0x66: {  	[tilespmem:s18], [sflag:$0x8] =	stream.linear.gather [hbm4b:s17+s3], $0x280, $0x38;
	[tilespmem:$0x1E180] =	vst v63  }
0x67: {  	s20 =	simm.s32 $0x1C600;
	s15 =	rddreg [dreg:$0x1d]  }
0x68: {  	[tilespmem:s20], [sflag:$0x8] =	stream.linear.gather [hbm4b:s19+s3], $0x280, $0x38;
	[tilespmem:$0x1E180] =	vst v63  }
0x69: {  	s16 =	simm.s32 $0x1C880;
	s17 =	rddreg [dreg:$0x1e]  }
0x6a: {  	[tilespmem:s16], [sflag:$0x8] =	stream.linear.gather [hbm4b:s15+s3], $0x280, $0x38;
	[tilespmem:$0x1E180] =	vst v63  }
0x6b: {  	s18 =	simm.s32 $0x1CB00;
	s19 =	rddreg [dreg:$0x1f]  }
0x6c: {  	[tilespmem:s18], [sflag:$0x8] =	stream.linear.gather [hbm4b:s17+s3], $0x280, $0x38;
	[tilespmem:$0x1E180] =	vst v63  }
0x6d: {  	s20 =	simm.s32 $0x1CD80;
	s15 =	sld [smem:$0x7EB]  }
0x6e: {  	[tilespmem:s20], [sflag:$0x8] =	stream.linear.gather [hbm4b:s19+s3], $0x280, $0x38;
	[tilespmem:$0x1E180] =	vst v63  }
0x6f: {  	s16 =	simm.s32 $0x1D000;
	s17 =	sld [smem:$0x7EC]  }
0x70: {  	[tilespmem:s16], [sflag:$0x8] =	stream.linear.gather [hbm4b:s15+s3], $0x280, $0x38;
	[tilespmem:$0x1E180] =	vst v63  }
0x71: {  	s18 =	simm.s32 $0x1D280;
	s19 =	sld [smem:$0x7ED]  }
0x72: {  	[tilespmem:s18], [sflag:$0x8] =	stream.linear.gather [hbm4b:s17+s3], $0x280, $0x38;
	[tilespmem:$0x1E180] =	vst v63  }
0x73: {  	s20 =	simm.s32 $0x1D500;
	s16 =	sld [smem:$0x7EE]  }
0x74: {  	[tilespmem:s20], [sflag:$0x8] =	stream.linear.gather [hbm4b:s19+s3], $0x280, $0x38;
	[tilespmem:$0x1E180] =	vst v63  }
0x75: {  	s17 =	simm.s32 $0x1D780;
	s18 =	sld [smem:$0x7EF]  }
0x76: {  	[tilespmem:s17], [sflag:$0x8] =	stream.linear.gather [hbm4b:s16+s3], $0x280, $0x38;
	[tilespmem:$0x1E180] =	vst v63  }
0x77: {  	s19 =	simm.s32 $0x1DA00;
	s20 =	sld [smem:$0x7F1]  }
0x78: {  	[tilespmem:s19], [sflag:$0x8] =	stream.linear.gather [hbm4b:s18+s3], $0x280, $0x38;
	[tilespmem:$0x1E180] =	vst v63  }
0x79: {  	s15 =	sld [smem:$0x7F2]  }
0x7a: {  	[tilespmem:s3], [sflag:$0x1] =	stream.linear.gather [hbm4b:s20+s3], $0x1390, $0x38;
	[tilespmem:$0x1E180] =	vst v63  }
0x7b: {  	s16 =	simm.s32 $0x1400;
	s17 =	sld [smem:$0x7F3]  }
0x7c: {  	[tilespmem:s16], [sflag:$0x1] =	stream.linear.gather [hbm4b:s15+s3], $0x1390, $0x38;
	[tilespmem:$0x1E180] =	vst v63  }
0x7d: {  	s18 =	simm.s32 $0x2800;
	s19 =	sld [smem:$0x7F5]  }
0x7e: {  	[tilespmem:s18], [sflag:$0x1] =	stream.linear.gather [hbm4b:s17+s3], $0x1390, $0x38;
	[tilespmem:$0x1E180] =	vst v63  }
0x7f: {  	s20 =	sld [smem:$0x7F6]  }
0x80: {  	[tilespmem:s26], [sflag:$0x2] =	stream.linear.gather [hbm4b:s19+s3], $0x2710, $0x38;
	[tilespmem:$0x1E180] =	vst v63  }
0x81: {  	s14 =	simm.s32 $0xC740  }
0x82: {  	[tilespmem:s28], [sflag:$0x3] =	stream.linear.gather [hbm4b:s20+s3], $0x2710, $0x38;
	[tilespmem:$0x1E180] =	vst v63  }
0x83: {  	[tilespmem:s14+$0xFFFFFFC0] =	vst v0  }
0x84: {  	[tilespmem:s14+$0x30] =	vst v0  }
0x85: {  	[tilespmem:s14+$0x20] =	vst v0  }
0x86: {  	[tilespmem:s14+$0x10] =	vst v0  }
0x87: {  	[tilespmem:s14+$0x0] =	vst v0  }
0x88: {  	[tilespmem:s14+$0xFFFFFFF0] =	vst v0  }
0x89: {  	s15 =	simm.s32 $0x0;
	[tilespmem:s14+$0xFFFFFFE0] =	vst v0  }
.LBB2_2:
0x8a: {  	s15 =	sadd.s32 $0x8, s15;
	[tilespmem:s14+$0xFFFFFFD0] =	vst v0;
	s14 =	sadd.s32 $0x80, s14  }
0x8b: {  	[tilespmem:s14+$0xFFFFFFC0] =	vst v0;
	p1 =	slt.u32 s15, $0x268  }
0x8c: {  	[tilespmem:s14+$0x30] =	vst v0  }
.Ltmp0:
0x8d: {  	[tilespmem:s14+$0x20] =	vst v0;
	(pc) =	sbr.rel @p1 .LBB2_2-.Ltmp0, $4  }
0x8e: {  	[tilespmem:s14+$0x10] =	vst v0  }
0x8f: {  	[tilespmem:s14+$0x0] =	vst v0  }
0x90: {  	[tilespmem:s14+$0xFFFFFFF0] =	vst v0  }
0x91: {  	[tilespmem:s14+$0xFFFFFFE0] =	vst v0  }
0x92: {  	[tilespmem:s14+$0xFFFFFFD0] =	vst v0  }
0x93: {  	s14 =	simm.s32 $0xEEC0;
	[tilespmem:$0xEE00] =	vst v0  }
0x94: {  	[tilespmem:s14+$0xFFFFFFC0] =	vst v0  }
0x95: {  	[tilespmem:s14+$0x30] =	vst v0  }
0x96: {  	[tilespmem:s14+$0x20] =	vst v0  }
0x97: {  	[tilespmem:s14+$0x10] =	vst v0  }
0x98: {  	[tilespmem:s14+$0x0] =	vst v0  }
0x99: {  	[tilespmem:s14+$0xFFFFFFF0] =	vst v0  }
0x9a: {  	s15 =	simm.s32 $0x0;
	[tilespmem:s14+$0xFFFFFFE0] =	vst v0  }
.LBB2_4:
0x9b: {  	s15 =	sadd.s32 $0x8, s15;
	[tilespmem:s14+$0xFFFFFFD0] =	vst v0;
	s14 =	sadd.s32 $0x80, s14  }
0x9c: {  	[tilespmem:s14+$0xFFFFFFC0] =	vst v0;
	p1 =	slt.u32 s15, $0x268  }
0x9d: {  	[tilespmem:s14+$0x30] =	vst v0  }
.Ltmp1:
0x9e: {  	[tilespmem:s14+$0x20] =	vst v0;
	(pc) =	sbr.rel @p1 .LBB2_4-.Ltmp1, $4  }
0x9f: {  	[tilespmem:s14+$0x10] =	vst v0  }
0xa0: {  	[tilespmem:s14+$0x0] =	vst v0  }
0xa1: {  	[tilespmem:s14+$0xFFFFFFF0] =	vst v0  }
0xa2: {  	[tilespmem:s14+$0xFFFFFFE0] =	vst v0  }
0xa3: {  	[tilespmem:s14+$0xFFFFFFD0] =	vst v0  }
0xa4: {  	s14 =	simm.s32 $0x11640;
	[tilespmem:$0x11580] =	vst v0  }
0xa5: {  	[tilespmem:s14+$0xFFFFFFC0] =	vst v0  }
0xa6: {  	[tilespmem:s14+$0x30] =	vst v0  }
0xa7: {  	[tilespmem:s14+$0x20] =	vst v0  }
0xa8: {  	[tilespmem:s14+$0x10] =	vst v0  }
0xa9: {  	[tilespmem:s14+$0x0] =	vst v0  }
0xaa: {  	[tilespmem:s14+$0xFFFFFFF0] =	vst v0  }
0xab: {  	s15 =	simm.s32 $0x0;
	[tilespmem:s14+$0xFFFFFFE0] =	vst v0  }
.LBB2_6:
0xac: {  	s15 =	sadd.s32 $0x8, s15;
	[tilespmem:s14+$0xFFFFFFD0] =	vst v0;
	s14 =	sadd.s32 $0x80, s14  }
0xad: {  	[tilespmem:s14+$0xFFFFFFC0] =	vst v0;
	p1 =	slt.u32 s15, $0x268  }
0xae: {  	[tilespmem:s14+$0x30] =	vst v0  }
.Ltmp2:
0xaf: {  	[tilespmem:s14+$0x20] =	vst v0;
	(pc) =	sbr.rel @p1 .LBB2_6-.Ltmp2, $4  }
0xb0: {  	[tilespmem:s14+$0x10] =	vst v0  }
0xb1: {  	[tilespmem:s14+$0x0] =	vst v0  }
0xb2: {  	[tilespmem:s14+$0xFFFFFFF0] =	vst v0  }
0xb3: {  	[tilespmem:s14+$0xFFFFFFE0] =	vst v0  }
0xb4: {  	[tilespmem:s14+$0xFFFFFFD0] =	vst v0  }
0xb5: {  	s14 =	simm.s32 $0x13DC0;
	[tilespmem:$0x13D00] =	vst v0  }
0xb6: {  	[tilespmem:s14+$0xFFFFFFC0] =	vst v0  }
0xb7: {  	[tilespmem:s14+$0x30] =	vst v0  }
0xb8: {  	[tilespmem:s14+$0x20] =	vst v0  }
0xb9: {  	[tilespmem:s14+$0x10] =	vst v0  }
0xba: {  	[tilespmem:s14+$0x0] =	vst v0  }
0xbb: {  	[tilespmem:s14+$0xFFFFFFF0] =	vst v0  }
0xbc: {  	s15 =	simm.s32 $0x0;
	[tilespmem:s14+$0xFFFFFFE0] =	vst v0  }
.LBB2_8:
0xbd: {  	s15 =	sadd.s32 $0x8, s15;
	[tilespmem:s14+$0xFFFFFFD0] =	vst v0;
	s14 =	sadd.s32 $0x80, s14  }
0xbe: {  	[tilespmem:s14+$0xFFFFFFC0] =	vst v0;
	p1 =	slt.u32 s15, $0x268  }
0xbf: {  	[tilespmem:s14+$0x30] =	vst v0  }
.Ltmp3:
0xc0: {  	[tilespmem:s14+$0x20] =	vst v0;
	(pc) =	sbr.rel @p1 .LBB2_8-.Ltmp3, $4  }
0xc1: {  	[tilespmem:s14+$0x10] =	vst v0  }
0xc2: {  	[tilespmem:s14+$0x0] =	vst v0  }
0xc3: {  	[tilespmem:s14+$0xFFFFFFF0] =	vst v0  }
0xc4: {  	[tilespmem:s14+$0xFFFFFFE0] =	vst v0  }
0xc5: {  	[tilespmem:s14+$0xFFFFFFD0] =	vst v0  }
0xc6: {  	s14 =	simm.s32 $0x16540;
	[tilespmem:$0x16480] =	vst v0  }
0xc7: {  	[tilespmem:s14+$0xFFFFFFC0] =	vst v0  }
0xc8: {  	[tilespmem:s14+$0x30] =	vst v0  }
0xc9: {  	[tilespmem:s14+$0x20] =	vst v0  }
0xca: {  	[tilespmem:s14+$0x10] =	vst v0  }
0xcb: {  	[tilespmem:s14+$0x0] =	vst v0  }
0xcc: {  	[tilespmem:s14+$0xFFFFFFF0] =	vst v0  }
0xcd: {  	s15 =	simm.s32 $0x0;
	[tilespmem:s14+$0xFFFFFFE0] =	vst v0  }
.LBB2_10:
0xce: {  	s15 =	sadd.s32 $0x8, s15;
	[tilespmem:s14+$0xFFFFFFD0] =	vst v0;
	s14 =	sadd.s32 $0x80, s14  }
0xcf: {  	[tilespmem:s14+$0xFFFFFFC0] =	vst v0;
	p1 =	slt.u32 s15, $0x268  }
0xd0: {  	[tilespmem:s14+$0x30] =	vst v0  }
.Ltmp4:
0xd1: {  	[tilespmem:s14+$0x20] =	vst v0;
	(pc) =	sbr.rel @p1 .LBB2_10-.Ltmp4, $4  }
0xd2: {  	[tilespmem:s14+$0x10] =	vst v0  }
0xd3: {  	[tilespmem:s14+$0x0] =	vst v0  }
0xd4: {  	[tilespmem:s14+$0xFFFFFFF0] =	vst v0  }
0xd5: {  	[tilespmem:s14+$0xFFFFFFE0] =	vst v0  }
0xd6: {  	[tilespmem:s14+$0xFFFFFFD0] =	vst v0  }
0xd7: {  	[tilespmem:$0x18C00] =	vst v0  }
0xd8: {  	_ =	swait.ge [sflag:s29], $0x280  }
0xd9: {  	[sflag:s29] =	ssyncset.done $0x0  }
0xda: {  	[sflag:s29] =	ssyncadd.s32 $0xFFFFFD80  }
0xdb: {  	_ =	swait.ge [sflag:s29], $0x280  }
0xdc: {  	[sflag:s29] =	ssyncset.done $0x0  }
0xdd: {  	[sflag:s29] =	ssyncadd.s32 $0xFFFFFD80  }
0xde: {  	_ =	swait.ge [sflag:s29], $0x280  }
0xdf: {  	[sflag:s29] =	ssyncset.done $0x0  }
0xe0: {  	[sflag:s29] =	ssyncadd.s32 $0xFFFFFD80  }
0xe1: {  	_ =	swait.ge [sflag:s29], $0x280  }
0xe2: {  	[sflag:s29] =	ssyncset.done $0x0  }
0xe3: {  	[sflag:s29] =	ssyncadd.s32 $0xFFFFFD80  }
0xe4: {  	_ =	swait.ge [sflag:s29], $0x280  }
0xe5: {  	[sflag:s29] =	ssyncset.done $0x0  }
0xe6: {  	[sflag:s29] =	ssyncadd.s32 $0xFFFFFD80  }
0xe7: {  	_ =	swait.ge [sflag:s29], $0x280  }
0xe8: {  	[sflag:s29] =	ssyncset.done $0x0  }
0xe9: {  	[sflag:s29] =	ssyncadd.s32 $0xFFFFFD80  }
0xea: {  	_ =	swait.ge [sflag:s29], $0x280  }
0xeb: {  	[sflag:s29] =	ssyncset.done $0x0  }
0xec: {  	[sflag:s29] =	ssyncadd.s32 $0xFFFFFD80  }
0xed: {  	_ =	swait.ge [sflag:s29], $0x280  }
0xee: {  	[sflag:s29] =	ssyncset.done $0x0  }
0xef: {  	[sflag:s29] =	ssyncadd.s32 $0xFFFFFD80  }
0xf0: {  	_ =	swait.ge [sflag:s29], $0x280  }
0xf1: {  	[sflag:s29] =	ssyncset.done $0x0  }
0xf2: {  	[sflag:s29] =	ssyncadd.s32 $0xFFFFFD80  }
0xf3: {  	_ =	swait.ge [sflag:s29], $0x280  }
0xf4: {  	[sflag:s29] =	ssyncset.done $0x0  }
0xf5: {  	[sflag:s29] =	ssyncadd.s32 $0xFFFFFD80  }
0xf6: {  	_ =	swait.ge [sflag:s29], $0x280  }
0xf7: {  	[sflag:s29] =	ssyncset.done $0x0  }
0xf8: {  	[sflag:s29] =	ssyncadd.s32 $0xFFFFFD80  }
0xf9: {  	_ =	swait.ge [sflag:s29], $0x280  }
0xfa: {  	[sflag:s29] =	ssyncset.done $0x0  }
0xfb: {  	[sflag:s29] =	ssyncadd.s32 $0xFFFFFD80  }
0xfc: {  	_ =	swait.ge [sflag:s29], $0x280  }
0xfd: {  	[sflag:s29] =	ssyncset.done $0x0  }
0xfe: {  	[sflag:s29] =	ssyncadd.s32 $0xFFFFFD80  }
0xff: {  	_ =	swait.ge [sflag:s29], $0x280  }
0x100: {  	[sflag:s29] =	ssyncset.done $0x0  }
0x101: {  	[sflag:s29] =	ssyncadd.s32 $0xFFFFFD80  }
0x102: {  	_ =	swait.ge [sflag:s29], $0x280  }
0x103: {  	[sflag:s29] =	ssyncset.done $0x0  }
0x104: {  	[sflag:s29] =	ssyncadd.s32 $0xFFFFFD80  }
0x105: {  	_ =	swait.ge [sflag:s29], $0x280  }
0x106: {  	[sflag:s29] =	ssyncset.done $0x0  }
0x107: {  	[sflag:s29] =	ssyncadd.s32 $0xFFFFFD80  }
0x108: {  	_ =	swait.ge [sflag:s29], $0x280  }
0x109: {  	[sflag:s29] =	ssyncset.done $0x0  }
0x10a: {  	[sflag:s29] =	ssyncadd.s32 $0xFFFFFD80  }
0x10b: {  	_ =	swait.ge [sflag:s29], $0x280  }
0x10c: {  	[sflag:s29] =	ssyncset.done $0x0  }
0x10d: {  	[sflag:s29] =	ssyncadd.s32 $0xFFFFFD80  }
0x10e: {  	_ =	swait.ge [sflag:s29], $0x280  }
0x10f: {  	[sflag:s29] =	ssyncset.done $0x0  }
0x110: {  	[sflag:s29] =	ssyncadd.s32 $0xFFFFFD80  }
0x111: {  	_ =	swait.ge [sflag:s29], $0x280  }
0x112: {  	[sflag:s29] =	ssyncset.done $0x0  }
0x113: {  	[sflag:s29] =	ssyncadd.s32 $0xFFFFFD80  }
0x114: {  	_ =	swait.ge [sflag:s29], $0x280  }
0x115: {  	[sflag:s29] =	ssyncset.done $0x0  }
0x116: {  	[sflag:s29] =	ssyncadd.s32 $0xFFFFFD80  }
0x117: {  	_ =	swait.ge [sflag:s29], $0x280  }
0x118: {  	[sflag:s29] =	ssyncset.done $0x0  }
0x119: {  	[sflag:s29] =	ssyncadd.s32 $0xFFFFFD80  }
0x11a: {  	_ =	swait.ge [sflag:s29], $0x280  }
0x11b: {  	[sflag:s29] =	ssyncset.done $0x0  }
0x11c: {  	[sflag:s29] =	ssyncadd.s32 $0xFFFFFD80  }
0x11d: {  	_ =	swait.ge [sflag:s29], $0x280  }
0x11e: {  	[sflag:s29] =	ssyncset.done $0x0  }
0x11f: {  	[sflag:s29] =	ssyncadd.s32 $0xFFFFFD80  }
0x120: {  	_ =	swait.ge [sflag:s29], $0x280  }
0x121: {  	[sflag:s29] =	ssyncset.done $0x0  }
0x122: {  	[sflag:s29] =	ssyncadd.s32 $0xFFFFFD80  }
0x123: {  	_ =	swait.ge [sflag:s29], $0x280  }
0x124: {  	[sflag:s29] =	ssyncset.done $0x0  }
0x125: {  	[sflag:s29] =	ssyncadd.s32 $0xFFFFFD80  }
0x126: {  	_ =	swait.ge [sflag:s29], $0x280  }
0x127: {  	[sflag:s29] =	ssyncset.done $0x0  }
0x128: {  	[sflag:s29] =	ssyncadd.s32 $0xFFFFFD80  }
0x129: {  	_ =	swait.ge [sflag:s29], $0x280  }
0x12a: {  	[sflag:s29] =	ssyncset.done $0x0  }
0x12b: {  	[sflag:s29] =	ssyncadd.s32 $0xFFFFFD80  }
0x12c: {  	_ =	swait.ge [sflag:s29], $0x280  }
0x12d: {  	[sflag:s29] =	ssyncset.done $0x0  }
0x12e: {  	[sflag:s29] =	ssyncadd.s32 $0xFFFFFD80  }
0x12f: {  	_ =	swait.ge [sflag:s29], $0x280  }
0x130: {  	[sflag:s29] =	ssyncset.done $0x0  }
0x131: {  	[sflag:s29] =	ssyncadd.s32 $0xFFFFFD80  }
0x132: {  	_ =	swait.ge [sflag:s29], $0x280  }
0x133: {  	[sflag:s29] =	ssyncset.done $0x0  }
0x134: {  	[sflag:s29] =	ssyncadd.s32 $0xFFFFFD80  }
0x135: {  	_ =	swait.ge [sflag:s29], $0x280  }
0x136: {  	s15 =	simm.s32 $0x0;
	[sflag:s29] =	ssyncset.done $0x0  }
0x137: {  	s16 =	sand.u32 $0x3C0, s15;
	[sflag:s29] =	ssyncadd.s32 $0xFFFFFD80  }
0x138: {  	v1 =	vld [tilespmem:s16+$0x1DA00]  }
0x139: {  	v2 =	vld [tilespmem:s16+$0x1D780]  }
0x13a: {  	v3 =	vld [tilespmem:s16+$0x1D500]  }
0x13b: {  	v4 =	vld [tilespmem:s16+$0x1D280]  }
0x13c: {  	v5 =	vld [tilespmem:s16+$0x1D000]  }
0x13d: {  	v6 =	vld [tilespmem:s16+$0x1CD80]  }
0x13e: {  	v7 =	vld [tilespmem:s16+$0x1CB00]  }
0x13f: {  	v8 =	vld [tilespmem:s16+$0x1C880]  }
0x140: {  	v9 =	vld [tilespmem:s16+$0x1C600]  }
0x141: {  	v10 =	vld [tilespmem:s16+$0x1C380]  }
0x142: {  	v11 =	vld [tilespmem:s16+$0x1C100]  }
0x143: {  	v12 =	vld [tilespmem:s16+$0x1BE80]  }
0x144: {  	v13 =	vld [tilespmem:s16+$0x1BC00]  }
0x145: {  	v14 =	vld [tilespmem:s16+$0x1B980]  }
0x146: {  	v15 =	vld [tilespmem:s16+$0x1B700]  }
0x147: {  	v16 =	vld [tilespmem:s16+$0x1B480]  }
0x148: {  	v17 =	vld [tilespmem:s16+$0x1B200]  }
0x149: {  	v18 =	vld [tilespmem:s16+$0x1AF80]  }
0x14a: {  	v19 =	vld [tilespmem:s16+$0x1AD00]  }
0x14b: {  	v20 =	vld [tilespmem:s16+$0x1AA80]  }
0x14c: {  	v21 =	vld [tilespmem:s16+$0x1A800]  }
0x14d: {  	v22 =	vld [tilespmem:s16+$0x1A580]  }
0x14e: {  	v23 =	vld [tilespmem:s16+$0x1A300]  }
0x14f: {  	v24 =	vld [tilespmem:s16+$0x1A080]  }
0x150: {  	v25 =	vld [tilespmem:s16+$0x19E00]  }
0x151: {  	v26 =	vld [tilespmem:s16+$0x19B80]  }
0x152: {  	v27 =	vld [tilespmem:s16+$0x19900]  }
0x153: {  	v28 =	vld [tilespmem:s16+$0x19680]  }
0x154: {  	v29 =	vld [tilespmem:s16+$0x19400]  }
0x155: {  	v30 =	vld [tilespmem:s16+$0x19180]  }
0x156: {  	s14 =	simm.s32 $0x0;
	v31 =	vld [tilespmem:s16+$0x18F00]  }
0x157: {  	v32 =	vld [tilespmem:s14+$0x18CB0]  }
0x158: {  	v33 =	vld [tilespmem:s14+$0x18F30]  }
0x159: {  	v34 =	vld [tilespmem:s14+$0x18C80]  }
0x15a: {  	v35 =	vld [tilespmem:s14+$0x191B0]  }
0x15b: {  	v36 =	vld [tilespmem:s14+$0x18C90]  }
0x15c: {  	v37 =	vld [tilespmem:s14+$0x19430]  }
0x15d: {  	v38 =	vld [tilespmem:s14+$0x18F10];
	v32 =	vadd.f32 v33, v32  }
0x15e: {  	v53 =	vld [tilespmem:s14+$0x196B0];
	v31 =	vadd.f32 v31, v34  }
0x15f: {  	v54 =	vld [tilespmem:s14+$0x19930];
	v32 =	vadd.f32 v35, v32  }
0x160: {  	v55 =	vld [tilespmem:s14+$0x18F20];
	v30 =	vadd.f32 v30, v31  }
0x161: {  	v56 =	vld [tilespmem:s14+$0x19BB0];
	v32 =	vadd.f32 v37, v32  }
0x162: {  	v57 =	vld [tilespmem:s14+$0x19E30];
	v29 =	vadd.f32 v29, v30  }
0x163: {  	v58 =	vld [tilespmem:s14+$0x191A0];
	v32 =	vadd.f32 v53, v32  }
0x164: {  	v59 =	vld [tilespmem:s14+$0x1A0B0];
	v28 =	vadd.f32 v28, v29  }
0x165: {  	v60 =	vld [tilespmem:s14+$0x1A330];
	v31 =	vadd.f32 v54, v32  }
0x166: {  	v61 =	vld [tilespmem:s14+$0x1A5B0];
	v27 =	vadd.f32 v27, v28  }
0x167: {  	v62 =	vld [tilespmem:s14+$0x1A830];
	v30 =	vadd.f32 v56, v31  }
0x168: {  	v63 =	vld [tilespmem:s14+$0x1AAB0];
	v26 =	vadd.f32 v26, v27  }
0x169: {  	v39 =	vld [tilespmem:s14+$0x1AD30];
	v29 =	vadd.f32 v57, v30  }
0x16a: {  	v40 =	vld [tilespmem:s14+$0x1AFB0];
	v25 =	vadd.f32 v25, v26  }
0x16b: {  	v41 =	vld [tilespmem:s14+$0x19B90];
	v28 =	vadd.f32 v59, v29  }
0x16c: {  	v42 =	vld [tilespmem:s14+$0x1B230];
	v24 =	vadd.f32 v24, v25  }
0x16d: {  	v43 =	vld [tilespmem:s14+$0x19BA0];
	v27 =	vadd.f32 v60, v28  }
0x16e: {  	v44 =	vld [tilespmem:s14+$0x1B4B0];
	v23 =	vadd.f32 v23, v24  }
0x16f: {  	v45 =	vld [tilespmem:s14+$0x19E10];
	v26 =	vadd.f32 v61, v27  }
0x170: {  	v46 =	vld [tilespmem:s14+$0x1B730];
	v22 =	vadd.f32 v22, v23  }
0x171: {  	v47 =	vld [tilespmem:s14+$0x19E20];
	v25 =	vadd.f32 v62, v26  }
0x172: {  	v48 =	vld [tilespmem:s14+$0x1B9B0];
	v21 =	vadd.f32 v21, v22  }
0x173: {  	v49 =	vld [tilespmem:s14+$0x1A090];
	v24 =	vadd.f32 v63, v25  }
0x174: {  	v50 =	vld [tilespmem:s14+$0x1BC30];
	v20 =	vadd.f32 v20, v21  }
0x175: {  	v51 =	vld [tilespmem:s14+$0x1A0A0];
	v23 =	vadd.f32 v39, v24  }
0x176: {  	v52 =	vld [tilespmem:s14+$0x1BEB0];
	v19 =	vadd.f32 v19, v20  }
0x177: {  	v34 =	vld [tilespmem:s14+$0x18CA0];
	v22 =	vadd.f32 v40, v23  }
0x178: {  	v33 =	vld [tilespmem:s14+$0x1C8B0];
	v18 =	vadd.f32 v18, v19  }
0x179: {  	v37 =	vld [tilespmem:s14+$0x19190];
	v21 =	vadd.f32 v42, v22  }
0x17a: {  	v32 =	vld [tilespmem:s14+$0x19410];
	v17 =	vadd.f32 v17, v18  }
0x17b: {  	v54 =	vld [tilespmem:s14+$0x1A310];
	v20 =	vadd.f32 v44, v21  }
0x17c: {  	v31 =	vld [tilespmem:s14+$0x19420];
	v16 =	vadd.f32 v16, v17  }
0x17d: {  	v56 =	vld [tilespmem:s14+$0x1C130];
	v19 =	vadd.f32 v46, v20  }
0x17e: {  	v30 =	vld [tilespmem:s14+$0x19690];
	v15 =	vadd.f32 v15, v16  }
0x17f: {  	v53 =	vadd.f32 v38, v36;
	v57 =	vld [tilespmem:s14+$0x1A320];
	v18 =	vadd.f32 v48, v19  }
0x180: {  	v55 =	vadd.f32 v55, v34;
	v29 =	vld [tilespmem:s14+$0x196A0];
	v14 =	vadd.f32 v14, v15  }
0x181: {  	v59 =	vld [tilespmem:s14+$0x1C3B0];
	v20 =	vadd.f32 v37, v53;
	v17 =	vadd.f32 v50, v18  }
0x182: {  	v58 =	vadd.f32 v58, v55;
	v28 =	vld [tilespmem:s14+$0x19910];
	v13 =	vadd.f32 v13, v14  }
0x183: {  	v27 =	vld [tilespmem:s14+$0x19920];
	v60 =	vadd.f32 v32, v20;
	v16 =	vadd.f32 v52, v17  }
0x184: {  	v62 =	vadd.f32 v31, v58;
	v63 =	vld [tilespmem:s14+$0x1C630];
	v12 =	vadd.f32 v12, v13  }
0x185: {  	v61 =	vld [tilespmem:s14+$0x1A590];
	v30 =	vadd.f32 v30, v60;
	v15 =	vadd.f32 v56, v16  }
0x186: {  	v31 =	vld [tilespmem:s14+$0x1A5A0];
	v32 =	vadd.f32 v29, v62;
	v11 =	vadd.f32 v11, v12  }
0x187: {  	v40 =	vld [tilespmem:s14+$0x1A820];
	v35 =	vadd.f32 v28, v30;
	v14 =	vadd.f32 v59, v15  }
0x188: {  	v38 =	vadd.f32 v27, v32;
	v10 =	vadd.f32 v10, v11;
	v11 =	vld [tilespmem:s14+$0x1CB30]  }
0x189: {  	v37 =	vld [tilespmem:s14+$0x1A810];
	v39 =	vadd.f32 v41, v35;
	v13 =	vadd.f32 v63, v14  }
0x18a: {  	v41 =	vadd.f32 v43, v38;
	v9 =	vadd.f32 v9, v10;
	v10 =	vld [tilespmem:s14+$0x1CDB0]  }
0x18b: {  	v46 =	vld [tilespmem:s14+$0x1AAA0];
	v42 =	vadd.f32 v45, v39;
	v12 =	vadd.f32 v33, v13  }
0x18c: {  	v44 =	vadd.f32 v47, v41;
	v8 =	vadd.f32 v8, v9;
	v9 =	vld [tilespmem:s14+$0x1D030]  }
0x18d: {  	v52 =	vld [tilespmem:s14+$0x1AF90];
	v45 =	vadd.f32 v49, v42;
	v11 =	vadd.f32 v11, v12  }
0x18e: {  	v47 =	vadd.f32 v51, v44;
	v7 =	vadd.f32 v7, v8;
	v8 =	vld [tilespmem:s14+$0x1D2B0]  }
0x18f: {  	v43 =	vld [tilespmem:s14+$0x1AA90];
	v48 =	vadd.f32 v54, v45;
	v10 =	vadd.f32 v10, v11  }
0x190: {  	v11 =	vadd.f32 v57, v47;
	v6 =	vadd.f32 v6, v7;
	v7 =	vld [tilespmem:s14+$0x1D530]  }
0x191: {  	v49 =	vld [tilespmem:s14+$0x1AD10];
	v50 =	vadd.f32 v61, v48;
	v9 =	vadd.f32 v9, v10  }
0x192: {  	v10 =	vadd.f32 v31, v11;
	v5 =	vadd.f32 v5, v6;
	v6 =	vld [tilespmem:s14+$0x1D7B0]  }
0x193: {  	v51 =	vld [tilespmem:s14+$0x1AD20];
	v11 =	vadd.f32 v37, v50;
	v8 =	vadd.f32 v8, v9  }
0x194: {  	v9 =	vadd.f32 v40, v10;
	v4 =	vadd.f32 v4, v5;
	v5 =	vld [tilespmem:s14+$0x1DA30]  }
0x195: {  	v10 =	vadd.f32 v43, v11;
	v11 =	vld [tilespmem:s14+$0x1AFA0];
	v7 =	vadd.f32 v7, v8  }
0x196: {  	v8 =	vadd.f32 v46, v9;
	v3 =	vadd.f32 v3, v4;
	v4 =	vld [tilespmem:s14+$0x1B210]  }
0x197: {  	v9 =	vadd.f32 v49, v10;
	v10 =	vld [tilespmem:s14+$0x1B220];
	v6 =	vadd.f32 v6, v7  }
0x198: {  	v7 =	vadd.f32 v51, v8;
	v2 =	vadd.f32 v2, v3;
	v3 =	vld [tilespmem:s14+$0x1B490]  }
0x199: {  	v8 =	vadd.f32 v52, v9;
	v9 =	vld [tilespmem:s14+$0x1B4A0];
	v5 =	vadd.f32 v5, v6  }
0x19a: {  	v1 =	vadd.f32 v1, v2;
	v2 =	vld [tilespmem:s14+$0x1B710];
	v6 =	vadd.f32 v11, v7  }
0x19b: {  	v7 =	vld [tilespmem:s14+$0x1B720];
	v4 =	vadd.f32 v4, v8;
	v5 =	vadd.f32 $1.000000000e+00, v5  }
0x19c: {  	v8 =	vld [tilespmem:s14+$0x1B990];
	v1 =	vadd.f32 $1.000000000e+00, v1;
	v6 =	vadd.f32 v10, v6  }
0x19d: {  	v3 =	vadd.f32 v3, v4;
	v4 =	vld [tilespmem:s14+$0x1B9A0];
	v10 =	vshra.s32 v5, $0x1;
	v5 =	vmul.f32 $5.000000000e-01, v5  }
0x19e: {  	v53 =	vld [tilespmem:s14+$0x1BC10];
	v11 =	vshra.s32 v1, $0x1;
	v6 =	vadd.f32 v9, v6;
	v9 =	vsub.s32 $0x5F3759DF, v10  }
0x19f: {  	v10 =	vmul.f32 $5.000000000e-01, v1;
	v1 =	vadd.f32 v2, v3;
	v2 =	vld [tilespmem:s14+$0x1BC20];
	v3 =	vmul.f32 v9, v5  }
0x1a0: {  	v54 =	vld [tilespmem:s14+$0x1BE90];
	v11 =	vsub.s32 $0x5F3759DF, v11;
	v6 =	vadd.f32 v7, v6  }
0x1a1: {  	v7 =	vmul.f32 v11, v10;
	v1 =	vadd.f32 v8, v1;
	v8 =	vld [tilespmem:s14+$0x1BEA0];
	v3 =	vmul.f32 v9, v3  }
0x1a2: {  	v55 =	vld [tilespmem:s14+$0x1C110];
	v4 =	vadd.f32 v4, v6  }
0x1a3: {  	v6 =	vmul.f32 v11, v7;
	v1 =	vadd.f32 v53, v1;
	v7 =	vld [tilespmem:s14+$0x1C120];
	v3 =	vsub.f32 $1.500000000e+00, v3  }
0x1a4: {  	v56 =	vld [tilespmem:s14+$0x1C390];
	v2 =	vadd.f32 v2, v4  }
0x1a5: {  	v4 =	vsub.f32 $1.500000000e+00, v6;
	v1 =	vadd.f32 v54, v1;
	v6 =	vld [tilespmem:s14+$0x1C3A0];
	v3 =	vmul.f32 v9, v3  }
0x1a6: {  	v9 =	vld [tilespmem:s14+$0x1C610];
	v2 =	vadd.f32 v8, v2  }
0x1a7: {  	v8 =	vld [tilespmem:s14+$0x1C620];
	v4 =	vmul.f32 v11, v4;
	v1 =	vadd.f32 v55, v1;
	v11 =	vmul.f32 v3, v5  }
0x1a8: {  	v57 =	vld [tilespmem:s14+$0x1C890];
	v2 =	vadd.f32 v7, v2  }
0x1a9: {  	v58 =	vld [tilespmem:s14+$0x1C8A0];
	v7 =	vmul.f32 v4, v10;
	v1 =	vadd.f32 v56, v1;
	v11 =	vmul.f32 v11, v3  }
0x1aa: {  	v59 =	vld [tilespmem:s14+$0x1CB10];
	v2 =	vadd.f32 v6, v2  }
0x1ab: {  	v6 =	vmul.f32 v7, v4;
	v1 =	vadd.f32 v9, v1;
	v7 =	vld [tilespmem:s14+$0x1CB20];
	v9 =	vsub.f32 $1.500000000e+00, v11  }
0x1ac: {  	v11 =	vld [tilespmem:s14+$0x1CD90];
	v2 =	vadd.f32 v8, v2  }
0x1ad: {  	v60 =	vld [tilespmem:s14+$0x1CDA0];
	v6 =	vsub.f32 $1.500000000e+00, v6;
	v8 =	vadd.f32 v57, v1;
	v3 =	vmul.f32 v9, v3  }
0x1ae: {  	v9 =	vld [tilespmem:s14+$0x1D010];
	v2 =	vadd.f32 v58, v2  }
0x1af: {  	v1 =	vmul.f32 v6, v4;
	v4 =	vadd.f32 v59, v8;
	v8 =	vld [tilespmem:s14+$0x1D020];
	v5 =	vmul.f32 v3, v5  }
0x1b0: {  	v61 =	vld [tilespmem:s14+$0x1D290];
	v2 =	vadd.f32 v7, v2  }
0x1b1: {  	v6 =	vmul.f32 v1, v10;
	v7 =	vadd.f32 v11, v4;
	v10 =	vld [tilespmem:s14+$0x1D2A0];
	v11 =	vmul.f32 v5, v3  }
0x1b2: {  	v4 =	vld [tilespmem:s14+$0x1D510];
	v2 =	vadd.f32 v60, v2  }
0x1b3: {  	v5 =	vld [tilespmem:s14+$0x1D520];
	v62 =	vmul.f32 v6, v1;
	v9 =	vadd.f32 v9, v7;
	v11 =	vsub.f32 $1.500000000e+00, v11  }
0x1b4: {  	v6 =	vld [tilespmem:s14+$0x1D790];
	v63 =	vadd.f32 v8, v2  }
0x1b5: {  	v7 =	vld [tilespmem:s14+$0x1D7A0];
	v2 =	vsub.f32 $1.500000000e+00, v62;
	v9 =	vadd.f32 v61, v9;
	v3 =	vmul.f32 v11, v3  }
0x1b6: {  	s17 =	simm.s32 $0x40;
	s16 =	simm.s32 $0x0;
	v8 =	vld [tilespmem:s14+$0x1DA10];
	v10 =	vadd.f32 v10, v63  }
.LBB2_12:
0x1b7: {  	s18 =	sand.u32 $0x3C0, s17;
	v11 =	vmul.f32 v2, v1;
	v4 =	vadd.f32 v4, v9;
	v9 =	vld [tilespmem:s14+$0x1DA20];
	[tilespmem:s14+$0x1DCB0] =	vst v3  }
0x1b8: {  	v1 =	vld [tilespmem:s18+$0x1DA00];
	v5 =	vadd.f32 v5, v10  }
0x1b9: {  	v2 =	vld [tilespmem:s18+$0x1D780];
	[tilespmem:s14+$0x1DC80] =	vst v11;
	v6 =	vadd.f32 v6, v4  }
0x1ba: {  	v3 =	vld [tilespmem:s18+$0x1D500];
	v7 =	vadd.f32 v7, v5  }
0x1bb: {  	v4 =	vld [tilespmem:s18+$0x1D280];
	v8 =	vadd.f32 v8, v6  }
0x1bc: {  	v5 =	vld [tilespmem:s18+$0x1D000];
	v9 =	vadd.f32 v9, v7  }
0x1bd: {  	v6 =	vld [tilespmem:s18+$0x1CD80];
	v10 =	vadd.f32 $1.000000000e+00, v8  }
0x1be: {  	v7 =	vld [tilespmem:s18+$0x1CB00];
	v11 =	vadd.f32 $1.000000000e+00, v9  }
0x1bf: {  	v8 =	vld [tilespmem:s18+$0x1C880];
	v12 =	vshra.s32 v10, $0x1;
	v21 =	vmul.f32 $5.000000000e-01, v10  }
0x1c0: {  	v9 =	vld [tilespmem:s18+$0x1C600];
	v17 =	vsub.s32 $0x5F3759DF, v12;
	v12 =	vshra.s32 v11, $0x1;
	v22 =	vmul.f32 $5.000000000e-01, v11  }
0x1c1: {  	v10 =	vld [tilespmem:s18+$0x1C380];
	v13 =	vmul.f32 v17, v21;
	v18 =	vsub.s32 $0x5F3759DF, v12  }
0x1c2: {  	v11 =	vld [tilespmem:s18+$0x1C100];
	v14 =	vmul.f32 v18, v22  }
0x1c3: {  	v12 =	vld [tilespmem:s18+$0x1BE80];
	v15 =	vmul.f32 v17, v13  }
0x1c4: {  	v13 =	vld [tilespmem:s18+$0x1BC00];
	v16 =	vmul.f32 v18, v14  }
0x1c5: {  	v14 =	vld [tilespmem:s18+$0x1B980];
	v19 =	vsub.f32 $1.500000000e+00, v15  }
0x1c6: {  	v15 =	vld [tilespmem:s18+$0x1B700];
	v20 =	vsub.f32 $1.500000000e+00, v16  }
0x1c7: {  	v16 =	vld [tilespmem:s18+$0x1B480];
	v23 =	vmul.f32 v17, v19  }
0x1c8: {  	v17 =	vld [tilespmem:s18+$0x1B200];
	v24 =	vmul.f32 v18, v20  }
0x1c9: {  	v18 =	vld [tilespmem:s18+$0x1AF80];
	v25 =	vmul.f32 v23, v21  }
0x1ca: {  	v19 =	vld [tilespmem:s18+$0x1AD00];
	v26 =	vmul.f32 v24, v22  }
0x1cb: {  	v20 =	vld [tilespmem:s18+$0x1AA80];
	v25 =	vmul.f32 v25, v23  }
0x1cc: {  	v27 =	vld [tilespmem:s18+$0x1A800];
	v26 =	vmul.f32 v26, v24  }
0x1cd: {  	v28 =	vld [tilespmem:s18+$0x1A580];
	v25 =	vsub.f32 $1.500000000e+00, v25  }
0x1ce: {  	v29 =	vld [tilespmem:s18+$0x1A300];
	v26 =	vsub.f32 $1.500000000e+00, v26  }
0x1cf: {  	v30 =	vld [tilespmem:s18+$0x1A080];
	v23 =	vmul.f32 v25, v23  }
0x1d0: {  	v25 =	vld [tilespmem:s18+$0x19E00];
	v24 =	vmul.f32 v26, v24  }
0x1d1: {  	v26 =	vld [tilespmem:s18+$0x19B80];
	v21 =	vmul.f32 v23, v21  }
0x1d2: {  	v31 =	vld [tilespmem:s18+$0x19900];
	v22 =	vmul.f32 v24, v22  }
0x1d3: {  	v32 =	vld [tilespmem:s18+$0x19680];
	v21 =	vmul.f32 v21, v23  }
0x1d4: {  	v33 =	vld [tilespmem:s18+$0x19400];
	v22 =	vmul.f32 v22, v24  }
0x1d5: {  	s15 =	sadd.s32 $0x100, s15;
	v34 =	vld [tilespmem:s18+$0x19180];
	v21 =	vsub.f32 $1.500000000e+00, v21  }
0x1d6: {  	s19 =	sshra.s32 s15, $0x2;
	v35 =	vld [tilespmem:s18+$0x18F00];
	v22 =	vsub.f32 $1.500000000e+00, v22  }
0x1d7: {  	s16 =	sadd.s32 $0x4, s16;
	v36 =	vld [tilespmem:s19+$0x18CB0];
	v21 =	vmul.f32 v21, v23  }
0x1d8: {  	p1 =	slt.u32 s16, $0x24;
	v23 =	vld [tilespmem:s19+$0x18F30];
	v22 =	vmul.f32 v22, v24  }
0x1d9: {  	v24 =	vld [tilespmem:s19+$0x18C80];
	[tilespmem:s14+$0x1DC90] =	vst v21  }
0x1da: {  	v21 =	vld [tilespmem:s19+$0x191B0];
	[tilespmem:s14+$0x1DCA0] =	vst v22;
	s14 =	smov.u32 s19  }
0x1db: {  	v22 =	vld [tilespmem:s14+$0x18C90]  }
0x1dc: {  	v37 =	vld [tilespmem:s14+$0x19430]  }
0x1dd: {  	v38 =	vld [tilespmem:s14+$0x18F10];
	v23 =	vadd.f32 v23, v36  }
0x1de: {  	v24 =	vadd.f32 v35, v24;
	v35 =	vld [tilespmem:s14+$0x196B0]  }
0x1df: {  	v36 =	vld [tilespmem:s14+$0x18CA0];
	v21 =	vadd.f32 v21, v23  }
0x1e0: {  	v23 =	vadd.f32 v34, v24;
	v24 =	vld [tilespmem:s14+$0x19930]  }
0x1e1: {  	v34 =	vld [tilespmem:s14+$0x18F20];
	v21 =	vadd.f32 v37, v21  }
0x1e2: {  	v23 =	vadd.f32 v33, v23;
	v22 =	vadd.f32 v38, v22;
	v33 =	vld [tilespmem:s14+$0x19BB0]  }
0x1e3: {  	v37 =	vld [tilespmem:s14+$0x19190];
	v21 =	vadd.f32 v35, v21  }
0x1e4: {  	v23 =	vadd.f32 v32, v23;
	v32 =	vld [tilespmem:s14+$0x19E30]  }
0x1e5: {  	v35 =	vld [tilespmem:s14+$0x191A0];
	v21 =	vadd.f32 v24, v21  }
0x1e6: {  	v23 =	vadd.f32 v31, v23;
	v24 =	vadd.f32 v34, v36;
	v31 =	vld [tilespmem:s14+$0x1A0B0]  }
0x1e7: {  	v34 =	vld [tilespmem:s14+$0x19410];
	v21 =	vadd.f32 v33, v21  }
0x1e8: {  	v23 =	vadd.f32 v26, v23;
	v22 =	vadd.f32 v37, v22;
	v26 =	vld [tilespmem:s14+$0x1A330]  }
0x1e9: {  	v33 =	vld [tilespmem:s14+$0x19420];
	v21 =	vadd.f32 v32, v21  }
0x1ea: {  	v23 =	vadd.f32 v25, v23;
	v24 =	vadd.f32 v35, v24;
	v25 =	vld [tilespmem:s14+$0x1A5B0]  }
0x1eb: {  	v32 =	vld [tilespmem:s14+$0x19690];
	v21 =	vadd.f32 v31, v21  }
0x1ec: {  	v23 =	vadd.f32 v30, v23;
	v22 =	vadd.f32 v34, v22;
	v30 =	vld [tilespmem:s14+$0x1A830]  }
0x1ed: {  	v31 =	vld [tilespmem:s14+$0x196A0];
	v21 =	vadd.f32 v26, v21  }
0x1ee: {  	v23 =	vadd.f32 v29, v23;
	v24 =	vadd.f32 v33, v24;
	v26 =	vld [tilespmem:s14+$0x1AAB0]  }
0x1ef: {  	v29 =	vld [tilespmem:s14+$0x19910];
	v21 =	vadd.f32 v25, v21  }
0x1f0: {  	v23 =	vadd.f32 v28, v23;
	v22 =	vadd.f32 v32, v22;
	v25 =	vld [tilespmem:s14+$0x1AD30]  }
0x1f1: {  	v28 =	vld [tilespmem:s14+$0x19920];
	v21 =	vadd.f32 v30, v21  }
0x1f2: {  	v23 =	vadd.f32 v27, v23;
	v24 =	vadd.f32 v31, v24;
	v27 =	vld [tilespmem:s14+$0x1AFB0]  }
0x1f3: {  	v30 =	vld [tilespmem:s14+$0x19B90];
	v21 =	vadd.f32 v26, v21  }
0x1f4: {  	v20 =	vadd.f32 v20, v23;
	v22 =	vadd.f32 v29, v22;
	v23 =	vld [tilespmem:s14+$0x1B230]  }
0x1f5: {  	v26 =	vld [tilespmem:s14+$0x19BA0];
	v21 =	vadd.f32 v25, v21  }
0x1f6: {  	v19 =	vadd.f32 v19, v20;
	v20 =	vadd.f32 v28, v24;
	v24 =	vld [tilespmem:s14+$0x1B4B0]  }
0x1f7: {  	v25 =	vld [tilespmem:s14+$0x19E10];
	v21 =	vadd.f32 v27, v21  }
0x1f8: {  	v18 =	vadd.f32 v18, v19;
	v19 =	vadd.f32 v30, v22;
	v22 =	vld [tilespmem:s14+$0x1B730]  }
0x1f9: {  	v27 =	vld [tilespmem:s14+$0x19E20];
	v21 =	vadd.f32 v23, v21  }
0x1fa: {  	v17 =	vadd.f32 v17, v18;
	v18 =	vadd.f32 v26, v20;
	v20 =	vld [tilespmem:s14+$0x1B9B0]  }
0x1fb: {  	v23 =	vld [tilespmem:s14+$0x1A090];
	v21 =	vadd.f32 v24, v21  }
0x1fc: {  	v16 =	vadd.f32 v16, v17;
	v17 =	vadd.f32 v25, v19;
	v19 =	vld [tilespmem:s14+$0x1BC30]  }
0x1fd: {  	v24 =	vld [tilespmem:s14+$0x1A0A0];
	v21 =	vadd.f32 v22, v21  }
0x1fe: {  	v15 =	vadd.f32 v15, v16;
	v16 =	vadd.f32 v27, v18;
	v18 =	vld [tilespmem:s14+$0x1BEB0]  }
0x1ff: {  	v22 =	vld [tilespmem:s14+$0x1A310];
	v20 =	vadd.f32 v20, v21  }
0x200: {  	v14 =	vadd.f32 v14, v15;
	v15 =	vadd.f32 v23, v17;
	v17 =	vld [tilespmem:s14+$0x1C130]  }
0x201: {  	v21 =	vld [tilespmem:s14+$0x1A320];
	v19 =	vadd.f32 v19, v20  }
0x202: {  	v13 =	vadd.f32 v13, v14;
	v14 =	vadd.f32 v24, v16;
	v16 =	vld [tilespmem:s14+$0x1C3B0]  }
0x203: {  	v20 =	vld [tilespmem:s14+$0x1A590];
	v18 =	vadd.f32 v18, v19  }
0x204: {  	v12 =	vadd.f32 v12, v13;
	v13 =	vadd.f32 v22, v15;
	v15 =	vld [tilespmem:s14+$0x1C630]  }
0x205: {  	v19 =	vld [tilespmem:s14+$0x1A5A0];
	v17 =	vadd.f32 v17, v18  }
0x206: {  	v11 =	vadd.f32 v11, v12;
	v12 =	vadd.f32 v21, v14;
	v14 =	vld [tilespmem:s14+$0x1C8B0]  }
0x207: {  	v18 =	vld [tilespmem:s14+$0x1A810];
	v16 =	vadd.f32 v16, v17  }
0x208: {  	v10 =	vadd.f32 v10, v11;
	v11 =	vadd.f32 v20, v13;
	v13 =	vld [tilespmem:s14+$0x1CB30]  }
0x209: {  	v17 =	vld [tilespmem:s14+$0x1A820];
	v15 =	vadd.f32 v15, v16  }
0x20a: {  	v9 =	vadd.f32 v9, v10;
	v10 =	vadd.f32 v19, v12;
	v12 =	vld [tilespmem:s14+$0x1CDB0]  }
0x20b: {  	v16 =	vld [tilespmem:s14+$0x1AA90];
	v14 =	vadd.f32 v14, v15  }
0x20c: {  	v8 =	vadd.f32 v8, v9;
	v9 =	vadd.f32 v18, v11;
	v11 =	vld [tilespmem:s14+$0x1D030]  }
0x20d: {  	v15 =	vld [tilespmem:s14+$0x1AAA0];
	v13 =	vadd.f32 v13, v14  }
0x20e: {  	v7 =	vadd.f32 v7, v8;
	v8 =	vadd.f32 v17, v10;
	v10 =	vld [tilespmem:s14+$0x1D2B0]  }
0x20f: {  	v14 =	vld [tilespmem:s14+$0x1AD10];
	v12 =	vadd.f32 v12, v13  }
0x210: {  	v6 =	vadd.f32 v6, v7;
	v7 =	vadd.f32 v16, v9;
	v9 =	vld [tilespmem:s14+$0x1D530]  }
0x211: {  	v13 =	vld [tilespmem:s14+$0x1AD20];
	v11 =	vadd.f32 v11, v12  }
0x212: {  	v5 =	vadd.f32 v5, v6;
	v6 =	vadd.f32 v15, v8;
	v8 =	vld [tilespmem:s14+$0x1D7B0]  }
0x213: {  	v12 =	vld [tilespmem:s14+$0x1AF90];
	v10 =	vadd.f32 v10, v11  }
0x214: {  	v4 =	vadd.f32 v4, v5;
	v5 =	vadd.f32 v14, v7;
	v7 =	vld [tilespmem:s14+$0x1DA30]  }
0x215: {  	v11 =	vld [tilespmem:s14+$0x1AFA0];
	v9 =	vadd.f32 v9, v10  }
0x216: {  	v3 =	vadd.f32 v3, v4;
	v4 =	vld [tilespmem:s14+$0x1B210];
	v6 =	vadd.f32 v13, v6  }
0x217: {  	v10 =	vld [tilespmem:s14+$0x1B220];
	v8 =	vadd.f32 v8, v9  }
0x218: {  	v2 =	vadd.f32 v2, v3;
	v3 =	vadd.f32 v12, v5;
	v5 =	vld [tilespmem:s14+$0x1B490]  }
0x219: {  	v9 =	vld [tilespmem:s14+$0x1B4A0];
	v7 =	vadd.f32 v7, v8  }
0x21a: {  	v1 =	vadd.f32 v1, v2;
	v2 =	vld [tilespmem:s14+$0x1B710];
	v6 =	vadd.f32 v11, v6  }
0x21b: {  	v3 =	vadd.f32 v4, v3;
	v4 =	vld [tilespmem:s14+$0x1B720];
	v7 =	vadd.f32 $1.000000000e+00, v7  }
0x21c: {  	v1 =	vadd.f32 $1.000000000e+00, v1;
	v8 =	vld [tilespmem:s14+$0x1B990];
	v6 =	vadd.f32 v10, v6  }
0x21d: {  	v3 =	vadd.f32 v5, v3;
	v5 =	vld [tilespmem:s14+$0x1B9A0];
	v10 =	vshra.s32 v7, $0x1;
	v7 =	vmul.f32 $5.000000000e-01, v7  }
0x21e: {  	v11 =	vshra.s32 v1, $0x1;
	v12 =	vld [tilespmem:s14+$0x1BC10];
	v6 =	vadd.f32 v9, v6;
	v9 =	vsub.s32 $0x5F3759DF, v10  }
0x21f: {  	v10 =	vmul.f32 $5.000000000e-01, v1;
	v1 =	vadd.f32 v2, v3;
	v2 =	vld [tilespmem:s14+$0x1BC20];
	v3 =	vmul.f32 v9, v7  }
0x220: {  	v11 =	vsub.s32 $0x5F3759DF, v11;
	v13 =	vld [tilespmem:s14+$0x1BE90];
	v4 =	vadd.f32 v4, v6  }
0x221: {  	v6 =	vmul.f32 v11, v10;
	v1 =	vadd.f32 v8, v1;
	v8 =	vld [tilespmem:s14+$0x1BEA0];
	v3 =	vmul.f32 v9, v3  }
0x222: {  	v14 =	vld [tilespmem:s14+$0x1C110];
	v4 =	vadd.f32 v5, v4  }
0x223: {  	v5 =	vmul.f32 v11, v6;
	v1 =	vadd.f32 v12, v1;
	v6 =	vld [tilespmem:s14+$0x1C120];
	v3 =	vsub.f32 $1.500000000e+00, v3  }
0x224: {  	v12 =	vld [tilespmem:s14+$0x1C390];
	v2 =	vadd.f32 v2, v4  }
0x225: {  	v4 =	vsub.f32 $1.500000000e+00, v5;
	v1 =	vadd.f32 v13, v1;
	v5 =	vld [tilespmem:s14+$0x1C3A0];
	v3 =	vmul.f32 v9, v3  }
0x226: {  	v9 =	vld [tilespmem:s14+$0x1C610];
	v2 =	vadd.f32 v8, v2  }
0x227: {  	v4 =	vmul.f32 v11, v4;
	v1 =	vadd.f32 v14, v1;
	v8 =	vld [tilespmem:s14+$0x1C620];
	v11 =	vmul.f32 v3, v7  }
0x228: {  	v13 =	vld [tilespmem:s14+$0x1C890];
	v2 =	vadd.f32 v6, v2  }
0x229: {  	v6 =	vmul.f32 v4, v10;
	v1 =	vadd.f32 v12, v1;
	v12 =	vld [tilespmem:s14+$0x1C8A0];
	v11 =	vmul.f32 v11, v3  }
0x22a: {  	v14 =	vld [tilespmem:s14+$0x1CB10];
	v2 =	vadd.f32 v5, v2  }
0x22b: {  	v5 =	vmul.f32 v6, v4;
	v1 =	vadd.f32 v9, v1;
	v6 =	vld [tilespmem:s14+$0x1CB20];
	v9 =	vsub.f32 $1.500000000e+00, v11  }
0x22c: {  	v11 =	vld [tilespmem:s14+$0x1CD90];
	v2 =	vadd.f32 v8, v2  }
0x22d: {  	v5 =	vsub.f32 $1.500000000e+00, v5;
	v8 =	vadd.f32 v13, v1;
	v13 =	vld [tilespmem:s14+$0x1CDA0];
	v3 =	vmul.f32 v9, v3  }
0x22e: {  	v9 =	vld [tilespmem:s14+$0x1D010];
	v2 =	vadd.f32 v12, v2  }
0x22f: {  	v1 =	vmul.f32 v5, v4;
	v4 =	vadd.f32 v14, v8;
	v8 =	vld [tilespmem:s14+$0x1D020];
	v5 =	vmul.f32 v3, v7  }
0x230: {  	v7 =	vld [tilespmem:s14+$0x1D290];
	v2 =	vadd.f32 v6, v2  }
0x231: {  	v6 =	vmul.f32 v1, v10;
	v10 =	vadd.f32 v11, v4;
	v11 =	vld [tilespmem:s14+$0x1D2A0];
	v12 =	vmul.f32 v5, v3  }
.Ltmp5:
0x232: {  	v4 =	vld [tilespmem:s14+$0x1D510];
	v2 =	vadd.f32 v13, v2;
	(pc) =	sbr.rel @p1 .LBB2_12-.Ltmp5, $4  }
0x233: {  	v13 =	vmul.f32 v6, v1;
	v9 =	vadd.f32 v9, v10;
	v5 =	vld [tilespmem:s14+$0x1D520];
	v10 =	vsub.f32 $1.500000000e+00, v12  }
0x234: {  	v6 =	vld [tilespmem:s14+$0x1D790];
	v12 =	vadd.f32 v8, v2  }
0x235: {  	v2 =	vsub.f32 $1.500000000e+00, v13;
	v9 =	vadd.f32 v7, v9;
	v7 =	vld [tilespmem:s14+$0x1D7A0];
	v3 =	vmul.f32 v10, v3  }
0x236: {  	s17 =	sadd.s32 $0x40, s17;
	v8 =	vld [tilespmem:s14+$0x1DA10];
	v10 =	vadd.f32 v11, v12  }
0x237: {  	v4 =	vadd.f32 v4, v9;
	v9 =	vld [tilespmem:s14+$0x1DA20]  }
0x238: {  	v5 =	vadd.f32 v5, v10  }
0x239: {  	v4 =	vadd.f32 v6, v4  }
0x23a: {  	v5 =	vadd.f32 v7, v5  }
0x23b: {  	v4 =	vadd.f32 v8, v4  }
0x23c: {  	v5 =	vadd.f32 v9, v5  }
0x23d: {  	v4 =	vadd.f32 $1.000000000e+00, v4  }
0x23e: {  	v5 =	vadd.f32 $1.000000000e+00, v5  }
0x23f: {  	v6 =	vshra.s32 v4, $0x1;
	v4 =	vmul.f32 $5.000000000e-01, v4  }
0x240: {  	v6 =	vsub.s32 $0x5F3759DF, v6;
	v7 =	vshra.s32 v5, $0x1;
	v5 =	vmul.f32 $5.000000000e-01, v5  }
0x241: {  	v8 =	vmul.f32 v6, v4;
	v7 =	vsub.s32 $0x5F3759DF, v7  }
0x242: {  	v9 =	vmul.f32 v7, v5  }
0x243: {  	v8 =	vmul.f32 v6, v8  }
0x244: {  	v9 =	vmul.f32 v7, v9  }
0x245: {  	v8 =	vsub.f32 $1.500000000e+00, v8  }
0x246: {  	v9 =	vsub.f32 $1.500000000e+00, v9  }
0x247: {  	v6 =	vmul.f32 v6, v8  }
0x248: {  	v7 =	vmul.f32 v7, v9  }
0x249: {  	v8 =	vmul.f32 v6, v4  }
0x24a: {  	v9 =	vmul.f32 v7, v5  }
0x24b: {  	v8 =	vmul.f32 v8, v6  }
0x24c: {  	v9 =	vmul.f32 v9, v7  }
0x24d: {  	v8 =	vsub.f32 $1.500000000e+00, v8  }
0x24e: {  	v9 =	vsub.f32 $1.500000000e+00, v9  }
0x24f: {  	v6 =	vmul.f32 v8, v6  }
0x250: {  	v7 =	vmul.f32 v9, v7  }
0x251: {  	v4 =	vmul.f32 v6, v4  }
0x252: {  	v5 =	vmul.f32 v7, v5  }
0x253: {  	v4 =	vmul.f32 v4, v6  }
0x254: {  	v5 =	vmul.f32 v5, v7  }
0x255: {  	v4 =	vsub.f32 $1.500000000e+00, v4  }
0x256: {  	v1 =	vmul.f32 v2, v1;
	v2 =	vsub.f32 $1.500000000e+00, v5  }
0x257: {  	[tilespmem:s14+$0x1DCB0] =	vst v3;
	v3 =	vmul.f32 v4, v6  }
0x258: {  	[tilespmem:s14+$0x1DC80] =	vst v1;
	v1 =	vmul.f32 v2, v7  }
0x259: {  	[tilespmem:s14+$0x1DC90] =	vst v3  }
0x25a: {  	[tilespmem:s14+$0x1DCA0] =	vst v1  }
0x25b: {  	s14 =	sld [smem:$0x7F0];
	_ =	sdelay $0x1  }
0x25c: {  	s15 =	simm.s32 $0x1DC80  }
0x25d: {  	[spmem:s14] =	stream.linear.scatter [tilespmem:s15], [sflag:$0x9], $0x280, $0x38;
	[tilespmem:$0x1E180] =	vst v63  }
0x25e: {  	_ =	swait.ge [sflag:s30], $0x280  }
0x25f: {  	s14 =	simm.s32 @!p0 $0x0;
	[sflag:s30] =	ssyncset.done $0x0  }
0x260: {  	s15 =	simm.s32 @!p0 $0x1DC80;
	s16 =	rddreg [dreg:$0x11];
	[sflag:s30] =	ssyncadd.s32 $0xFFFFFD80  }
0x261: {  	[hbm4b:s16+s14] =	stream.linear.scatter @!p0 [tilespmem:s15], [sflag:$0x9], $0x280, $0x38;
	[tilespmem:$0x1E180] =	vst v63  }
0x262: {  	s14 =	simm.s32 @!p0 $0x9  }
0x263: {  	_ =	swait.ge @!p0 [sflag:s14], $0x280  }
0x264: {  	s17 =	sld [smem:$0x7F7]  }
0x265: {  	[sflag:s14] =	ssyncset.done @!p0 $0x0  }
0x266: {  	s18 =	sld [smem:$0x7F8];
	[sflag:s14] =	ssyncadd.s32 @!p0 $0xFFFFFD80  }
0x267: {  	[tilespmem:s24], [sflag:$0x4] =	stream.linear.gather [hbm4b:s17+s3], $0x2710, $0x38;
	[tilespmem:$0x1E180] =	vst v63  }
0x268: {  	_ = 	snop  }
0x269: {  	[tilespmem:s25], [sflag:$0x5] =	stream.linear.gather [hbm4b:s18+s3], $0x2710, $0x38;
	[tilespmem:$0x1E180] =	vst v63  }
0x26a: {  	[bflag:$0x0] =	sbarrier.arrive $0xFFFF  }
0x26b: {  	s19 =	rddreg [dreg:$0x2]  }
0x26c: {  	[tilespmem:s31], [sflag:$0x9] =	stream.linear.gather [spmem:s19], $0x2800, $0x38;
	[tilespmem:$0x1E180] =	vst v63  }
0x26d: {  	_ =	swait.ge [sflag:s30], $0x2800  }
0x26e: {  	[sflag:s30] =	ssyncset.done $0x0  }
0x26f: {  	[sflag:s30] =	ssyncadd.s32 $0xFFFFD800  }
0x270: {  	_ =	swait.ge [sflag:s0], $0x1390  }
0x271: {  	[sflag:s0] =	ssyncset.done $0x0  }
0x272: {  	[sflag:s0] =	ssyncadd.s32 $0xFFFFEC70  }
0x273: {  	_ =	swait.ge [sflag:s0], $0x1390  }
0x274: {  	[sflag:s0] =	ssyncset.done $0x0  }
0x275: {  	[sflag:s0] =	ssyncadd.s32 $0xFFFFEC70  }
0x276: {  	_ =	swait.ge [sflag:s0], $0x1390  }
0x277: {  	[sflag:s0] =	ssyncset.done $0x0  }
0x278: {  	s20 =	simm.s32 $0x40;
	[sflag:s0] =	ssyncadd.s32 $0xFFFFEC70  }
0x279: {  	v1 =	vld [tilespmem:s20+$0x0]  }
0x27a: {  	s14 =	simm.s32 $0x1440;
	v2 =	vld [tilespmem:s20+$0xFFFFFFD0]  }
0x27b: {  	v3 =	vld [tilespmem:s14+$0x20]  }
0x27c: {  	v4 =	vld [tilespmem:s20+$0xFFFFFFC0]  }
0x27d: {  	v5 =	vld [tilespmem:s20+$0x20]  }
0x27e: {  	v6 =	vld [tilespmem:s14+$0x10]  }
0x27f: {  	v7 =	vld [tilespmem:s20+$0x10]  }
0x280: {  	v8 =	vld [tilespmem:s14+$0x30]  }
0x281: {  	v9 =	vld [tilespmem:s20+$0xFFFFFFE0]  }
0x282: {  	v10 =	vld [tilespmem:s20+$0xFFFFFFF0]  }
0x283: {  	v11 =	vld [tilespmem:s14+$0x0]  }
0x284: {  	v12 =	vld [tilespmem:s14+$0xFFFFFFC0]  }
0x285: {  	v13 =	vld [tilespmem:s20+$0x30]  }
0x286: {  	v14 =	vld [tilespmem:s14+$0xFFFFFFD0]  }
0x287: {  	s15 =	simm.s32 $0x2840;
	v15 =	vld [tilespmem:s14+$0xFFFFFFF0]  }
0x288: {  	v17 =	vld [tilespmem:s15+$0x20]  }
0x289: {  	v18 =	vld [tilespmem:s15+$0x30]  }
0x28a: {  	v19 =	vld [tilespmem:s15+$0x0]  }
0x28b: {  	v20 =	vld [tilespmem:s15+$0xFFFFFFD0]  }
0x28c: {  	v21 =	vld [tilespmem:s15+$0xFFFFFFF0]  }
0x28d: {  	v22 =	vld [tilespmem:s15+$0xFFFFFFE0]  }
0x28e: {  	v23 =	vld [tilespmem:s15+$0x10]  }
0x28f: {  	v5 =	vld.idx.msk [tilespmem:v5+s31+$0x0], $0xffff  }
0x290: {  	v16 =	vld.idx.msk [tilespmem:v1+s31+$0x0], $0xffff  }
0x291: {  	v1 =	vld [tilespmem:s14+$0xFFFFFFE0]  }
0x292: {  	v10 =	vld.idx.msk [tilespmem:v10+s31+$0x0], $0xffff  }
0x293: {  	v9 =	vld.idx.msk [tilespmem:v9+s31+$0x0], $0xffff  }
0x294: {  	v2 =	vld.idx.msk [tilespmem:v2+s31+$0x0], $0xffff  }
0x295: {  	v7 =	vld.idx.msk [tilespmem:v7+s31+$0x0], $0xffff  }
0x296: {  	v13 =	vld.idx.msk [tilespmem:v13+s31+$0x0], $0xffff  }
0x297: {  	v14 =	vld.idx.msk [tilespmem:v14+s31+$0x0], $0xffff  }
0x298: {  	v3 =	vld.idx.msk [tilespmem:v3+s31+$0x0], $0xffff  }
0x299: {  	v6 =	vld.idx.msk [tilespmem:v6+s31+$0x0], $0xffff  }
0x29a: {  	v15 =	vld.idx.msk [tilespmem:v15+s31+$0x0], $0xffff  }
0x29b: {  	v11 =	vld.idx.msk [tilespmem:v11+s31+$0x0], $0xffff  }
0x29c: {  	v2 =	vmul.f32 v20, v2;
	v1 =	vld.idx.msk [tilespmem:v1+s31+$0x0], $0xffff  }
0x29d: {  	v62 =	vld.idx.msk [tilespmem:v8+s31+$0x0], $0xffff;
	v5 =	vmul.f32 v17, v5  }
0x29e: {  	v63 =	vld.idx.msk [tilespmem:v4+s31+$0x0], $0xffff;
	v4 =	vmul.f32 v23, v7;
	v2 =	vmul.f32 v2, v14  }
0x29f: {  	s16 =	simm.s32 $0x3C40;
	v9 =	vmul.f32 v22, v9;
	v14 =	vld [tilespmem:s15+$0xFFFFFFC0];
	v3 =	vmul.f32 v5, v3  }
0x2a0: {  	v12 =	vld.idx.msk [tilespmem:v12+s31+$0x0], $0xffff;
	v7 =	vmul.f32 v19, v16;
	v4 =	vmul.f32 v4, v6;
	[tilespmem:s16+$0xFFFFFFD0] =	vst v2  }
0x2a1: {  	v5 =	vmul.f32 v18, v13;
	[tilespmem:s16+$0x20] =	vst v3;
	v6 =	vld [tilespmem:s14+$0xFFFFFFD0];
	v1 =	vmul.f32 v9, v1  }
0x2a2: {  	v7 =	vmul.f32 v7, v11;
	v13 =	vmul.f32 v21, v10;
	[tilespmem:s16+$0x10] =	vst v4;
	v10 =	vld [tilespmem:s14+$0x20]  }
0x2a3: {  	v11 =	vld [tilespmem:s14+$0x10];
	v9 =	vmul.f32 v5, v62;
	[tilespmem:s16+$0xFFFFFFE0] =	vst v1  }
0x2a4: {  	s17 =	simm.s32 $0x0;
	[tilespmem:s16+$0x0] =	vst v7;
	v14 =	vmul.f32 v14, v63;
	v5 =	vmul.f32 v13, v15;
	v8 =	vld [tilespmem:s14+$0xFFFFFFE0]  }
0x2a5: {  	s18 =	simm.s32 $0xC0;
	s19 =	simm.s32 $0x14C0;
	s20 =	simm.s32 $0x3C40;
	v13 =	vld [tilespmem:s14+$0x0];
	[tilespmem:s16+$0x30] =	vst v9  }
.LBB2_14:
0x2a6: {  	s17 =	sadd.s32 $0x8, s17;
	v12 =	vmul.f32 v14, v12;
	[tilespmem:s16+$0xFFFFFFF0] =	vst v5;
	v14 =	vld [tilespmem:s14+$0x30];
	s15 =	sadd.s32 $0x80, s15;
	s20 =	sadd.s32 $0x80, s20  }
0x2a7: {  	p1 =	slt.u32 s17, $0x130;
	v15 =	vld [tilespmem:s14+$0xFFFFFFF0]  }
0x2a8: {  	v16 =	vld [tilespmem:s18+$0x0];
	[tilespmem:s16+$0xFFFFFFC0] =	vst v12;
	s16 =	smov.u32 s20  }
0x2a9: {  	v17 =	vld [tilespmem:s14+$0xFFFFFFC0];
	s14 =	smov.u32 s19  }
0x2aa: {  	v18 =	vld [tilespmem:s18+$0xFFFFFFD0]  }
0x2ab: {  	[tilespmem:v6+s1+$0x0] =	vst.idx.add.f32.msk $0xffff, v2  }
0x2ac: {  	[tilespmem:v8+s1+$0x0] =	vst.idx.add.f32.msk $0xffff, v1  }
0x2ad: {  	[tilespmem:v13+s1+$0x0] =	vst.idx.add.f32.msk $0xffff, v7  }
0x2ae: {  	[tilespmem:v10+s1+$0x0] =	vst.idx.add.f32.msk $0xffff, v3  }
0x2af: {  	[tilespmem:v14+s1+$0x0] =	vst.idx.add.f32.msk $0xffff, v9  }
0x2b0: {  	[tilespmem:v11+s1+$0x0] =	vst.idx.add.f32.msk $0xffff, v4  }
0x2b1: {  	[tilespmem:v15+s1+$0x0] =	vst.idx.add.f32.msk $0xffff, v5  }
0x2b2: {  	v1 =	vld [tilespmem:s19+$0x20]  }
0x2b3: {  	[tilespmem:v17+s1+$0x0] =	vst.idx.add.f32.msk $0xffff, v12  }
0x2b4: {  	v2 =	vld [tilespmem:s18+$0xFFFFFFC0]  }
0x2b5: {  	v3 =	vld [tilespmem:s18+$0x20]  }
0x2b6: {  	v4 =	vld [tilespmem:s19+$0x10]  }
0x2b7: {  	v5 =	vld [tilespmem:s18+$0x10]  }
0x2b8: {  	v6 =	vld [tilespmem:s19+$0x30]  }
0x2b9: {  	v7 =	vld [tilespmem:s18+$0xFFFFFFE0]  }
0x2ba: {  	v8 =	vld [tilespmem:s18+$0xFFFFFFF0]  }
0x2bb: {  	v9 =	vld [tilespmem:s19+$0x0]  }
0x2bc: {  	v10 =	vld [tilespmem:s19+$0xFFFFFFC0]  }
0x2bd: {  	v3 =	vld.idx.msk [tilespmem:v3+s31+$0x0], $0xffff  }
0x2be: {  	v11 =	vld [tilespmem:s18+$0x30]  }
0x2bf: {  	v12 =	vld [tilespmem:s19+$0xFFFFFFD0]  }
0x2c0: {  	v13 =	vld [tilespmem:s19+$0xFFFFFFF0]  }
0x2c1: {  	v14 =	vld.idx.msk [tilespmem:v16+s31+$0x0], $0xffff  }
0x2c2: {  	v15 =	vld [tilespmem:s19+$0xFFFFFFE0]  }
0x2c3: {  	v8 =	vld.idx.msk [tilespmem:v8+s31+$0x0], $0xffff  }
0x2c4: {  	v7 =	vld.idx.msk [tilespmem:v7+s31+$0x0], $0xffff  }
0x2c5: {  	v16 =	vld [tilespmem:s15+$0x20]  }
0x2c6: {  	v17 =	vld.idx.msk [tilespmem:v18+s31+$0x0], $0xffff  }
0x2c7: {  	v5 =	vld.idx.msk [tilespmem:v5+s31+$0x0], $0xffff  }
0x2c8: {  	v18 =	vld [tilespmem:s15+$0x30]  }
0x2c9: {  	v11 =	vld.idx.msk [tilespmem:v11+s31+$0x0], $0xffff  }
0x2ca: {  	v19 =	vld [tilespmem:s15+$0x0];
	v3 =	vmul.f32 v16, v3  }
0x2cb: {  	v15 =	vld.idx.msk [tilespmem:v15+s31+$0x0], $0xffff  }
0x2cc: {  	v16 =	vld [tilespmem:s15+$0xFFFFFFD0]  }
0x2cd: {  	v20 =	vld [tilespmem:s15+$0xFFFFFFF0]  }
0x2ce: {  	v21 =	vld [tilespmem:s15+$0xFFFFFFE0]  }
0x2cf: {  	v11 =	vmul.f32 v18, v11;
	v22 =	vld [tilespmem:s15+$0x10]  }
0x2d0: {  	v14 =	vmul.f32 v19, v14;
	v12 =	vld.idx.msk [tilespmem:v12+s31+$0x0], $0xffff  }
0x2d1: {  	v16 =	vmul.f32 v16, v17;
	v17 =	vld.idx.msk [tilespmem:v1+s31+$0x0], $0xffff  }
0x2d2: {  	v18 =	vmul.f32 v20, v8;
	v4 =	vld.idx.msk [tilespmem:v4+s31+$0x0], $0xffff  }
0x2d3: {  	v1 =	vmul.f32 v21, v7;
	v13 =	vld.idx.msk [tilespmem:v13+s31+$0x0], $0xffff  }
0x2d4: {  	v7 =	vld.idx.msk [tilespmem:v9+s31+$0x0], $0xffff  }
0x2d5: {  	v5 =	vmul.f32 v22, v5;
	v1 =	vmul.f32 v1, v15;
	v9 =	vld.idx.msk [tilespmem:v6+s31+$0x0], $0xffff  }
0x2d6: {  	v15 =	vld.idx.msk [tilespmem:v2+s31+$0x0], $0xffff;
	v2 =	vmul.f32 v16, v12  }
0x2d7: {  	v3 =	vmul.f32 v3, v17;
	v16 =	vld [tilespmem:s15+$0xFFFFFFC0];
	[tilespmem:s20+$0xFFFFFFE0] =	vst v1  }
0x2d8: {  	v4 =	vmul.f32 v5, v4;
	v12 =	vld.idx.msk [tilespmem:v10+s31+$0x0], $0xffff;
	[tilespmem:s20+$0xFFFFFFD0] =	vst v2  }
.Ltmp6:
0x2d9: {  	v6 =	vld [tilespmem:s19+$0xFFFFFFD0];
	[tilespmem:s20+$0x20] =	vst v3;
	(pc) =	sbr.rel @p1 .LBB2_14-.Ltmp6, $4  }
0x2da: {  	v7 =	vmul.f32 v14, v7;
	v8 =	vld [tilespmem:s19+$0xFFFFFFE0];
	[tilespmem:s20+$0x10] =	vst v4  }
0x2db: {  	v5 =	vmul.f32 v18, v13;
	v9 =	vmul.f32 v11, v9;
	v10 =	vld [tilespmem:s19+$0x20]  }
0x2dc: {  	v14 =	vmul.f32 v16, v15;
	[tilespmem:s20+$0x0] =	vst v7;
	v11 =	vld [tilespmem:s19+$0x10]  }
0x2dd: {  	s18 =	sadd.s32 $0x80, s18;
	s19 =	sadd.s32 $0x80, s19;
	v13 =	vld [tilespmem:s14+$0x0];
	[tilespmem:s20+$0x30] =	vst v9  }
0x2de: {  	v12 =	vmul.f32 v14, v12  }
0x2df: {  	v54 =	vld [tilespmem:s14+$0x30];
	[tilespmem:s16+$0xFFFFFFF0] =	vst v5  }
0x2e0: {  	v15 =	vld [tilespmem:s14+$0xFFFFFFF0];
	[tilespmem:s16+$0xFFFFFFC0] =	vst v12  }
0x2e1: {  	v16 =	vld [tilespmem:s14+$0xFFFFFFC0]  }
0x2e2: {  	[tilespmem:v6+s1+$0x0] =	vst.idx.add.f32.msk $0xffff, v2  }
0x2e3: {  	[tilespmem:v8+s1+$0x0] =	vst.idx.add.f32.msk $0xffff, v1  }
0x2e4: {  	[tilespmem:v10+s1+$0x0] =	vst.idx.add.f32.msk $0xffff, v3  }
0x2e5: {  	[tilespmem:v11+s1+$0x0] =	vst.idx.add.f32.msk $0xffff, v4  }
0x2e6: {  	[tilespmem:v13+s1+$0x0] =	vst.idx.add.f32.msk $0xffff, v7  }
0x2e7: {  	[tilespmem:v54+s1+$0x0] =	vst.idx.add.f32.msk $0xffff, v9  }
0x2e8: {  	[tilespmem:v15+s1+$0x0] =	vst.idx.add.f32.msk $0xffff, v5  }
0x2e9: {  	[tilespmem:v16+s1+$0x0] =	vst.idx.add.f32.msk $0xffff, v12  }
0x2ea: {  	v1 =	vld [tilespmem:$0x1380];
	_ =	sdelay $0x1  }
0x2eb: {  	v2 =	vld [tilespmem:$0x2780];
	_ =	sdelay $0x4  }
0x2ec: {  	v3 =	vld [tilespmem:$0x3B80]  }
0x2ed: {  	v1 =	vld.idx.msk [tilespmem:v1+s31+$0x0], $0xffff  }
0x2ee: {  	v4 =	vld [tilespmem:$0x2780]  }
0x2ef: {  	v2 =	vld.idx.msk [tilespmem:v2+s31+$0x0], $0xffff;
	_ =	sdelay $0x2  }
0x2f0: {  	v1 =	vmul.f32 v3, v1;
	_ =	sdelay $0x1  }
0x2f1: {  	v1 =	vmul.f32 v1, v2  }
0x2f2: {  	s18 =	sld [smem:$0x7F4]  }
0x2f3: {  	[tilespmem:$0x4F80] =	vst v1  }
0x2f4: {  	s15 =	simm.s32 $0x3C00;
	s19 =	sld [smem:$0x7FA];
	[tilespmem:v4+s1+$0x0] =	vst.idx.add.f32.msk $0xffff, v1  }
0x2f5: {  	[hbm4b:s18+s3] =	stream.linear.scatter [tilespmem:s15], [sflag:$0x1], $0x1390, $0x38;
	[tilespmem:$0x1E180] =	vst v63  }
0x2f6: {  	_ = 	snop  }
0x2f7: {  	[hbm4b:s19+s3] =	stream.linear.scatter [tilespmem:s1], [sflag:$0x7], $0x2710, $0x38;
	[tilespmem:$0x1E180] =	vst v63  }
0x2f8: {  	_ =	swait.ge [sflag:s2], $0x2710  }
0x2f9: {  	[sflag:s2] =	ssyncset.done $0x0  }
0x2fa: {  	[sflag:s2] =	ssyncadd.s32 $0xFFFFD8F0  }
0x2fb: {  	_ =	swait.ge [sflag:s4], $0x2710  }
0x2fc: {  	[sflag:s4] =	ssyncset.done $0x0  }
0x2fd: {  	[sflag:s4] =	ssyncadd.s32 $0xFFFFD8F0  }
0x2fe: {  	_ =	swait.ge [sflag:s5], $0x2710  }
0x2ff: {  	[sflag:s5] =	ssyncset.done $0x0  }
0x300: {  	[sflag:s5] =	ssyncadd.s32 $0xFFFFD8F0  }
0x301: {  	_ =	swait.ge [sflag:s6], $0x2710  }
0x302: {  	[sflag:s6] =	ssyncset.done $0x0  }
0x303: {  	s20 =	simm.s32 $0x20;
	[sflag:s6] =	ssyncadd.s32 $0xFFFFD8F0  }
0x304: {  	v10 =	vld [tilespmem:s20+$0x10];
	_ =	sdelay $0x2  }
0x305: {  	v1 =	vld [tilespmem:s20+$0xFFFFFFF0]  }
0x306: {  	v3 =	vld [tilespmem:s20+$0xFFFFFFE0]  }
0x307: {  	s14 =	simm.s32 $0x1420;
	v2 =	vld [tilespmem:s20+$0x0]  }
0x308: {  	s15 =	simm.s32 $0x3C20;
	v55 =	vld [tilespmem:s14+$0x10]  }
0x309: {  	v11 =	vld [tilespmem:s15+$0x10]  }
0x30a: {  	v5 =	vld.idx.msk [tilespmem:v10+s26+$0x0], $0xffff  }
0x30b: {  	v4 =	vld [tilespmem:s15+$0xFFFFFFE0]  }
0x30c: {  	v7 =	vld [tilespmem:s14+$0xFFFFFFF0]  }
0x30d: {  	v8 =	vld [tilespmem:s14+$0x0]  }
0x30e: {  	v9 =	vld [tilespmem:s15+$0x0]  }
0x30f: {  	v56 =	vld.idx.msk [tilespmem:v1+s26+$0x0], $0xffff;
	v6 =	vmul.f32 v5, v11  }
0x310: {  	v58 =	vld.idx.msk [tilespmem:v2+s26+$0x0], $0xffff  }
0x311: {  	[tilespmem:v55+s7+$0x0] =	vst.idx.add.f32.msk $0xffff, v6  }
0x312: {  	v59 =	vld.idx.msk [tilespmem:v10+s28+$0x0], $0xffff  }
0x313: {  	v5 =	vld [tilespmem:s15+$0xFFFFFFF0]  }
0x314: {  	v6 =	vld [tilespmem:s14+$0xFFFFFFE0]  }
0x315: {  	v57 =	vld.idx.msk [tilespmem:v3+s26+$0x0], $0xffff  }
0x316: {  	v15 =	vmul.f32 v58, v9  }
0x317: {  	v16 =	vmul.f32 v59, v11  }
0x318: {  	[tilespmem:v8+s7+$0x0] =	vst.idx.add.f32.msk $0xffff, v15  }
0x319: {  	v13 =	vmul.f32 v56, v5;
	[tilespmem:v55+s8+$0x0] =	vst.idx.add.f32.msk $0xffff, v16  }
0x31a: {  	v14 =	vmul.f32 v57, v4;
	v16 =	vld.idx.msk [tilespmem:v10+s24+$0x0], $0xffff  }
0x31b: {  	[tilespmem:v7+s7+$0x0] =	vst.idx.add.f32.msk $0xffff, v13  }
0x31c: {  	[tilespmem:v6+s7+$0x0] =	vst.idx.add.f32.msk $0xffff, v14  }
0x31d: {  	v60 =	vld.idx.msk [tilespmem:v3+s28+$0x0], $0xffff  }
0x31e: {  	v61 =	vld.idx.msk [tilespmem:v1+s28+$0x0], $0xffff  }
0x31f: {  	v15 =	vld.idx.msk [tilespmem:v2+s28+$0x0], $0xffff;
	v16 =	vmul.f32 v16, v11;
	_ =	sdelay $0x1  }
0x320: {  	[tilespmem:v55+s9+$0x0] =	vst.idx.add.f32.msk $0xffff, v16  }
0x321: {  	v16 =	vld.idx.msk [tilespmem:v10+s25+$0x0], $0xffff;
	v10 =	vmul.f32 v60, v4  }
0x322: {  	v62 =	vmul.f32 v61, v5  }
0x323: {  	[tilespmem:v6+s8+$0x0] =	vst.idx.add.f32.msk $0xffff, v10;
	v10 =	vmul.f32 v15, v9  }
0x324: {  	[tilespmem:v7+s8+$0x0] =	vst.idx.add.f32.msk $0xffff, v62  }
0x325: {  	[tilespmem:v8+s8+$0x0] =	vst.idx.add.f32.msk $0xffff, v10  }
0x326: {  	v10 =	vld.idx.msk [tilespmem:v3+s24+$0x0], $0xffff;
	v63 =	vmul.f32 v16, v11  }
0x327: {  	v11 =	vld.idx.msk [tilespmem:v1+s24+$0x0], $0xffff  }
0x328: {  	s17 =	simm.s32 $0x60;
	s16 =	simm.s32 $0x0;
	[tilespmem:v55+s10+$0x0] =	vst.idx.add.f32.msk $0xffff, v63  }
.LBB2_16:
0x329: {  	v12 =	vld [tilespmem:s17+$0x10];
	s16 =	sadd.s32 $0x4, s16  }
0x32a: {  	v13 =	vld [tilespmem:s17+$0xFFFFFFF0];
	p1 =	slt.u32 s16, $0x134  }
0x32b: {  	v14 =	vld [tilespmem:s17+$0x0]  }
0x32c: {  	v10 =	vmul.f32 v10, v4;
	v15 =	vld [tilespmem:s17+$0xFFFFFFE0]  }
0x32d: {  	v11 =	vmul.f32 v11, v5;
	v16 =	vld.idx.msk [tilespmem:v2+s24+$0x0], $0xffff  }
0x32e: {  	[tilespmem:v6+s9+$0x0] =	vst.idx.add.f32.msk $0xffff, v10  }
0x32f: {  	s14 =	sadd.s32 $0x40, s14;
	[tilespmem:v7+s9+$0x0] =	vst.idx.add.f32.msk $0xffff, v11  }
0x330: {  	v17 =	vld [tilespmem:s14+$0x10]  }
0x331: {  	s15 =	sadd.s32 $0x40, s15;
	v10 =	vld.idx.msk [tilespmem:v12+s26+$0x0], $0xffff  }
0x332: {  	v11 =	vld [tilespmem:s15+$0x10]  }
0x333: {  	v16 =	vmul.f32 v16, v9;
	v18 =	vld.idx.msk [tilespmem:v13+s26+$0x0], $0xffff  }
0x334: {  	v19 =	vld.idx.msk [tilespmem:v15+s26+$0x0], $0xffff  }
0x335: {  	v20 =	vld.idx.msk [tilespmem:v14+s26+$0x0], $0xffff  }
0x336: {  	v21 =	vld [tilespmem:s15+$0xFFFFFFE0]  }
0x337: {  	v22 =	vld [tilespmem:s15+$0xFFFFFFF0];
	v10 =	vmul.f32 v10, v11  }
0x338: {  	v23 =	vld [tilespmem:s15+$0x0]  }
0x339: {  	[tilespmem:v17+s7+$0x0] =	vst.idx.add.f32.msk $0xffff, v10  }
0x33a: {  	v10 =	vld.idx.msk [tilespmem:v12+s28+$0x0], $0xffff  }
0x33b: {  	v24 =	vld [tilespmem:s14+$0xFFFFFFE0];
	v19 =	vmul.f32 v19, v21  }
0x33c: {  	v25 =	vld [tilespmem:s14+$0xFFFFFFF0];
	v18 =	vmul.f32 v18, v22  }
0x33d: {  	v26 =	vld [tilespmem:s14+$0x0];
	v20 =	vmul.f32 v20, v23  }
0x33e: {  	[tilespmem:v8+s9+$0x0] =	vst.idx.add.f32.msk $0xffff, v16  }
0x33f: {  	v16 =	vld.idx.msk [tilespmem:v3+s25+$0x0], $0xffff;
	v3 =	vmov v15  }
0x340: {  	v10 =	vmul.f32 v10, v11;
	v15 =	vld.idx.msk [tilespmem:v1+s25+$0x0], $0xffff;
	v1 =	vmov v13  }
0x341: {  	v13 =	vld.idx.msk [tilespmem:v2+s25+$0x0], $0xffff;
	v2 =	vmov v14  }
0x342: {  	[tilespmem:v17+s8+$0x0] =	vst.idx.add.f32.msk $0xffff, v10  }
0x343: {  	v10 =	vld.idx.msk [tilespmem:v12+s24+$0x0], $0xffff  }
0x344: {  	[tilespmem:v24+s7+$0x0] =	vst.idx.add.f32.msk $0xffff, v19  }
0x345: {  	v14 =	vmul.f32 v16, v4;
	v4 =	vmov v21;
	[tilespmem:v25+s7+$0x0] =	vst.idx.add.f32.msk $0xffff, v18  }
0x346: {  	v15 =	vmul.f32 v15, v5;
	v5 =	vmov v22;
	[tilespmem:v26+s7+$0x0] =	vst.idx.add.f32.msk $0xffff, v20  }
0x347: {  	v13 =	vmul.f32 v13, v9;
	v9 =	vmov v23;
	v16 =	vld.idx.msk [tilespmem:v3+s28+$0x0], $0xffff  }
0x348: {  	v18 =	vld.idx.msk [tilespmem:v1+s28+$0x0], $0xffff  }
0x349: {  	v10 =	vmul.f32 v10, v11;
	v19 =	vld.idx.msk [tilespmem:v2+s28+$0x0], $0xffff  }
0x34a: {  	[tilespmem:v6+s10+$0x0] =	vst.idx.add.f32.msk $0xffff, v14;
	v6 =	vmov v24  }
0x34b: {  	[tilespmem:v17+s9+$0x0] =	vst.idx.add.f32.msk $0xffff, v10  }
0x34c: {  	v12 =	vld.idx.msk [tilespmem:v12+s25+$0x0], $0xffff  }
0x34d: {  	v10 =	vmul.f32 v16, v4;
	[tilespmem:v7+s10+$0x0] =	vst.idx.add.f32.msk $0xffff, v15;
	v7 =	vmov v25  }
0x34e: {  	v14 =	vmul.f32 v18, v5;
	[tilespmem:v8+s10+$0x0] =	vst.idx.add.f32.msk $0xffff, v13;
	v8 =	vmov v26  }
0x34f: {  	[tilespmem:v24+s8+$0x0] =	vst.idx.add.f32.msk $0xffff, v10;
	v10 =	vmul.f32 v19, v9  }
.Ltmp7:
0x350: {  	[tilespmem:v25+s8+$0x0] =	vst.idx.add.f32.msk $0xffff, v14;
	(pc) =	sbr.rel @p1 .LBB2_16-.Ltmp7, $4  }
0x351: {  	[tilespmem:v26+s8+$0x0] =	vst.idx.add.f32.msk $0xffff, v10  }
0x352: {  	v12 =	vmul.f32 v12, v11;
	v10 =	vld.idx.msk [tilespmem:v3+s24+$0x0], $0xffff  }
0x353: {  	v11 =	vld.idx.msk [tilespmem:v1+s24+$0x0], $0xffff  }
0x354: {  	s17 =	sadd.s32 $0x40, s17;
	[tilespmem:v17+s10+$0x0] =	vst.idx.add.f32.msk $0xffff, v12  }
0x355: {  	_ =	sdelay $0x3  }
0x356: {  	v12 =	vld.idx.msk [tilespmem:v2+s24+$0x0], $0xffff  }
0x357: {  	v10 =	vmul.f32 v10, v4  }
0x358: {  	v11 =	vmul.f32 v11, v5  }
0x359: {  	[tilespmem:v6+s9+$0x0] =	vst.idx.add.f32.msk $0xffff, v10  }
0x35a: {  	[tilespmem:v7+s9+$0x0] =	vst.idx.add.f32.msk $0xffff, v11  }
0x35b: {  	v62 =	vmul.f32 v12, v9;
	v3 =	vld.idx.msk [tilespmem:v3+s25+$0x0], $0xffff  }
0x35c: {  	v1 =	vld.idx.msk [tilespmem:v1+s25+$0x0], $0xffff  }
0x35d: {  	[tilespmem:v8+s9+$0x0] =	vst.idx.add.f32.msk $0xffff, v62  }
0x35e: {  	v2 =	vld.idx.msk [tilespmem:v2+s25+$0x0], $0xffff;
	_ =	sdelay $0x2  }
0x35f: {  	v3 =	vmul.f32 v3, v4  }
0x360: {  	v1 =	vmul.f32 v1, v5  }
0x361: {  	[tilespmem:v6+s10+$0x0] =	vst.idx.add.f32.msk $0xffff, v3;
	v2 =	vmul.f32 v2, v9  }
0x362: {  	[tilespmem:v7+s10+$0x0] =	vst.idx.add.f32.msk $0xffff, v1  }
0x363: {  	[tilespmem:v8+s10+$0x0] =	vst.idx.add.f32.msk $0xffff, v2  }
0x364: {  	v1 =	vld [tilespmem:$0x1380];
	_ =	sdelay $0x5  }
0x365: {  	v2 =	vld [tilespmem:$0x2780]  }
0x366: {  	v3 =	vld [tilespmem:$0x4F80]  }
0x367: {  	v63 =	vld.idx.msk [tilespmem:v1+s26+$0x0], $0xffff;
	_ =	sdelay $0x4  }
0x368: {  	v4 =	vmul.f32 v63, v3;
	_ =	sdelay $0x1  }
0x369: {  	[tilespmem:v2+s7+$0x0] =	vst.idx.add.f32.msk $0xffff, v4  }
0x36a: {  	v4 =	vld.idx.msk [tilespmem:v1+s28+$0x0], $0xffff;
	_ =	sdelay $0x4  }
0x36b: {  	v4 =	vmul.f32 v4, v3;
	_ =	sdelay $0x1  }
0x36c: {  	[tilespmem:v2+s8+$0x0] =	vst.idx.add.f32.msk $0xffff, v4  }
0x36d: {  	v4 =	vld.idx.msk [tilespmem:v1+s24+$0x0], $0xffff;
	_ =	sdelay $0x4  }
0x36e: {  	v4 =	vmul.f32 v4, v3;
	_ =	sdelay $0x1  }
0x36f: {  	[tilespmem:v2+s9+$0x0] =	vst.idx.add.f32.msk $0xffff, v4  }
0x370: {  	v1 =	vld.idx.msk [tilespmem:v1+s25+$0x0], $0xffff;
	_ =	sdelay $0x4  }
0x371: {  	s14 =	sld [smem:$0x7FB];
	v1 =	vmul.f32 v1, v3;
	_ =	sdelay $0x1  }
0x372: {  	s18 =	sld [smem:$0x7FC];
	[tilespmem:v2+s10+$0x0] =	vst.idx.add.f32.msk $0xffff, v1  }
0x373: {  	[hbm4b:s14+s3] =	stream.linear.scatter [tilespmem:s7], [sflag:$0x6], $0x2710, $0x38;
	[tilespmem:$0x1E180] =	vst v63  }
0x374: {  	s19 =	sld [smem:$0x7FD]  }
0x375: {  	[hbm4b:s18+s3] =	stream.linear.scatter [tilespmem:s8], [sflag:$0x6], $0x2710, $0x38;
	[tilespmem:$0x1E180] =	vst v63  }
0x376: {  	_ = 	snop  }
0x377: {  	[hbm4b:s19+s3] =	stream.linear.scatter [tilespmem:s9], [sflag:$0x6], $0x2710, $0x38;
	[tilespmem:$0x1E180] =	vst v63  }
0x378: {  	_ = 	snop  }
0x379: {  	[hbm4b:s21+s3] =	stream.linear.scatter [tilespmem:s10], [sflag:$0x6], $0x2710, $0x38;
	[tilespmem:$0x1E180] =	vst v63  }
0x37a: {  	_ =	swait.ge [sflag:s11], $0x2710  }
0x37b: {  	s20 =	sld [smem:$0x7F9]  }
0x37c: {  	[sflag:s11] =	ssyncset.done $0x0  }
0x37d: {  	s14 =	simm.s32 $0x16540;
	[sflag:s11] =	ssyncadd.s32 $0xFFFFD8F0  }
0x37e: {  	[tilespmem:s26], [sflag:$0x2] =	stream.linear.gather [hbm4b:s20+s3], $0x2710, $0x38;
	[tilespmem:$0x1E180] =	vst v63  }
0x37f: {  	[tilespmem:s14+$0xFFFFFFC0] =	vst v0  }
0x380: {  	[tilespmem:s14+$0x30] =	vst v0  }
0x381: {  	[tilespmem:s14+$0x20] =	vst v0  }
0x382: {  	[tilespmem:s14+$0x10] =	vst v0  }
0x383: {  	[tilespmem:s14+$0x0] =	vst v0  }
0x384: {  	[tilespmem:s14+$0xFFFFFFF0] =	vst v0  }
0x385: {  	s15 =	simm.s32 $0x0;
	[tilespmem:s14+$0xFFFFFFE0] =	vst v0  }
.LBB2_18:
0x386: {  	s15 =	sadd.s32 $0x8, s15;
	[tilespmem:s14+$0xFFFFFFD0] =	vst v0;
	s14 =	sadd.s32 $0x80, s14  }
0x387: {  	[tilespmem:s14+$0xFFFFFFC0] =	vst v0;
	p1 =	slt.u32 s15, $0x268  }
0x388: {  	[tilespmem:s14+$0x30] =	vst v0  }
.Ltmp8:
0x389: {  	[tilespmem:s14+$0x20] =	vst v0;
	(pc) =	sbr.rel @p1 .LBB2_18-.Ltmp8, $4  }
0x38a: {  	[tilespmem:s14+$0x10] =	vst v0  }
0x38b: {  	[tilespmem:s14+$0x0] =	vst v0  }
0x38c: {  	[tilespmem:s14+$0xFFFFFFF0] =	vst v0  }
0x38d: {  	[tilespmem:s14+$0xFFFFFFE0] =	vst v0  }
0x38e: {  	[tilespmem:s14+$0xFFFFFFD0] =	vst v0  }
0x38f: {  	[tilespmem:$0x18C00] =	vst v0  }
0x390: {  	_ =	swait.ge [sflag:s2], $0x2710  }
0x391: {  	[sflag:s2] =	ssyncset.done $0x0  }
0x392: {  	s16 =	simm.s32 $0x40;
	[sflag:s2] =	ssyncadd.s32 $0xFFFFD8F0  }
0x393: {  	v1 =	vld [tilespmem:s16+$0x30]  }
0x394: {  	v2 =	vld [tilespmem:s16+$0xFFFFFFD0]  }
0x395: {  	v3 =	vld [tilespmem:s16+$0xFFFFFFE0]  }
0x396: {  	v4 =	vld [tilespmem:s16+$0xFFFFFFF0]  }
0x397: {  	v5 =	vld [tilespmem:s16+$0x0]  }
0x398: {  	s14 =	simm.s32 $0x1440;
	v6 =	vld [tilespmem:s16+$0x10]  }
0x399: {  	s15 =	simm.s32 $0x3C40;
	v7 =	vld [tilespmem:s14+$0x30]  }
0x39a: {  	v8 =	vld [tilespmem:s15+$0x30]  }
0x39b: {  	v9 =	vld [tilespmem:s16+$0x20]  }
0x39c: {  	v10 =	vld [tilespmem:s16+$0xFFFFFFC0]  }
0x39d: {  	v56 =	vld [tilespmem:s14+$0xFFFFFFD0]  }
0x39e: {  	v57 =	vld [tilespmem:s15+$0xFFFFFFD0]  }
0x39f: {  	v58 =	vld [tilespmem:s15+$0xFFFFFFE0]  }
0x3a0: {  	v11 =	vld [tilespmem:s15+$0xFFFFFFF0]  }
0x3a1: {  	v12 =	vld [tilespmem:s14+$0xFFFFFFE0]  }
0x3a2: {  	v13 =	vld [tilespmem:s15+$0x0]  }
0x3a3: {  	v14 =	vld [tilespmem:s15+$0x10]  }
0x3a4: {  	v59 =	vld [tilespmem:s14+$0xFFFFFFF0]  }
0x3a5: {  	v60 =	vld [tilespmem:s14+$0x0]  }
0x3a6: {  	v61 =	vld [tilespmem:s14+$0x20]  }
0x3a7: {  	v62 =	vld [tilespmem:s15+$0x20]  }
0x3a8: {  	v1 =	vld.idx.msk [tilespmem:v1+s26+$0x0], $0xffff  }
0x3a9: {  	v2 =	vld.idx.msk [tilespmem:v2+s26+$0x0], $0xffff  }
0x3aa: {  	v15 =	vld [tilespmem:s15+$0xFFFFFFC0]  }
0x3ab: {  	v3 =	vld.idx.msk [tilespmem:v3+s26+$0x0], $0xffff  }
0x3ac: {  	v4 =	vld.idx.msk [tilespmem:v4+s26+$0x0], $0xffff  }
0x3ad: {  	v5 =	vld.idx.msk [tilespmem:v5+s26+$0x0], $0xffff;
	v1 =	vmul.f32 v8, v1  }
0x3ae: {  	v55 =	vld.idx.msk [tilespmem:v9+s26+$0x0], $0xffff;
	v2 =	vmul.f32 v57, v2  }
0x3af: {  	[tilespmem:v7+s1+$0x0] =	vst.idx.add.f32.msk $0xffff, v1  }
0x3b0: {  	[tilespmem:v56+s1+$0x0] =	vst.idx.add.f32.msk $0xffff, v2  }
0x3b1: {  	v2 =	vmul.f32 v58, v3;
	v3 =	vld [tilespmem:s14+$0x10]  }
0x3b2: {  	v4 =	vmul.f32 v11, v4;
	v1 =	vld.idx.msk [tilespmem:v6+s26+$0x0], $0xffff  }
0x3b3: {  	v10 =	vld.idx.msk [tilespmem:v10+s26+$0x0], $0xffff;
	v5 =	vmul.f32 v13, v5  }
0x3b4: {  	v63 =	vmul.f32 v62, v55;
	[tilespmem:v59+s1+$0x0] =	vst.idx.add.f32.msk $0xffff, v4  }
0x3b5: {  	[tilespmem:v60+s1+$0x0] =	vst.idx.add.f32.msk $0xffff, v5  }
0x3b6: {  	[tilespmem:v61+s1+$0x0] =	vst.idx.add.f32.msk $0xffff, v63  }
0x3b7: {  	[tilespmem:v12+s1+$0x0] =	vst.idx.add.f32.msk $0xffff, v2;
	v1 =	vmul.f32 v14, v1  }
0x3b8: {  	v2 =	vld [tilespmem:s14+$0xFFFFFFC0]  }
0x3b9: {  	s17 =	simm.s32 $0xC0;
	s16 =	simm.s32 $0x0;
	[tilespmem:v3+s1+$0x0] =	vst.idx.add.f32.msk $0xffff, v1;
	v1 =	vmul.f32 v15, v10  }
.LBB2_20:
0x3ba: {  	v3 =	vld [tilespmem:s17+$0x30];
	s16 =	sadd.s32 $0x8, s16  }
0x3bb: {  	v4 =	vld [tilespmem:s17+$0xFFFFFFC0];
	p1 =	slt.u32 s16, $0x130  }
0x3bc: {  	v5 =	vld [tilespmem:s17+$0xFFFFFFD0]  }
0x3bd: {  	v6 =	vld [tilespmem:s17+$0xFFFFFFE0]  }
0x3be: {  	v7 =	vld [tilespmem:s17+$0xFFFFFFF0]  }
0x3bf: {  	v8 =	vld [tilespmem:s17+$0x0]  }
0x3c0: {  	s14 =	sadd.s32 $0x80, s14;
	v9 =	vld [tilespmem:s17+$0x10]  }
0x3c1: {  	v10 =	vld [tilespmem:s14+$0x30]  }
0x3c2: {  	s15 =	sadd.s32 $0x80, s15;
	v3 =	vld.idx.msk [tilespmem:v3+s26+$0x0], $0xffff  }
0x3c3: {  	v11 =	vld [tilespmem:s15+$0x30]  }
0x3c4: {  	v12 =	vld [tilespmem:s17+$0x20]  }
0x3c5: {  	v4 =	vld.idx.msk [tilespmem:v4+s26+$0x0], $0xffff  }
0x3c6: {  	v5 =	vld.idx.msk [tilespmem:v5+s26+$0x0], $0xffff  }
0x3c7: {  	v6 =	vld.idx.msk [tilespmem:v6+s26+$0x0], $0xffff  }
0x3c8: {  	v7 =	vld.idx.msk [tilespmem:v7+s26+$0x0], $0xffff;
	v3 =	vmul.f32 v11, v3  }
0x3c9: {  	v8 =	vld.idx.msk [tilespmem:v8+s26+$0x0], $0xffff  }
0x3ca: {  	[tilespmem:v10+s1+$0x0] =	vst.idx.add.f32.msk $0xffff, v3  }
0x3cb: {  	v3 =	vld.idx.msk [tilespmem:v9+s26+$0x0], $0xffff  }
0x3cc: {  	v9 =	vld.idx.msk [tilespmem:v12+s26+$0x0], $0xffff  }
0x3cd: {  	v10 =	vld [tilespmem:s15+$0xFFFFFFC0]  }
0x3ce: {  	v11 =	vld [tilespmem:s15+$0xFFFFFFD0]  }
0x3cf: {  	v12 =	vld [tilespmem:s15+$0xFFFFFFE0]  }
0x3d0: {  	v13 =	vld [tilespmem:s15+$0xFFFFFFF0]  }
0x3d1: {  	v14 =	vld [tilespmem:s15+$0x0]  }
0x3d2: {  	v4 =	vmul.f32 v10, v4;
	v10 =	vld [tilespmem:s15+$0x10]  }
0x3d3: {  	v5 =	vmul.f32 v11, v5;
	v11 =	vld [tilespmem:s15+$0x20]  }
0x3d4: {  	v15 =	vld [tilespmem:s14+$0xFFFFFFD0];
	v6 =	vmul.f32 v12, v6  }
0x3d5: {  	v12 =	vld [tilespmem:s14+$0xFFFFFFE0];
	v7 =	vmul.f32 v13, v7  }
0x3d6: {  	v13 =	vld [tilespmem:s14+$0xFFFFFFF0];
	v8 =	vmul.f32 v14, v8  }
0x3d7: {  	v14 =	vld [tilespmem:s14+$0x0];
	v3 =	vmul.f32 v10, v3  }
0x3d8: {  	v10 =	vld [tilespmem:s14+$0x10];
	v9 =	vmul.f32 v11, v9  }
0x3d9: {  	v11 =	vld [tilespmem:s14+$0x20]  }
0x3da: {  	v16 =	vld [tilespmem:s14+$0xFFFFFFC0]  }
0x3db: {  	[tilespmem:v2+s1+$0x0] =	vst.idx.add.f32.msk $0xffff, v1;
	v1 =	vmov v4  }
0x3dc: {  	[tilespmem:v15+s1+$0x0] =	vst.idx.add.f32.msk $0xffff, v5  }
.Ltmp9:
0x3dd: {  	[tilespmem:v12+s1+$0x0] =	vst.idx.add.f32.msk $0xffff, v6;
	(pc) =	sbr.rel @p1 .LBB2_20-.Ltmp9, $4  }
0x3de: {  	[tilespmem:v13+s1+$0x0] =	vst.idx.add.f32.msk $0xffff, v7  }
0x3df: {  	[tilespmem:v14+s1+$0x0] =	vst.idx.add.f32.msk $0xffff, v8;
	v2 =	vmov v16  }
0x3e0: {  	[tilespmem:v10+s1+$0x0] =	vst.idx.add.f32.msk $0xffff, v3  }
0x3e1: {  	s17 =	sadd.s32 $0x80, s17;
	[tilespmem:v11+s1+$0x0] =	vst.idx.add.f32.msk $0xffff, v9  }
0x3e2: {  	_ =	sdelay $0x3  }
0x3e3: {  	[tilespmem:v2+s1+$0x0] =	vst.idx.add.f32.msk $0xffff, v1  }
0x3e4: {  	v1 =	vld [tilespmem:$0x1380];
	_ =	sdelay $0x5  }
0x3e5: {  	v2 =	vld [tilespmem:$0x2780]  }
0x3e6: {  	v3 =	vld [tilespmem:$0x4F80]  }
0x3e7: {  	v1 =	vld.idx.msk [tilespmem:v1+s26+$0x0], $0xffff;
	_ =	sdelay $0x4  }
0x3e8: {  	v1 =	vmul.f32 v3, v1;
	_ =	sdelay $0x1  }
0x3e9: {  	[tilespmem:v2+s1+$0x0] =	vst.idx.add.f32.msk $0xffff, v1  }
0x3ea: {  	[hbm4b:s22+s3] =	stream.linear.scatter [tilespmem:s1], [sflag:$0x9], $0x2710, $0x38;
	[tilespmem:$0x1E180] =	vst v63  }
0x3eb: {  	_ =	swait.ge [sflag:s30], $0x2710  }
0x3ec: {  	[sflag:s30] =	ssyncset.done $0x0  }
0x3ed: {  	[sflag:s30] =	ssyncadd.s32 $0xFFFFD8F0  }
0x3ee: {  	_ =	swait.ge [sflag:s12], $0x2710  }
0x3ef: {  	[sflag:s12] =	ssyncset.done $0x0  }
0x3f0: {  	[sflag:s12] =	ssyncadd.s32 $0xFFFFD8F0  }
0x3f1: {  	_ =	swait.ge [sflag:s12], $0x2710  }
0x3f2: {  	[sflag:s12] =	ssyncset.done $0x0  }
0x3f3: {  	[sflag:s12] =	ssyncadd.s32 $0xFFFFD8F0  }
0x3f4: {  	_ =	swait.ge [sflag:s12], $0x2710  }
0x3f5: {  	[sflag:s12] =	ssyncset.done $0x0  }
0x3f6: {  	s13 =	sadd.s32 $0x1, s13;
	[sflag:s12] =	ssyncadd.s32 $0xFFFFD8F0  }
0x3f7: {  	p1 =	sne.s32 s13, s23;
	_ =	swait.ge [sflag:s12], $0x2710  }
.Ltmp10:
0x3f8: {  	[sflag:s12] =	ssyncset.done $0x0;
	(pc) =	sbr.rel @p1 .LBB2_1-.Ltmp10, $4  }
0x3f9: {  	[sflag:s12] =	ssyncadd.s32 $0xFFFFD8F0  }
0x3fa: {  	_ =	swait.ge [sflag:s0], $0x1390  }
0x3fb: {  	[sflag:s0] =	ssyncset.done $0x0  }
0x3fc: {  	[sflag:s0] =	ssyncadd.s32 $0xFFFFEC70  }
0x3fd: {  	_ =	sfence.sel $0x180000  }
0x3fe: {  	[bflag:$0x0] =	sbarrier.arrive $0xFFFF  }
0x3ff: {  	_ =	strace $0x9000004A  }
0x400: {  	s0 =	stileid.u32;
	[bflag:$0x2] =	sbarrier.arrive $0xFFFF  }
0x401: {  	p0 =	sne.s32 s0, $0x0;
	s0 =	rddreg [dreg:$0x3]  }
0x402: {  	s0 =	sadd.s32 @!p0 $0x100000, s0  }
0x403: {  	[sflag:s0] =	ssyncadd.tile.s32 @!p0 $0x1;
	_ =	shalt  }
.Lfunc_end2:
_tile_overlayer_lowered:
.L_overlay_start_2:
0x404: {  	(tag) =	ssettag $0x2  }
0x405: {  	s0 =	rddreg [dreg:$0x0];
	s2 =	stileid.u32  }
0x406: {  	s1 =	rddreg [dreg:$0x1];
	p0 =	sne.s32 s2, $0x0  }
0x407: {  	s3 =	rddreg [dreg:$0x2];
	[bflag:$0x3] =	sbarrier.arrive $0xFFFF;
	s2 =	simm.s32 @!p0 $0x1C09  }
0x408: {  	[timem:s3], [sflag:s2] =	dma.local @!p0 [hbm:s0], s1  }
0x409: {  	s0 =	simm.s32 @!p0 $0x9  }
0x40a: {  	_ =	swait.ge @!p0 [sflag:s0], s1  }
0x40b: {  	s1 =	ssub.s32 @!p0 $0x0, s1;
	[sflag:s0] =	ssyncset.done @!p0 $0x0  }
0x40c: {  	[sflag:s0] =	ssyncadd.s32 @!p0 s1  }
0x40d: {  	[bflag:$0x3] =	sbarrier.arrive $0xFFFF  }
0x40e: {  	_ =	shalt  }

// kernel: kernel.13.cloned.1.call-start
scs
__scs_entry_jumppad:
0x0: {  	(pc) =	sbr.rel $0x88, $3  }
0x1: {  	(tag) =	ssettag $0x0;
	lr =	simm.s32 $0x1  }
0x2: {  	[smem:$0x3F97] =	sst lr;
	_ =	strace $0xD0000000  }
0x3: {  	_ = 	snop  }
0x4: {  	_ = 	snop  }
0x5: {  	_ = 	snop  }
0x6: {  	_ = 	snop  }
0x7: {  	_ = 	snop  }
__scs_overlays_trampoline_lowered:
0x8: {  	[smem:$0x3FA6] =	sst s0  }
0x9: {  	[smem:$0x3FA7] =	sst s1  }
0xa: {  	[smem:$0x3FA8] =	sst s2  }
0xb: {  	[smem:$0x3FA9] =	sst s3  }
0xc: {  	[smem:$0x3FAA] =	sst s4  }
0xd: {  	[smem:$0x3FAB] =	sst s5  }
0xe: {  	[smem:$0x3FAC] =	sst s6  }
0xf: {  	[smem:$0x3FAD] =	sst s7  }
0x10: {  	[smem:$0x3FAE] =	sst s8  }
0x11: {  	[smem:$0x3FAF] =	sst s9;
	s0 =	simm.s32 @!p0 $0x0  }
0x12: {  	s1 =	sld [smem:$0x3F95];
	s0 =	simm.s32 @p0 $0x1  }
0x13: {  	[smem:$0x3FB0] =	sst s0;
	s0 =	simm.s32 @!p1 $0x0  }
0x14: {  	s2 =	sld [smem:$0x3F94];
	s0 =	simm.s32 @p1 $0x1  }
0x15: {  	[smem:$0x3FB1] =	sst s0;
	s0 =	simm.s32 @!p2 $0x0  }
0x16: {  	s3 =	sld [smem:$0x3FDB];
	s0 =	simm.s32 @p2 $0x1  }
0x17: {  	s4 =	simm.s32 $0x1BF5;
	[smem:$0x3FB3] =	sst s0  }
0x18: {  	s0 =	sld [smem:$0x3F96];
	_ =	swait.ge [sflag:s4], $0x0  }
0x19: {  	s7 =	sld [smem:$0x3F97]  }
0x1a: {  	s8 =	sadd.s32 $0xFFFFE003, lr  }
0x1b: {  	s9 =	sadd.s32 $0xFFFFFEF7, lr;
	s5 =	simm.s32 $0xFFFFFFFF;
	p2 =	slt.u32 s8, $0xFFFFF086  }
0x1c: {  	p1 =	slt.u32 s9, $0xF7A;
	s5 =	simm.s32 @!p2 $0x0  }
0x1d: {  	s5 =	simm.s32 @p1 $0x1;
	p0 =	seq.s32 s7, s2  }
0x1e: {  	s7 =	smul.u32 @!p0 $0xF7A, s2;
	p2 =	seq.s32 @!p0 s5, $0x0  }
0x1f: {  	s9 =	smul.u32 $0xF7A, s1;
	s8 =	simm.s32 @!p0 $0x1BF5;
	p2 =	por !p2, p0  }
0x20: {  	[sflag:s8] =	ssyncset.s32 @!p0 $0xFFFFF086;
	s6 =	sadd.s32 @!p0 s3, s7;
	s7 =	simm.s32 @!p0 $0x108  }
0x21: {  	s3 =	sadd.s32 s3, s9;
	s6 =	sadd.s32 @!p0 $0x88, s6;
	s7 =	simm.s32 @p2 $0x1082  }
0x22: {  	[simem:s7], [sflag:s8] =	dma.local @!p0 [hbm:s6], $0xF7A  }
0x23: {  	s9 =	sor.u32 $0xD0000000, s2;
	s6 =	simm.s32 $0x108;
	_ =	swait.ge @!p0 [sflag:s8], $0x0  }
0x24: {  	s3 =	sadd.s32 $0x88, s3;
	s6 =	simm.s32 @!p1 $0x1082;
	[sflag:s4] =	ssyncset.s32 $0xFFFFF086  }
0x25: {  	[simem:s6], [sflag:s4] =	dma.local [hbm:s3], $0xF7A  }
0x26: {  	[smem:$0x3F97] =	sst s1;
	(tag) =	ssettag s2;
	_ =	strace s9  }
0x27: {  	s1 =	sld [smem:$0x3FA7]  }
0x28: {  	s2 =	sld [smem:$0x3FA8]  }
0x29: {  	s4 =	sld [smem:$0x3FAA]  }
0x2a: {  	p0 =	seq.s32 s5, $0x0;
	s5 =	sld [smem:$0x3FAB]  }
0x2b: {  	s6 =	sld [smem:$0x3FAC]  }
0x2c: {  	s7 =	sld [smem:$0x3FAD]  }
0x2d: {  	s3 =	simm.s32 $0x108;
	s8 =	sld [smem:$0x3FAE]  }
0x2e: {  	s3 =	simm.s32 @!p0 $0x1082;
	s9 =	sld [smem:$0x3FAF]  }
0x2f: {  	lr =	sadd.s32 s0, s3;
	s0 =	sld [smem:$0x3FA6]  }
0x30: {  	s3 =	sld [smem:$0x3FA9]  }
0x31: {  	[smem:$0x3FB2] =	sst s10  }
0x32: {  	s10 =	sld [smem:$0x3FB0];
	_ =	sdelay $0x3  }
0x33: {  	p0 =	seq.s32 s10, $0x1;
	s10 =	sld [smem:$0x3FB2];
	_ =	sdelay $0x3  }
0x34: {  	[smem:$0x3FB2] =	sst s10  }
0x35: {  	s10 =	sld [smem:$0x3FB1];
	_ =	sdelay $0x3  }
0x36: {  	p1 =	seq.s32 s10, $0x1;
	s10 =	sld [smem:$0x3FB2];
	_ =	sdelay $0x3  }
0x37: {  	[smem:$0x3FB2] =	sst s10  }
0x38: {  	s10 =	sld [smem:$0x3FB3]  }
0x39: {  	_ = 	snop;
	(pc) =	sbr.ind lr, $3  }
0x3a: {  	_ = 	snop  }
0x3b: {  	_ = 	snop  }
0x3c: {  	p2 =	seq.s32 s10, $0x1;
	s10 =	sld [smem:$0x3FB2]  }
0x3d: {  	_ =	shalt  }
0x3e: {  	_ =	shalt  }
0x3f: {  	_ =	shalt  }
0x40: {  	_ =	shalt  }
0x41: {  	_ =	shalt  }
0x42: {  	_ =	shalt  }
0x43: {  	_ =	shalt  }
0x44: {  	_ =	shalt  }
0x45: {  	_ =	shalt  }
0x46: {  	_ =	shalt  }
0x47: {  	_ =	shalt  }
0x48: {  	_ =	shalt  }
0x49: {  	_ =	shalt  }
0x4a: {  	_ =	shalt  }
0x4b: {  	_ =	shalt  }
0x4c: {  	_ =	shalt  }
0x4d: {  	_ =	shalt  }
0x4e: {  	_ =	shalt  }
0x4f: {  	_ =	shalt  }
0x50: {  	_ =	shalt  }
0x51: {  	_ =	shalt  }
0x52: {  	_ =	shalt  }
0x53: {  	_ =	shalt  }
0x54: {  	_ =	shalt  }
0x55: {  	_ =	shalt  }
0x56: {  	_ =	shalt  }
0x57: {  	_ =	shalt  }
0x58: {  	_ =	shalt  }
0x59: {  	_ =	shalt  }
0x5a: {  	_ =	shalt  }
0x5b: {  	_ =	shalt  }
0x5c: {  	_ =	shalt  }
0x5d: {  	_ =	shalt  }
0x5e: {  	_ =	shalt  }
0x5f: {  	_ =	shalt  }
0x60: {  	_ =	shalt  }
0x61: {  	_ =	shalt  }
0x62: {  	_ =	shalt  }
0x63: {  	_ =	shalt  }
0x64: {  	_ =	shalt  }
0x65: {  	_ =	shalt  }
0x66: {  	_ =	shalt  }
0x67: {  	_ =	shalt  }
0x68: {  	_ =	shalt  }
0x69: {  	_ =	shalt  }
0x6a: {  	_ =	shalt  }
0x6b: {  	_ =	shalt  }
0x6c: {  	_ =	shalt  }
0x6d: {  	_ =	shalt  }
0x6e: {  	_ =	shalt  }
0x6f: {  	_ =	shalt  }
0x70: {  	_ =	shalt  }
0x71: {  	_ =	shalt  }
0x72: {  	_ =	shalt  }
0x73: {  	_ =	shalt  }
0x74: {  	_ =	shalt  }
0x75: {  	_ =	shalt  }
0x76: {  	_ =	shalt  }
0x77: {  	_ =	shalt  }
0x78: {  	_ =	shalt  }
0x79: {  	_ =	shalt  }
0x7a: {  	_ =	shalt  }
0x7b: {  	_ =	shalt  }
0x7c: {  	_ =	shalt  }
0x7d: {  	_ =	shalt  }
0x7e: {  	_ =	shalt  }
0x7f: {  	_ =	shalt  }
0x80: {  	_ =	shalt  }
0x81: {  	_ =	shalt  }
0x82: {  	_ =	shalt  }
0x83: {  	_ =	shalt  }
0x84: {  	_ =	shalt  }
0x85: {  	_ =	shalt  }
0x86: {  	_ =	shalt  }
0x87: {  	_ =	shalt  }
.Lfunc_end0:
.L_simem_size_0:
called_computation.2_lowered:
.L_overlay_start_0:
0x88: {  	s2 =	sld [smem:$0x3FD9]  }
0x89: {  	s3 =	sld [smem:$0x3FFE];
	_ =	sdelay $0x1  }
0x8a: {  	s1 =	srdreg.scid  }
0x8b: {  	s0 =	sand.u32 $0x1, s1  }
0x8c: {  	s17 =	sshll.u32 s0, $0xA;
	s2 =	sadd.s32 s3, s2  }
0x8d: {  	s2 =	sadd.s32 s2, s17  }
0x8e: {  	[smem:$0x3FBE] =	sst s2  }
0x8f: {  	_ = 	snop  }
0x90: {  	s2 =	sld [smem:$0x3FD0];
	(tm) =	ssettm $0x1  }
0x91: {  	s18 =	sld [smem:$0x3FFB];
	_ =	sdelay $0x3  }
0x92: {  	_ =	strace s18  }
0x93: {  	s3 =	sld [smem:$0x3FFC];
	_ =	sdelay $0x3  }
0x94: {  	_ =	strace s3  }
0x95: {  	s3 =	sld [smem:$0x3FFD];
	_ =	sdelay $0x3  }
0x96: {  	_ =	strace s3  }
0x97: {  	_ =	strace $0x8FFFFFFF  }
0x98: {  	s19 =	sld [smem:$0x3FDB];
	_ =	sdelay $0x1  }
0x99: {  	s4 =	simm.s32 $_scs_section_size  }
0x9a: {  	s5 =	simm.s32 $_size__tile_overlayer_lowered;
	s6 =	simm.s32 $_tile_overlayer_lowered  }
0x9b: {  	s22 =	simm.s32 $0x1BFF;
	s21 =	sshll.u32 s6, $0x1;
	s3 =	sadd.s32 s4, s19  }
0x9c: {  	s7 =	simm.s32 $0x0;
	s20 =	sshll.u32 s5, $0x1;
	s5 =	sadd.s32 s21, s3  }
0x9d: {  	[timem:s7], [sflag:s22] =	dma.local [hbm:s5], s20  }
0x9e: {  	_ =	swait.ge [sflag:s22], s20  }
0x9f: {  	s4 =	ssub.s32 $0x0, s20;
	[sflag:s22] =	ssyncset.done $0x0  }
0xa0: {  	[sflag:s22] =	ssyncadd.s32 s4;
	_ =	sdelay $0x1  }
0xa1: {  	s23 =	simm.s32 $0x1B8B  }
0xa2: {  	_ =	swait.ge [sflag:s23], $0x1  }
0xa3: {  	[sflag:s23] =	ssyncset.done $0x0  }
0xa4: {  	s25 =	simm.s32 $0x1B8E;
	s24 =	sld [smem:$0x3FFE];
	[sflag:s23] =	ssyncadd.s32 $0xFFFFFFFF  }
0xa5: {  	s26 =	simm.s32 $execute0_lowered;
	[smem:$0x3FD2] =	sst s25  }
0xa6: {  	s5 =	sshll.u32 s26, $0x1;
	_ =	strace $0x8000004C;
	[dreg:$0x1] =	wrdreg $0xFFFFFFFF  }
0xa7: {  	s28 =	simm.s32 $_size_execute0_lowered;
	s3 =	sadd.s32 s3, s5;
	[dreg:$0x0] =	wrdreg $0x0  }
0xa8: {  	s5 =	sshll.u32 s28, $0x1;
	[dreg:$0x2] =	wrdreg s3  }
0xa9: {  	[dreg:$0x3] =	wrdreg s5  }
0xaa: {  	[dreg:$0x4] =	wrdreg $0xC0  }
0xab: {  	_ =	task [dreg:s7], $0x5FFFF  }
0xac: {  	[dreg:$0x1] =	wrdreg $0xFFFFFFFF  }
0xad: {  	[dreg:$0x0] =	wrdreg $0x60  }
0xae: {  	[dreg:$0x2] =	wrdreg s24  }
0xaf: {  	[dreg:$0x3] =	wrdreg s2  }
0xb0: {  	[dreg:$0x4] =	wrdreg $0x9  }
0xb1: {  	_ =	task.clear_ibuf [dreg:s7], $0x5FFFF;
	_ =	strace $0x9000004C  }
0xb2: {  	s29 =	simm.s32 $0x9;
	_ =	strace $0x8000004E  }
0xb3: {  	_ =	swait.ge [sflag:s29], $0x1  }
0xb4: {  	[sflag:s29] =	ssyncadd.s32 $0xFFFFFFFF  }
0xb5: {  	_ =	strace $0x9000004E  }
0xb6: {  	_ =	sfence  }
0xb7: {  	s30 =	sld [smem:$0x0];
	_ =	sdelay $0x2  }
0xb8: {  	s31 =	sshll.u32 s1, $0xD;
	s1 =	sshrl.u32 s1, $0x2  }
0xb9: {  	s3 =	sand.u32 $0x4000, s31;
	s1 =	sadd.s32 s1, s30  }
0xba: {  	s0 =	sor.u32 s3, s0;
	s1 =	sshll.u32 s1, $0x11  }
0xbb: {  	s0 =	sor.u32 s1, s0  }
0xbc: {  	s0 =	sadd.s32 $0x8F2B, s0  }
0xbd: {  	[sflag:s0] =	ssyncadd.remote.s32 $0x1  }
0xbe: {  	_ =	sfence.sel $0xFFFF  }
0xbf: {  	[dreg:$0x0] =	wrdreg $0xFFFFFFFF;
	(pc) =	sbr.abs _section_cstart, $3  }
0xc0: {  	[dreg:$0x1] =	wrdreg $0xFFFFFFFF  }
0xc1: {  	_ =	task.clear_ibuf [dreg:s7], $0x2FFFF;
	_ =	strace $0x9FFFFFFF  }
0xc2: {  	(tm) =	ssettm $0x7FFFFFFF  }
0xc3: {  	_ =	shalt  }
tec
execute0_lowered:
.L_overlay_start_1:
0x0: {  	(tag) =	ssettag $0x1  }
0x1: {  	s1 =	srdreg.scid  }
0x2: {  	s0 =	stileid.u32;
	s4 =	rddreg [dreg:$0x0]  }
0x3: {  	s2 =	rddreg [dreg:$0x1];
	s3 =	simm.s32 $0x0;
	s10 =	simm.s32 $0x2800  }
0x4: {  	s11 =	simm.s32 $0x3C00;
	s5 =	sand.u32 $0x1, s1;
	s31 =	sshll.u32 s0, $0x1  }
0x5: {  	s12 =	simm.s32 $0x1;
	s13 =	simm.s32 $0x6380;
	s6 =	sor.u32 s5, s31  }
0x6: {  	s14 =	simm.s32 $0x2;
	s15 =	simm.s32 $0x0;
	s7 =	smul.u32 $0x272, s6  }
0x7: {  	[smem:$0x7FF] =	sst s3;
	s5 =	ssub.s32 $0x2, s5;
	s6 =	smul.u32 $0x4E2, s6  }
0x8: {  	s1 =	rddreg [dreg:$0x2];
	_ =	strace $0x8000004D;
	s8 =	sshrl.u32 s5, $0x1  }
0x9: {  	s8 =	ssub.s32 s5, s8;
	s7 =	sadd.s32 s7, s4;
	s9 =	sadd.s32 s6, s4  }
0xa: {  	s8 =	smax.u32 s8, $0x1;
	s4 =	sadd.s32 $0x15E00, s7;
	s5 =	sadd.s32 $0x1E00, s7  }
0xb: {  	v0 =	vimm.f32 $0.0e+00;
	s6 =	sadd.s32 $0x57200, s7;
	s7 =	sadd.s32 $0x6E00, s9;
	s9 =	simm.s32 $0x1400  }
.LBB2_1:
0xc: {  	[tilespmem:s3], [sflag:$0x1] =	stream.linear.gather [hbm4b:s4+s3], $0x1390, $0x38;
	[tilespmem:$0x8B00] =	vst v63  }
0xd: {  	_ = 	snop  }
0xe: {  	[tilespmem:s9], [sflag:$0x1] =	stream.linear.gather [hbm4b:s5+s3], $0x1390, $0x38;
	[tilespmem:$0x8B00] =	vst v63  }
0xf: {  	_ = 	snop  }
0x10: {  	[tilespmem:s10], [sflag:$0x1] =	stream.linear.gather [hbm4b:s6+s3], $0x1390, $0x38;
	[tilespmem:$0x8B00] =	vst v63  }
0x11: {  	s16 =	simm.s32 $0x63C0  }
0x12: {  	[tilespmem:s11], [sflag:$0x1] =	stream.linear.gather [hbm4b:s2+s3], $0x2780, $0x38;
	[tilespmem:$0x8B00] =	vst v63  }
0x13: {  	[tilespmem:s16+$0xFFFFFFC0] =	vst v0  }
0x14: {  	[tilespmem:s16+$0x30] =	vst v0  }
0x15: {  	[tilespmem:s16+$0x20] =	vst v0  }
0x16: {  	[tilespmem:s16+$0x10] =	vst v0  }
0x17: {  	[tilespmem:s16+$0x0] =	vst v0  }
0x18: {  	[tilespmem:s16+$0xFFFFFFF0] =	vst v0  }
0x19: {  	s17 =	simm.s32 $0x0;
	[tilespmem:s16+$0xFFFFFFE0] =	vst v0  }
.LBB2_2:
0x1a: {  	s17 =	sadd.s32 $0x8, s17;
	[tilespmem:s16+$0xFFFFFFD0] =	vst v0;
	s16 =	sadd.s32 $0x80, s16  }
0x1b: {  	[tilespmem:s16+$0xFFFFFFC0] =	vst v0;
	p0 =	slt.u32 s17, $0x268  }
0x1c: {  	[tilespmem:s16+$0x30] =	vst v0  }
.Ltmp0:
0x1d: {  	[tilespmem:s16+$0x20] =	vst v0;
	(pc) =	sbr.rel @p0 .LBB2_2-.Ltmp0, $4  }
0x1e: {  	[tilespmem:s16+$0x10] =	vst v0  }
0x1f: {  	[tilespmem:s16+$0x0] =	vst v0  }
0x20: {  	[tilespmem:s16+$0xFFFFFFF0] =	vst v0  }
0x21: {  	[tilespmem:s16+$0xFFFFFFE0] =	vst v0  }
0x22: {  	[tilespmem:s16+$0xFFFFFFD0] =	vst v0  }
0x23: {  	[tilespmem:$0x8A80] =	vst v0  }
0x24: {  	_ =	swait.ge [sflag:s12], $0x1390  }
0x25: {  	[sflag:s12] =	ssyncset.done $0x0  }
0x26: {  	[sflag:s12] =	ssyncadd.s32 $0xFFFFEC70  }
0x27: {  	_ =	swait.ge [sflag:s12], $0x1390  }
0x28: {  	[sflag:s12] =	ssyncset.done $0x0  }
0x29: {  	[sflag:s12] =	ssyncadd.s32 $0xFFFFEC70  }
0x2a: {  	_ =	swait.ge [sflag:s12], $0x1390  }
0x2b: {  	[sflag:s12] =	ssyncset.done $0x0  }
0x2c: {  	[sflag:s12] =	ssyncadd.s32 $0xFFFFEC70  }
0x2d: {  	_ =	swait.ge [sflag:s12], $0x2780  }
0x2e: {  	[sflag:s12] =	ssyncset.done $0x0  }
0x2f: {  	s18 =	simm.s32 $0x40;
	[sflag:s12] =	ssyncadd.s32 $0xFFFFD880  }
0x30: {  	v1 =	vld [tilespmem:s18+$0x30]  }
0x31: {  	v2 =	vld [tilespmem:s18+$0xFFFFFFD0]  }
0x32: {  	v3 =	vld [tilespmem:s18+$0xFFFFFFE0]  }
0x33: {  	v4 =	vld [tilespmem:s18+$0xFFFFFFF0]  }
0x34: {  	v5 =	vld [tilespmem:s18+$0x0]  }
0x35: {  	s16 =	simm.s32 $0x1440;
	v6 =	vld [tilespmem:s18+$0x10]  }
0x36: {  	s17 =	simm.s32 $0x2840;
	v7 =	vld [tilespmem:s16+$0x30]  }
0x37: {  	v8 =	vld [tilespmem:s17+$0x30]  }
0x38: {  	v9 =	vld [tilespmem:s18+$0xFFFFFFC0]  }
0x39: {  	v10 =	vld [tilespmem:s18+$0x20]  }
0x3a: {  	v57 =	vld [tilespmem:s16+$0xFFFFFFC0]  }
0x3b: {  	v58 =	vld [tilespmem:s17+$0xFFFFFFC0]  }
0x3c: {  	v59 =	vld [tilespmem:s17+$0xFFFFFFD0]  }
0x3d: {  	v11 =	vld [tilespmem:s17+$0xFFFFFFE0]  }
0x3e: {  	v1 =	vld.idx.msk [tilespmem:v1+s11+$0x0], $0xffff  }
0x3f: {  	v12 =	vld [tilespmem:s16+$0xFFFFFFD0]  }
0x40: {  	v13 =	vld [tilespmem:s17+$0xFFFFFFF0]  }
0x41: {  	v14 =	vld [tilespmem:s17+$0x0]  }
0x42: {  	v60 =	vld [tilespmem:s16+$0xFFFFFFE0]  }
0x43: {  	v61 =	vld [tilespmem:s16+$0x0];
	v1 =	vmul.f32 v8, v1  }
0x44: {  	v62 =	vld [tilespmem:s16+$0x10]  }
0x45: {  	[tilespmem:v7+s13+$0x0] =	vst.idx.add.f32.msk $0xffff, v1  }
0x46: {  	v1 =	vld.idx.msk [tilespmem:v9+s11+$0x0], $0xffff  }
0x47: {  	v63 =	vld [tilespmem:s17+$0x10]  }
0x48: {  	v15 =	vld [tilespmem:s17+$0x20]  }
0x49: {  	v2 =	vld.idx.msk [tilespmem:v2+s11+$0x0], $0xffff  }
0x4a: {  	v3 =	vld.idx.msk [tilespmem:v3+s11+$0x0], $0xffff  }
0x4b: {  	v5 =	vld.idx.msk [tilespmem:v5+s11+$0x0], $0xffff;
	v1 =	vmul.f32 v58, v1  }
0x4c: {  	v6 =	vld.idx.msk [tilespmem:v6+s11+$0x0], $0xffff  }
0x4d: {  	[tilespmem:v57+s13+$0x0] =	vst.idx.add.f32.msk $0xffff, v1  }
0x4e: {  	v1 =	vld [tilespmem:s16+$0xFFFFFFF0]  }
0x4f: {  	v4 =	vld.idx.msk [tilespmem:v4+s11+$0x0], $0xffff;
	v2 =	vmul.f32 v59, v2  }
0x50: {  	v10 =	vld.idx.msk [tilespmem:v10+s11+$0x0], $0xffff  }
0x51: {  	v3 =	vmul.f32 v11, v3;
	[tilespmem:v12+s13+$0x0] =	vst.idx.add.f32.msk $0xffff, v2  }
0x52: {  	v5 =	vmul.f32 v14, v5;
	v2 =	vld [tilespmem:s16+$0x20]  }
0x53: {  	[tilespmem:v60+s13+$0x0] =	vst.idx.add.f32.msk $0xffff, v3;
	v3 =	vmul.f32 v63, v6  }
0x54: {  	v4 =	vmul.f32 v13, v4;
	[tilespmem:v61+s13+$0x0] =	vst.idx.add.f32.msk $0xffff, v5  }
0x55: {  	[tilespmem:v62+s13+$0x0] =	vst.idx.add.f32.msk $0xffff, v3  }
0x56: {  	s19 =	simm.s32 $0xC0;
	s18 =	simm.s32 $0x0;
	[tilespmem:v1+s13+$0x0] =	vst.idx.add.f32.msk $0xffff, v4;
	v1 =	vmul.f32 v15, v10  }
.LBB2_4:
0x57: {  	v3 =	vld [tilespmem:s19+$0x30];
	s18 =	sadd.s32 $0x8, s18  }
0x58: {  	v4 =	vld [tilespmem:s19+$0xFFFFFFD0];
	p0 =	slt.u32 s18, $0x130  }
0x59: {  	v5 =	vld [tilespmem:s19+$0xFFFFFFE0]  }
0x5a: {  	v6 =	vld [tilespmem:s19+$0xFFFFFFF0]  }
0x5b: {  	v7 =	vld [tilespmem:s19+$0x0]  }
0x5c: {  	v8 =	vld [tilespmem:s19+$0x10]  }
0x5d: {  	s16 =	sadd.s32 $0x80, s16;
	v9 =	vld [tilespmem:s19+$0x20]  }
0x5e: {  	v10 =	vld [tilespmem:s16+$0x30]  }
0x5f: {  	s17 =	sadd.s32 $0x80, s17;
	v3 =	vld.idx.msk [tilespmem:v3+s11+$0x0], $0xffff  }
0x60: {  	v11 =	vld [tilespmem:s17+$0x30]  }
0x61: {  	v12 =	vld [tilespmem:s19+$0xFFFFFFC0]  }
0x62: {  	v4 =	vld.idx.msk [tilespmem:v4+s11+$0x0], $0xffff  }
0x63: {  	v5 =	vld.idx.msk [tilespmem:v5+s11+$0x0], $0xffff  }
0x64: {  	v6 =	vld.idx.msk [tilespmem:v6+s11+$0x0], $0xffff  }
0x65: {  	v7 =	vld.idx.msk [tilespmem:v7+s11+$0x0], $0xffff;
	v3 =	vmul.f32 v11, v3  }
0x66: {  	v8 =	vld.idx.msk [tilespmem:v8+s11+$0x0], $0xffff  }
0x67: {  	[tilespmem:v10+s13+$0x0] =	vst.idx.add.f32.msk $0xffff, v3  }
0x68: {  	v3 =	vld.idx.msk [tilespmem:v9+s11+$0x0], $0xffff  }
0x69: {  	v9 =	vld.idx.msk [tilespmem:v12+s11+$0x0], $0xffff  }
0x6a: {  	v10 =	vld [tilespmem:s17+$0xFFFFFFC0]  }
0x6b: {  	v11 =	vld [tilespmem:s17+$0xFFFFFFD0]  }
0x6c: {  	v12 =	vld [tilespmem:s17+$0xFFFFFFE0]  }
0x6d: {  	v13 =	vld [tilespmem:s17+$0xFFFFFFF0]  }
0x6e: {  	v14 =	vld [tilespmem:s17+$0x0]  }
0x6f: {  	v9 =	vmul.f32 v10, v9;
	v10 =	vld [tilespmem:s17+$0x10]  }
0x70: {  	v4 =	vmul.f32 v11, v4;
	v11 =	vld [tilespmem:s17+$0x20]  }
0x71: {  	v15 =	vld [tilespmem:s16+$0xFFFFFFC0];
	v5 =	vmul.f32 v12, v5  }
0x72: {  	v12 =	vld [tilespmem:s16+$0xFFFFFFD0];
	v6 =	vmul.f32 v13, v6  }
0x73: {  	v13 =	vld [tilespmem:s16+$0xFFFFFFE0];
	v7 =	vmul.f32 v14, v7  }
0x74: {  	v14 =	vld [tilespmem:s16+$0xFFFFFFF0];
	v8 =	vmul.f32 v10, v8  }
0x75: {  	v10 =	vld [tilespmem:s16+$0x0];
	v3 =	vmul.f32 v11, v3  }
0x76: {  	v11 =	vld [tilespmem:s16+$0x10]  }
0x77: {  	v16 =	vld [tilespmem:s16+$0x20]  }
0x78: {  	[tilespmem:v2+s13+$0x0] =	vst.idx.add.f32.msk $0xffff, v1;
	v1 =	vmov v3  }
0x79: {  	[tilespmem:v15+s13+$0x0] =	vst.idx.add.f32.msk $0xffff, v9  }
.Ltmp1:
0x7a: {  	[tilespmem:v12+s13+$0x0] =	vst.idx.add.f32.msk $0xffff, v4;
	(pc) =	sbr.rel @p0 .LBB2_4-.Ltmp1, $4  }
0x7b: {  	[tilespmem:v13+s13+$0x0] =	vst.idx.add.f32.msk $0xffff, v5  }
0x7c: {  	[tilespmem:v14+s13+$0x0] =	vst.idx.add.f32.msk $0xffff, v6;
	v2 =	vmov v16  }
0x7d: {  	[tilespmem:v10+s13+$0x0] =	vst.idx.add.f32.msk $0xffff, v7  }
0x7e: {  	s19 =	sadd.s32 $0x80, s19;
	[tilespmem:v11+s13+$0x0] =	vst.idx.add.f32.msk $0xffff, v8  }
0x7f: {  	_ =	sdelay $0x3  }
0x80: {  	[tilespmem:v2+s13+$0x0] =	vst.idx.add.f32.msk $0xffff, v1  }
0x81: {  	v1 =	vld [tilespmem:$0x1380];
	_ =	sdelay $0x5  }
0x82: {  	v2 =	vld [tilespmem:$0x2780]  }
0x83: {  	v3 =	vld [tilespmem:$0x3B80]  }
0x84: {  	v1 =	vld.idx.msk [tilespmem:v1+s11+$0x0], $0xffff;
	_ =	sdelay $0x4  }
0x85: {  	s15 =	sadd.s32 $0x1, s15;
	v1 =	vmul.f32 v3, v1  }
0x86: {  	p0 =	sne.s32 s15, s8  }
.Ltmp2:
0x87: {  	[tilespmem:v2+s13+$0x0] =	vst.idx.add.f32.msk $0xffff, v1;
	(pc) =	sbr.rel @p0 .LBB2_1-.Ltmp2, $4  }
0x88: {  	[hbm4b:s7+s3] =	stream.linear.scatter [tilespmem:s13], [sflag:$0x2], $0x2710, $0x38;
	[tilespmem:$0x8B00] =	vst v63  }
0x89: {  	_ =	swait.ge [sflag:s14], $0x2710  }
0x8a: {  	[sflag:s14] =	ssyncset.done $0x0  }
0x8b: {  	[sflag:s14] =	ssyncadd.s32 $0xFFFFD8F0  }
0x8c: {  	_ =	sfence.sel $0x180000  }
0x8d: {  	[bflag:$0x0] =	sbarrier.arrive $0xFFFF  }
0x8e: {  	p0 =	sne.s32 s0, $0x0;
	_ =	strace $0x9000004D  }
0x8f: {  	s0 =	sadd.s32 @!p0 $0x100000, s1;
	[bflag:$0x2] =	sbarrier.arrive $0xFFFF  }
0x90: {  	[sflag:s0] =	ssyncadd.tile.s32 @!p0 $0x1;
	_ =	shalt  }
.Lfunc_end2:
_tile_overlayer_lowered:
.L_overlay_start_2:
0x91: {  	(tag) =	ssettag $0x2  }
0x92: {  	s0 =	rddreg [dreg:$0x0];
	s2 =	stileid.u32  }
0x93: {  	s1 =	rddreg [dreg:$0x1];
	p0 =	sne.s32 s2, $0x0  }
0x94: {  	s3 =	rddreg [dreg:$0x2];
	[bflag:$0x3] =	sbarrier.arrive $0xFFFF;
	s2 =	simm.s32 @!p0 $0x1C02  }
0x95: {  	[timem:s3], [sflag:s2] =	dma.local @!p0 [hbm:s0], s1  }
0x96: {  	s0 =	simm.s32 @!p0 $0x2  }
0x97: {  	_ =	swait.ge @!p0 [sflag:s0], s1  }
0x98: {  	s1 =	ssub.s32 @!p0 $0x0, s1;
	[sflag:s0] =	ssyncset.done @!p0 $0x0  }
0x99: {  	[sflag:s0] =	ssyncadd.s32 @!p0 s1  }
0x9a: {  	[bflag:$0x3] =	sbarrier.arrive $0xFFFF  }
0x9b: {  	_ =	shalt  }

// kernel: kernel.7.cloned.1.call-start
scs
__scs_entry_jumppad:
0x0: {  	(pc) =	sbr.rel $0x88, $3  }
0x1: {  	(tag) =	ssettag $0x0;
	lr =	simm.s32 $0x1  }
0x2: {  	[smem:$0x3F97] =	sst lr;
	_ =	strace $0xD0000000  }
0x3: {  	_ = 	snop  }
0x4: {  	_ = 	snop  }
0x5: {  	_ = 	snop  }
0x6: {  	_ = 	snop  }
0x7: {  	_ = 	snop  }
__scs_overlays_trampoline_lowered:
0x8: {  	[smem:$0x3FA6] =	sst s0  }
0x9: {  	[smem:$0x3FA7] =	sst s1  }
0xa: {  	[smem:$0x3FA8] =	sst s2  }
0xb: {  	[smem:$0x3FA9] =	sst s3  }
0xc: {  	[smem:$0x3FAA] =	sst s4  }
0xd: {  	[smem:$0x3FAB] =	sst s5  }
0xe: {  	[smem:$0x3FAC] =	sst s6  }
0xf: {  	[smem:$0x3FAD] =	sst s7  }
0x10: {  	[smem:$0x3FAE] =	sst s8  }
0x11: {  	[smem:$0x3FAF] =	sst s9;
	s0 =	simm.s32 @!p0 $0x0  }
0x12: {  	s1 =	sld [smem:$0x3F95];
	s0 =	simm.s32 @p0 $0x1  }
0x13: {  	[smem:$0x3FB0] =	sst s0;
	s0 =	simm.s32 @!p1 $0x0  }
0x14: {  	s2 =	sld [smem:$0x3F94];
	s0 =	simm.s32 @p1 $0x1  }
0x15: {  	[smem:$0x3FB1] =	sst s0;
	s0 =	simm.s32 @!p2 $0x0  }
0x16: {  	s3 =	sld [smem:$0x3FDB];
	s0 =	simm.s32 @p2 $0x1  }
0x17: {  	s4 =	simm.s32 $0x1BF5;
	[smem:$0x3FB3] =	sst s0  }
0x18: {  	s0 =	sld [smem:$0x3F96];
	_ =	swait.ge [sflag:s4], $0x0  }
0x19: {  	s7 =	sld [smem:$0x3F97]  }
0x1a: {  	s8 =	sadd.s32 $0xFFFFE003, lr  }
0x1b: {  	s9 =	sadd.s32 $0xFFFFFEF7, lr;
	s5 =	simm.s32 $0xFFFFFFFF;
	p2 =	slt.u32 s8, $0xFFFFF086  }
0x1c: {  	p1 =	slt.u32 s9, $0xF7A;
	s5 =	simm.s32 @!p2 $0x0  }
0x1d: {  	s5 =	simm.s32 @p1 $0x1;
	p0 =	seq.s32 s7, s2  }
0x1e: {  	s7 =	smul.u32 @!p0 $0xF7A, s2;
	p2 =	seq.s32 @!p0 s5, $0x0  }
0x1f: {  	s9 =	smul.u32 $0xF7A, s1;
	s8 =	simm.s32 @!p0 $0x1BF5;
	p2 =	por !p2, p0  }
0x20: {  	[sflag:s8] =	ssyncset.s32 @!p0 $0xFFFFF086;
	s6 =	sadd.s32 @!p0 s3, s7;
	s7 =	simm.s32 @!p0 $0x108  }
0x21: {  	s3 =	sadd.s32 s3, s9;
	s6 =	sadd.s32 @!p0 $0x88, s6;
	s7 =	simm.s32 @p2 $0x1082  }
0x22: {  	[simem:s7], [sflag:s8] =	dma.local @!p0 [hbm:s6], $0xF7A  }
0x23: {  	s9 =	sor.u32 $0xD0000000, s2;
	s6 =	simm.s32 $0x108;
	_ =	swait.ge @!p0 [sflag:s8], $0x0  }
0x24: {  	s3 =	sadd.s32 $0x88, s3;
	s6 =	simm.s32 @!p1 $0x1082;
	[sflag:s4] =	ssyncset.s32 $0xFFFFF086  }
0x25: {  	[simem:s6], [sflag:s4] =	dma.local [hbm:s3], $0xF7A  }
0x26: {  	[smem:$0x3F97] =	sst s1;
	(tag) =	ssettag s2;
	_ =	strace s9  }
0x27: {  	s1 =	sld [smem:$0x3FA7]  }
0x28: {  	s2 =	sld [smem:$0x3FA8]  }
0x29: {  	s4 =	sld [smem:$0x3FAA]  }
0x2a: {  	p0 =	seq.s32 s5, $0x0;
	s5 =	sld [smem:$0x3FAB]  }
0x2b: {  	s6 =	sld [smem:$0x3FAC]  }
0x2c: {  	s7 =	sld [smem:$0x3FAD]  }
0x2d: {  	s3 =	simm.s32 $0x108;
	s8 =	sld [smem:$0x3FAE]  }
0x2e: {  	s3 =	simm.s32 @!p0 $0x1082;
	s9 =	sld [smem:$0x3FAF]  }
0x2f: {  	lr =	sadd.s32 s0, s3;
	s0 =	sld [smem:$0x3FA6]  }
0x30: {  	s3 =	sld [smem:$0x3FA9]  }
0x31: {  	[smem:$0x3FB2] =	sst s10  }
0x32: {  	s10 =	sld [smem:$0x3FB0];
	_ =	sdelay $0x3  }
0x33: {  	p0 =	seq.s32 s10, $0x1;
	s10 =	sld [smem:$0x3FB2];
	_ =	sdelay $0x3  }
0x34: {  	[smem:$0x3FB2] =	sst s10  }
0x35: {  	s10 =	sld [smem:$0x3FB1];
	_ =	sdelay $0x3  }
0x36: {  	p1 =	seq.s32 s10, $0x1;
	s10 =	sld [smem:$0x3FB2];
	_ =	sdelay $0x3  }
0x37: {  	[smem:$0x3FB2] =	sst s10  }
0x38: {  	s10 =	sld [smem:$0x3FB3]  }
0x39: {  	_ = 	snop;
	(pc) =	sbr.ind lr, $3  }
0x3a: {  	_ = 	snop  }
0x3b: {  	_ = 	snop  }
0x3c: {  	p2 =	seq.s32 s10, $0x1;
	s10 =	sld [smem:$0x3FB2]  }
0x3d: {  	_ =	shalt  }
0x3e: {  	_ =	shalt  }
0x3f: {  	_ =	shalt  }
0x40: {  	_ =	shalt  }
0x41: {  	_ =	shalt  }
0x42: {  	_ =	shalt  }
0x43: {  	_ =	shalt  }
0x44: {  	_ =	shalt  }
0x45: {  	_ =	shalt  }
0x46: {  	_ =	shalt  }
0x47: {  	_ =	shalt  }
0x48: {  	_ =	shalt  }
0x49: {  	_ =	shalt  }
0x4a: {  	_ =	shalt  }
0x4b: {  	_ =	shalt  }
0x4c: {  	_ =	shalt  }
0x4d: {  	_ =	shalt  }
0x4e: {  	_ =	shalt  }
0x4f: {  	_ =	shalt  }
0x50: {  	_ =	shalt  }
0x51: {  	_ =	shalt  }
0x52: {  	_ =	shalt  }
0x53: {  	_ =	shalt  }
0x54: {  	_ =	shalt  }
0x55: {  	_ =	shalt  }
0x56: {  	_ =	shalt  }
0x57: {  	_ =	shalt  }
0x58: {  	_ =	shalt  }
0x59: {  	_ =	shalt  }
0x5a: {  	_ =	shalt  }
0x5b: {  	_ =	shalt  }
0x5c: {  	_ =	shalt  }
0x5d: {  	_ =	shalt  }
0x5e: {  	_ =	shalt  }
0x5f: {  	_ =	shalt  }
0x60: {  	_ =	shalt  }
0x61: {  	_ =	shalt  }
0x62: {  	_ =	shalt  }
0x63: {  	_ =	shalt  }
0x64: {  	_ =	shalt  }
0x65: {  	_ =	shalt  }
0x66: {  	_ =	shalt  }
0x67: {  	_ =	shalt  }
0x68: {  	_ =	shalt  }
0x69: {  	_ =	shalt  }
0x6a: {  	_ =	shalt  }
0x6b: {  	_ =	shalt  }
0x6c: {  	_ =	shalt  }
0x6d: {  	_ =	shalt  }
0x6e: {  	_ =	shalt  }
0x6f: {  	_ =	shalt  }
0x70: {  	_ =	shalt  }
0x71: {  	_ =	shalt  }
0x72: {  	_ =	shalt  }
0x73: {  	_ =	shalt  }
0x74: {  	_ =	shalt  }
0x75: {  	_ =	shalt  }
0x76: {  	_ =	shalt  }
0x77: {  	_ =	shalt  }
0x78: {  	_ =	shalt  }
0x79: {  	_ =	shalt  }
0x7a: {  	_ =	shalt  }
0x7b: {  	_ =	shalt  }
0x7c: {  	_ =	shalt  }
0x7d: {  	_ =	shalt  }
0x7e: {  	_ =	shalt  }
0x7f: {  	_ =	shalt  }
0x80: {  	_ =	shalt  }
0x81: {  	_ =	shalt  }
0x82: {  	_ =	shalt  }
0x83: {  	_ =	shalt  }
0x84: {  	_ =	shalt  }
0x85: {  	_ =	shalt  }
0x86: {  	_ =	shalt  }
0x87: {  	_ =	shalt  }
.Lfunc_end0:
.L_simem_size_0:
called_computation_lowered:
.L_overlay_start_0:
0x88: {  	s2 =	sld [smem:$0x3FD9]  }
0x89: {  	s3 =	sld [smem:$0x3FFE];
	_ =	sdelay $0x1  }
0x8a: {  	s1 =	srdreg.scid  }
0x8b: {  	s0 =	sand.u32 $0x1, s1  }
0x8c: {  	s16 =	sshll.u32 s0, $0xA;
	s2 =	sadd.s32 s3, s2  }
0x8d: {  	s2 =	sadd.s32 s2, s16  }
0x8e: {  	[smem:$0x3FBE] =	sst s2  }
0x8f: {  	_ = 	snop  }
0x90: {  	(tm) =	ssettm $0x1  }
0x91: {  	s17 =	sld [smem:$0x3FFB];
	_ =	sdelay $0x3  }
0x92: {  	_ =	strace s17  }
0x93: {  	s2 =	sld [smem:$0x3FFC];
	_ =	sdelay $0x3  }
0x94: {  	_ =	strace s2  }
0x95: {  	s2 =	sld [smem:$0x3FFD];
	_ =	sdelay $0x3  }
0x96: {  	_ =	strace s2  }
0x97: {  	_ =	strace $0x8FFFFFFF  }
0x98: {  	s18 =	sld [smem:$0x3FDB];
	_ =	sdelay $0x1  }
0x99: {  	s19 =	simm.s32 $_scs_section_size  }
0x9a: {  	s4 =	simm.s32 $_size__tile_overlayer_lowered;
	s5 =	simm.s32 $_tile_overlayer_lowered  }
0x9b: {  	s22 =	simm.s32 $0x1BFF;
	s21 =	sshll.u32 s5, $0x1;
	s2 =	sadd.s32 s19, s18  }
0x9c: {  	s6 =	simm.s32 $0x0;
	s20 =	sshll.u32 s4, $0x1;
	s4 =	sadd.s32 s21, s2  }
0x9d: {  	[timem:s6], [sflag:s22] =	dma.local [hbm:s4], s20  }
0x9e: {  	_ =	swait.ge [sflag:s22], s20  }
0x9f: {  	s3 =	ssub.s32 $0x0, s20;
	[sflag:s22] =	ssyncset.done $0x0  }
0xa0: {  	[sflag:s22] =	ssyncadd.s32 s3;
	_ =	sdelay $0x1  }
0xa1: {  	s23 =	simm.s32 $0x1B8B  }
0xa2: {  	_ =	swait.ge [sflag:s23], $0x1  }
0xa3: {  	[sflag:s23] =	ssyncset.done $0x0  }
0xa4: {  	s25 =	simm.s32 $0x1B8E;
	s24 =	sld [smem:$0x3FFE];
	[sflag:s23] =	ssyncadd.s32 $0xFFFFFFFF  }
0xa5: {  	s26 =	simm.s32 $execute0_lowered;
	[smem:$0x3FD2] =	sst s25  }
0xa6: {  	s4 =	sshll.u32 s26, $0x1;
	_ =	strace $0x80000046;
	[dreg:$0x1] =	wrdreg $0xFFFFFFFF  }
0xa7: {  	s28 =	simm.s32 $_size_execute0_lowered;
	s2 =	sadd.s32 s2, s4;
	[dreg:$0x0] =	wrdreg $0x0  }
0xa8: {  	s4 =	sshll.u32 s28, $0x1;
	[dreg:$0x2] =	wrdreg s2  }
0xa9: {  	[dreg:$0x3] =	wrdreg s4  }
0xaa: {  	[dreg:$0x4] =	wrdreg $0xC0  }
0xab: {  	_ =	task [dreg:s6], $0x5FFFF  }
0xac: {  	[dreg:$0x1] =	wrdreg $0xFFFFFFFF  }
0xad: {  	[dreg:$0x0] =	wrdreg $0x60  }
0xae: {  	[dreg:$0x2] =	wrdreg s24  }
0xaf: {  	[dreg:$0x3] =	wrdreg $0x9  }
0xb0: {  	_ =	task.clear_ibuf [dreg:s6], $0x4FFFF;
	_ =	strace $0x90000046  }
0xb1: {  	s29 =	simm.s32 $0x9;
	_ =	strace $0x80000048  }
0xb2: {  	_ =	swait.ge [sflag:s29], $0x1  }
0xb3: {  	[sflag:s29] =	ssyncadd.s32 $0xFFFFFFFF  }
0xb4: {  	_ =	strace $0x90000048  }
0xb5: {  	_ =	sfence  }
0xb6: {  	s30 =	sld [smem:$0x0];
	_ =	sdelay $0x2  }
0xb7: {  	s31 =	sshll.u32 s1, $0xD;
	s1 =	sshrl.u32 s1, $0x2  }
0xb8: {  	s3 =	sand.u32 $0x4000, s31;
	s1 =	sadd.s32 s1, s30  }
0xb9: {  	s0 =	sor.u32 s3, s0;
	s1 =	sshll.u32 s1, $0x11  }
0xba: {  	s0 =	sor.u32 s1, s0  }
0xbb: {  	s0 =	sadd.s32 $0x8F2B, s0  }
0xbc: {  	[sflag:s0] =	ssyncadd.remote.s32 $0x1  }
0xbd: {  	_ =	sfence.sel $0xFFFF  }
0xbe: {  	[dreg:$0x0] =	wrdreg $0xFFFFFFFF;
	(pc) =	sbr.abs _section_cstart, $3  }
0xbf: {  	[dreg:$0x1] =	wrdreg $0xFFFFFFFF  }
0xc0: {  	_ =	task.clear_ibuf [dreg:s6], $0x2FFFF;
	_ =	strace $0x9FFFFFFF  }
0xc1: {  	(tm) =	ssettm $0x7FFFFFFF  }
tec
execute0_lowered:
.L_overlay_start_1:
0x0: {  	(tag) =	ssettag $0x1  }
0x1: {  	s1 =	srdreg.scid  }
0x2: {  	s0 =	stileid.u32;
	s4 =	rddreg [dreg:$0x0]  }
0x3: {  	s2 =	simm.s32 $0x0;
	s8 =	simm.s32 $0x1;
	s9 =	simm.s32 $0x2  }
0x4: {  	s10 =	simm.s32 $0x2800;
	s3 =	sand.u32 $0x1, s1;
	s31 =	sshll.u32 s0, $0x1  }
0x5: {  	s11 =	simm.s32 $0x3;
	s12 =	simm.s32 $0x0;
	s5 =	sor.u32 s3, s31  }
0x6: {  	s1 =	rddreg [dreg:$0x1];
	s3 =	ssub.s32 $0x2, s3;
	s6 =	smul.u32 $0x272, s5  }
0x7: {  	[smem:$0x7FF] =	sst s2;
	s5 =	smul.u32 $0x500, s5;
	s7 =	sshrl.u32 s3, $0x1  }
0x8: {  	_ =	strace $0x80000047;
	s7 =	ssub.s32 s3, s7;
	s6 =	sadd.s32 s6, s4  }
0x9: {  	s5 =	sadd.s32 s5, s4;
	s3 =	sadd.s32 $0x1E00, s6;
	s4 =	sadd.s32 $0x6E00, s6  }
0xa: {  	v0 =	vimm.f32 $0.0e+00;
	s5 =	sadd.s32 $0xBE00, s5;
	s6 =	smax.u32 s7, $0x1;
	s7 =	simm.s32 $0x1400  }
.LBB2_1:
0xb: {  	[tilespmem:s2], [sflag:$0x1] =	stream.linear.gather [hbm4b:s3+s2], $0x1390, $0x38;
	[tilespmem:$0x5000] =	vst v63  }
0xc: {  	s13 =	simm.s32 $0x2840  }
0xd: {  	[tilespmem:s7], [sflag:$0x2] =	stream.linear.gather [hbm4b:s4+s2], $0x1390, $0x38;
	[tilespmem:$0x5000] =	vst v63  }
0xe: {  	[tilespmem:s13+$0xFFFFFFC0] =	vst v0  }
0xf: {  	[tilespmem:s13+$0x30] =	vst v0  }
0x10: {  	[tilespmem:s13+$0x20] =	vst v0  }
0x11: {  	[tilespmem:s13+$0x10] =	vst v0  }
0x12: {  	[tilespmem:s13+$0x0] =	vst v0  }
0x13: {  	[tilespmem:s13+$0xFFFFFFF0] =	vst v0  }
0x14: {  	s14 =	simm.s32 $0x0;
	[tilespmem:s13+$0xFFFFFFE0] =	vst v0  }
.LBB2_2:
0x15: {  	s14 =	sadd.s32 $0x8, s14;
	[tilespmem:s13+$0xFFFFFFD0] =	vst v0;
	s13 =	sadd.s32 $0x80, s13  }
0x16: {  	[tilespmem:s13+$0xFFFFFFC0] =	vst v0;
	p0 =	slt.u32 s14, $0x278  }
0x17: {  	[tilespmem:s13+$0x30] =	vst v0  }
.Ltmp0:
0x18: {  	[tilespmem:s13+$0x20] =	vst v0;
	(pc) =	sbr.rel @p0 .LBB2_2-.Ltmp0, $4  }
0x19: {  	[tilespmem:s13+$0x10] =	vst v0  }
0x1a: {  	[tilespmem:s13+$0x0] =	vst v0  }
0x1b: {  	[tilespmem:s13+$0xFFFFFFF0] =	vst v0  }
0x1c: {  	[tilespmem:s13+$0xFFFFFFE0] =	vst v0  }
0x1d: {  	[tilespmem:s13+$0xFFFFFFD0] =	vst v0  }
0x1e: {  	_ =	swait.ge [sflag:s8], $0x1390  }
0x1f: {  	[sflag:s8] =	ssyncset.done $0x0  }
0x20: {  	[sflag:s8] =	ssyncadd.s32 $0xFFFFEC70  }
0x21: {  	_ =	swait.ge [sflag:s9], $0x1390  }
0x22: {  	[sflag:s9] =	ssyncset.done $0x0  }
0x23: {  	s14 =	simm.s32 $0x40;
	[sflag:s9] =	ssyncadd.s32 $0xFFFFEC70  }
0x24: {  	v1 =	vld [tilespmem:s14+$0x30]  }
0x25: {  	v2 =	vld [tilespmem:s14+$0xFFFFFFD0]  }
0x26: {  	s13 =	simm.s32 $0x1440;
	v3 =	vld [tilespmem:s14+$0xFFFFFFE0]  }
0x27: {  	v4 =	vld [tilespmem:s13+$0x30]  }
0x28: {  	v5 =	vld [tilespmem:s14+$0xFFFFFFF0]  }
0x29: {  	v6 =	vld [tilespmem:s14+$0x0]  }
0x2a: {  	v7 =	vld [tilespmem:s14+$0x10]  }
0x2b: {  	v8 =	vld [tilespmem:s14+$0x20]  }
0x2c: {  	v63 =	vld [tilespmem:s13+$0xFFFFFFC0]  }
0x2d: {  	v9 =	vld [tilespmem:s13+$0xFFFFFFD0]  }
0x2e: {  	v10 =	vld [tilespmem:s13+$0xFFFFFFE0]  }
0x2f: {  	v11 =	vld [tilespmem:s13+$0xFFFFFFF0]  }
0x30: {  	v12 =	vld [tilespmem:s13+$0x0]  }
0x31: {  	v13 =	vld [tilespmem:s13+$0x10]  }
0x32: {  	[tilespmem:v1+s10+$0x0] =	vst.idx.add.f32.msk $0xffff, v4  }
0x33: {  	v1 =	vld [tilespmem:s14+$0xFFFFFFC0]  }
0x34: {  	v14 =	vld [tilespmem:s13+$0x20]  }
0x35: {  	[tilespmem:v2+s10+$0x0] =	vst.idx.add.f32.msk $0xffff, v9  }
0x36: {  	[tilespmem:v3+s10+$0x0] =	vst.idx.add.f32.msk $0xffff, v10  }
0x37: {  	[tilespmem:v5+s10+$0x0] =	vst.idx.add.f32.msk $0xffff, v11  }
0x38: {  	[tilespmem:v6+s10+$0x0] =	vst.idx.add.f32.msk $0xffff, v12  }
0x39: {  	[tilespmem:v7+s10+$0x0] =	vst.idx.add.f32.msk $0xffff, v13  }
0x3a: {  	[tilespmem:v8+s10+$0x0] =	vst.idx.add.f32.msk $0xffff, v14  }
0x3b: {  	s15 =	simm.s32 $0xC0;
	s14 =	simm.s32 $0x0;
	[tilespmem:v1+s10+$0x0] =	vst.idx.add.f32.msk $0xffff, v63  }
.LBB2_4:
0x3c: {  	v1 =	vld [tilespmem:s15+$0x30];
	s14 =	sadd.s32 $0x8, s14  }
0x3d: {  	v2 =	vld [tilespmem:s15+$0xFFFFFFD0];
	p0 =	slt.u32 s14, $0x130  }
0x3e: {  	s13 =	sadd.s32 $0x80, s13;
	v3 =	vld [tilespmem:s15+$0xFFFFFFE0]  }
0x3f: {  	v4 =	vld [tilespmem:s13+$0x30]  }
0x40: {  	v5 =	vld [tilespmem:s15+$0xFFFFFFF0]  }
0x41: {  	v6 =	vld [tilespmem:s15+$0x0]  }
0x42: {  	v7 =	vld [tilespmem:s15+$0x10]  }
0x43: {  	v8 =	vld [tilespmem:s15+$0x20]  }
0x44: {  	[tilespmem:v1+s10+$0x0] =	vst.idx.add.f32.msk $0xffff, v4  }
0x45: {  	v1 =	vld [tilespmem:s15+$0xFFFFFFC0]  }
0x46: {  	v4 =	vld [tilespmem:s13+$0xFFFFFFC0]  }
0x47: {  	v9 =	vld [tilespmem:s13+$0xFFFFFFD0]  }
0x48: {  	v10 =	vld [tilespmem:s13+$0xFFFFFFE0]  }
0x49: {  	v11 =	vld [tilespmem:s13+$0xFFFFFFF0]  }
0x4a: {  	v12 =	vld [tilespmem:s13+$0x0]  }
0x4b: {  	v13 =	vld [tilespmem:s13+$0x10]  }
0x4c: {  	v14 =	vld [tilespmem:s13+$0x20]  }
0x4d: {  	[tilespmem:v1+s10+$0x0] =	vst.idx.add.f32.msk $0xffff, v4  }
0x4e: {  	[tilespmem:v2+s10+$0x0] =	vst.idx.add.f32.msk $0xffff, v9  }
.Ltmp1:
0x4f: {  	[tilespmem:v3+s10+$0x0] =	vst.idx.add.f32.msk $0xffff, v10;
	(pc) =	sbr.rel @p0 .LBB2_4-.Ltmp1, $4  }
0x50: {  	[tilespmem:v5+s10+$0x0] =	vst.idx.add.f32.msk $0xffff, v11  }
0x51: {  	[tilespmem:v6+s10+$0x0] =	vst.idx.add.f32.msk $0xffff, v12  }
0x52: {  	[tilespmem:v7+s10+$0x0] =	vst.idx.add.f32.msk $0xffff, v13  }
0x53: {  	s15 =	sadd.s32 $0x80, s15;
	[tilespmem:v8+s10+$0x0] =	vst.idx.add.f32.msk $0xffff, v14  }
0x54: {  	v1 =	vld [tilespmem:$0x1380];
	_ =	sdelay $0x2  }
0x55: {  	v2 =	vld [tilespmem:$0x2780];
	_ =	sdelay $0x2  }
0x56: {  	s12 =	sadd.s32 $0x1, s12  }
0x57: {  	p0 =	sne.s32 s12, s6  }
.Ltmp2:
0x58: {  	[tilespmem:v1+s10+$0x0] =	vst.idx.add.f32.msk $0xffff, v2;
	(pc) =	sbr.rel @p0 .LBB2_1-.Ltmp2, $4  }
0x59: {  	[hbm4b:s5+s2] =	stream.linear.scatter [tilespmem:s10], [sflag:$0x3], $0x2800, $0x38;
	[tilespmem:$0x5000] =	vst v63  }
0x5a: {  	_ =	swait.ge [sflag:s11], $0x2800  }
0x5b: {  	[sflag:s11] =	ssyncset.done $0x0  }
0x5c: {  	[sflag:s11] =	ssyncadd.s32 $0xFFFFD800  }
0x5d: {  	_ =	sfence.sel $0x180000  }
0x5e: {  	[bflag:$0x0] =	sbarrier.arrive $0xFFFF  }
0x5f: {  	p0 =	sne.s32 s0, $0x0;
	_ =	strace $0x90000047  }
0x60: {  	s0 =	sadd.s32 @!p0 $0x100000, s1;
	[bflag:$0x2] =	sbarrier.arrive $0xFFFF  }
0x61: {  	[sflag:s0] =	ssyncadd.tile.s32 @!p0 $0x1;
	_ =	shalt  }
.Lfunc_end2:
_tile_overlayer_lowered:
.L_overlay_start_2:
0x62: {  	(tag) =	ssettag $0x2  }
0x63: {  	s0 =	rddreg [dreg:$0x0];
	s2 =	stileid.u32  }
0x64: {  	s1 =	rddreg [dreg:$0x1];
	p0 =	sne.s32 s2, $0x0  }
0x65: {  	s3 =	rddreg [dreg:$0x2];
	[bflag:$0x3] =	sbarrier.arrive $0xFFFF;
	s2 =	simm.s32 @!p0 $0x1C03  }
0x66: {  	[timem:s3], [sflag:s2] =	dma.local @!p0 [hbm:s0], s1  }
0x67: {  	s0 =	simm.s32 @!p0 $0x3  }
0x68: {  	_ =	swait.ge @!p0 [sflag:s0], s1  }
0x69: {  	s1 =	ssub.s32 @!p0 $0x0, s1;
	[sflag:s0] =	ssyncset.done @!p0 $0x0  }
0x6a: {  	[sflag:s0] =	ssyncadd.s32 @!p0 s1  }
0x6b: {  	[bflag:$0x3] =	sbarrier.arrive $0xFFFF  }
0x6c: {  	_ =	shalt  }

</sc_bundles>
